<compile_context>
chip_gen: v7x
topology: tpu7x:2x2x1
jax: 0.10.2.dev20260603
libtpu: 0.0.44.dev20260713+nightly
codegen_flags: <defaults>
</compile_context>

<pallas_src>
import functools

import jax
import jax.numpy as jnp
from jax import lax
from jax.experimental import pallas as pl
from jax.experimental.pallas import tpu as pltpu
from jax.experimental.pallas import tpu_sc as plsc

BATCH = 4096
F = 26
E = 16
A = 16
VOCAB = 1000000
P = F * (F - 1) // 2
S = (P + 15) // 16
P_PAD = S * 16

NC, NS = 2, 16
NW = NC * NS

TCOLS = 7813
EMB_WORDS = 2 * TCOLS * 8 * 128
FOW_WORDS = TCOLS * 8 * 128

EROWS = F * E
GROWS = 448
BBLK = 128
NBLK = BATCH // BBLK

SPLIT = 4
BH = BATCH // SPLIT
NBLK_H = BH // BBLK
LBLK = BH // NW
BPW = BBLK // LBLK


def _sc_body(idx_hbm, emb_flat, fow_flat, out, idx_v, gat_v, sem_e, sem_f):
    wid = lax.axis_index("s") * NC + lax.axis_index("c")
    blk = wid // BPW
    off = (wid % BPW) * LBLK
    pltpu.sync_copy(idx_hbm.at[blk, :, pl.ds(off, LBLK)], idx_v)

    def fire_emb(k, carry):
        pltpu.async_copy(emb_flat.at[idx_v.at[k]], gat_v.at[k], sem_e)
        return carry

    lax.fori_loop(0, EROWS, fire_emb, 0)

    def fire_fow(k, carry):
        pltpu.async_copy(fow_flat.at[idx_v.at[EROWS + k]], gat_v.at[EROWS + k],
                         sem_f)
        return carry

    lax.fori_loop(0, F, fire_fow, 0)

    def drain_emb(k, carry):
        pltpu.make_async_copy(emb_flat.at[idx_v.at[0]], gat_v.at[0],
                              sem_e).wait()
        return carry

    lax.fori_loop(0, EROWS, drain_emb, 0)

    def drain_fow(k, carry):
        pltpu.make_async_copy(fow_flat.at[idx_v.at[0]], gat_v.at[0],
                              sem_f).wait()
        return carry

    lax.fori_loop(0, F, drain_fow, 0)

    pltpu.sync_copy(gat_v, out.at[blk, :, pl.ds(off, LBLK)])


@functools.cache
def _sc_gather_fn():
    mesh = plsc.VectorSubcoreMesh(
        core_axis_name="c", subcore_axis_name="s",
        num_cores=NC, num_subcores=NS)
    return pl.kernel(
        _sc_body,
        out_type=jax.ShapeDtypeStruct((NBLK_H, GROWS, BBLK), jnp.float32),
        mesh=mesh,
        scratch_types=[
            pltpu.VMEM((GROWS, LBLK), jnp.int32),
            pltpu.VMEM((GROWS, LBLK), jnp.float32),
            pltpu.SemaphoreType.DMA,
            pltpu.SemaphoreType.DMA,
        ],
        compiler_params=pltpu.CompilerParams(use_tc_tiling_on_sc=False),
    )


def _tc_body(gat_ref, fvT_ref, bd_ref, bb_ref, hbd_ref,
             pp_ref, bias_ref, out_ref, bi_ref, log_ref):
    fv = fvT_ref[...]
    g = gat_ref[0]
    emb = g[0:EROWS].reshape(F, E, BBLK)
    fow = g[EROWS:EROWS + F]
    ev = emb * fv[:, None, :]

    off = 0
    for i in range(F - 1):
        n = F - 1 - i
        bi_ref[off:off + n] = ev[i + 1:F] * ev[i:i + 1]
        off += n
    bi_ref[P:P_PAD] = jnp.zeros((P_PAD - P, E, BBLK), jnp.float32)

    bd = bd_ref[...]
    bb = bb_ref[...]
    hbd = hbd_ref[...]
    for s in range(S):
        bi_s = bi_ref[s * 16:(s + 1) * 16].reshape(16 * E, BBLK)
        att = jnp.maximum(
            jnp.dot(bd, bi_s, preferred_element_type=jnp.float32) + bb, 0.0)
        log_ref[s * 16:(s + 1) * 16] = jnp.dot(
            hbd, att, preferred_element_type=jnp.float32)
    log_ref[P:P_PAD] = jnp.full((P_PAD - P, BBLK), -1e30, jnp.float32)

    logits = log_ref[...]
    m = jnp.max(logits, axis=0, keepdims=True)
    ex = jnp.exp(logits - m)
    z = jnp.sum(ex, axis=0, keepdims=True)
    score = ex / z

    aw = jnp.sum(score[:, None, :] * bi_ref[...], axis=0)
    awp = jnp.sum(aw * pp_ref[...], axis=0, keepdims=True)
    y1 = jnp.sum(fow * fv, axis=0, keepdims=True)
    y = bias_ref[...] + y1 + awp
    out_ref[...] = (1.0 / (1.0 + jnp.exp(-y)))[None]


def _tc_forward(gat, fvT, bd, bb, hbd, pp, bias_r):
    return pl.pallas_call(
        _tc_body,
        grid=(NBLK_H,),
        in_specs=[
            pl.BlockSpec((1, GROWS, BBLK), lambda i: (i, 0, 0)),
            pl.BlockSpec((F, BBLK), lambda i: (0, i)),
            pl.BlockSpec((16 * A, 16 * E), lambda i: (0, 0)),
            pl.BlockSpec((16 * A, 1), lambda i: (0, 0)),
            pl.BlockSpec((16, 16 * A), lambda i: (0, 0)),
            pl.BlockSpec((E, 1), lambda i: (0, 0)),
            pl.BlockSpec((1, 1), lambda i: (0, 0)),
        ],
        out_specs=pl.BlockSpec((1, 1, BBLK), lambda i: (i, 0, 0)),
        out_shape=jax.ShapeDtypeStruct((NBLK_H, 1, BBLK), jnp.float32),
        scratch_shapes=[
            pltpu.VMEM((P_PAD, E, BBLK), jnp.float32),
            pltpu.VMEM((P_PAD, BBLK), jnp.float32),
        ],
    )(gat, fvT, bd, bb, hbd, pp, bias_r)


def kernel(feat_index, feat_value, first_order_w, emb_table, bias,
           attention_w, attention_b, projection_h, projection_p):
    vT = feat_index.astype(jnp.int32).T
    v3 = vT.reshape(F, NBLK, BBLK).transpose(1, 0, 2)
    er = jnp.arange(E, dtype=jnp.int32)
    e_base = (er // 8) * (TCOLS * 1024) + (er % 8) * 128
    vhi = (v3 >> 7) * 1024 + (v3 & 127)
    emb_idx = (vhi[:, :, None, :] + e_base[None, None, :, None]
               ).reshape(NBLK, EROWS, BBLK)
    big_idx = jnp.concatenate(
        [emb_idx, vhi,
         jnp.zeros((NBLK, GROWS - EROWS - F, BBLK), jnp.int32)], axis=1)

    emb_flat = (jnp.pad(emb_table.T, ((0, 0), (0, 64)))
                .reshape(2, 8, TCOLS, 128).transpose(0, 2, 1, 3)
                .reshape(EMB_WORDS))
    fow_flat = (jnp.pad(first_order_w.T, ((0, 7), (0, 64)))
                .reshape(1, 8, TCOLS, 128).transpose(0, 2, 1, 3)
                .reshape(FOW_WORDS))

    fvT = feat_value.T
    eye = jnp.eye(16, dtype=jnp.float32)
    bd = jnp.kron(eye, attention_w.T)
    bb = jnp.tile(attention_b, 16)[:, None]
    hbd = jnp.kron(eye, projection_h[:, 0][None, :])
    bias_r = bias.reshape(1, 1)

    sc = _sc_gather_fn()
    outs = []
    for h in range(SPLIT):
        gat_h = sc(big_idx[h * NBLK_H:(h + 1) * NBLK_H], emb_flat, fow_flat)
        fvT_h = fvT[:, h * BH:(h + 1) * BH]
        outs.append(_tc_forward(gat_h, fvT_h, bd, bb, hbd,
                                projection_p, bias_r))
    return jnp.concatenate(outs, axis=0).reshape(BATCH)

# --- scband reference (transcript-rebuilt; emitter-appended) ---
"""Pipeline reference for scband-afm-51101520888212 (READ-ONLY COPY).

The authoritative reference and input builder live on the scoring server;
editing this copy changes nothing except your own understanding.
"""

import jax, jax.numpy as jnp
import numpy as np

BATCH = 4096
FIELD_SIZE = 26
EMBED = 16
ATT = 16
VOCAB = 1000000


def setup_inputs(seed: int = 0) -> dict:
    key = jax.random.key(seed)
    ks = jax.random.split(key, 9)
    feat_index = jax.random.randint(ks[0], (BATCH, FIELD_SIZE), 0, VOCAB, dtype=jnp.int64 if jax.config.jax_enable_x64 else jnp.int32)
    feat_value = jax.random.uniform(ks[1], (BATCH, FIELD_SIZE), dtype=jnp.float32)
    first_order_w = jax.random.normal(ks[2], (VOCAB, 1), dtype=jnp.float32) * 0.01
    emb_table = jax.random.normal(ks[3], (VOCAB, EMBED), dtype=jnp.float32) * 0.01
    bias = jax.random.normal(ks[4], (1,), dtype=jnp.float32)
    attention_w = jax.random.normal(ks[5], (EMBED, ATT), dtype=jnp.float32) * (1.0 / np.sqrt(EMBED))
    attention_b = jnp.zeros((ATT,), dtype=jnp.float32)
    projection_h = jax.random.normal(ks[6], (ATT, 1), dtype=jnp.float32) * 0.1
    projection_p = jax.random.normal(ks[7], (EMBED, 1), dtype=jnp.float32) * 0.1
    return {
        "feat_index": feat_index,
        "feat_value": feat_value,
        "first_order_w": first_order_w,
        "emb_table": emb_table,
        "bias": bias,
        "attention_w": attention_w,
        "attention_b": attention_b,
        "projection_h": projection_h,
        "projection_p": projection_p,
    }


def reference(feat_index, feat_value, first_order_w, emb_table, bias, attention_w, attention_b, projection_h, projection_p):
    rows, cols = np.triu_indices(FIELD_SIZE, k=1)
    fv = feat_value[:, :, None]                               # [B, F, 1]
    # first-order term
    fow = jnp.take(first_order_w, feat_index, axis=0)         # [B, F, 1]
    y_first = jnp.squeeze(jnp.sum(fow * fv, axis=1), axis=1)  # [B]
    # second-order embeddings
    emb = jnp.take(emb_table, feat_index, axis=0)             # [B, F, E]
    ev = emb * fv                                             # [B, F, E]
    # build_cross: all i<j field pairs
    p = ev[:, rows, :]                                        # [B, P, E]
    q = ev[:, cols, :]                                        # [B, P, E]
    bi = p * q                                                # [B, P, E]
    att = jax.nn.relu(jnp.tensordot(bi, attention_w, axes=([-1], [0])) + attention_b)  # [B, P, A]
    logits = jnp.tensordot(att, projection_h, axes=([-1], [0]))                        # [B, P, 1]
    score = jax.nn.softmax(logits, axis=1)                                             # [B, P, 1]
    aw = jnp.sum(score * bi, axis=1)                                                   # [B, E]
    aw = jnp.tensordot(aw, projection_p, axes=([-1], [0]))                             # [B, 1]
    y = bias + y_first + jnp.squeeze(aw, axis=-1)                                      # [B]
    return jax.nn.sigmoid(y)

if __name__ == "__main__":
    import jax
    _d = setup_inputs()
    print(jax.jit(kernel)(*tuple(_d.values())))

</pallas_src>

<mosaic_0001>
#map = affine_map<(d0, d1) -> (0, 0, 0)>
#map1 = affine_map<(d0, d1) -> (0)>
module attributes {stable_mosaic.version = 14 : i64} {
  func.func @_sc_body(%arg0: i32, %arg1: i32, %arg2: memref<8x448x128xi32, #tpu.memory_space<hbm>>, %arg3: memref<16001024xf32, #tpu.memory_space<hbm>>, %arg4: memref<8000512xf32, #tpu.memory_space<hbm>>, %arg5: memref<8x448x128xf32, #tpu.memory_space<hbm>>, %arg6: memref<448x32xi32, #tpu.memory_space<vmem>>, %arg7: memref<448x32xf32, #tpu.memory_space<vmem>>, %arg8: memref<!tpu.dma_semaphore, #tpu.memory_space<semaphore_mem>>, %arg9: memref<!tpu.dma_semaphore, #tpu.memory_space<semaphore_mem>>) attributes {dimension_semantics = [#tpu.dimension_semantics<core_parallel>, #tpu.dimension_semantics<subcore_parallel>], iteration_bounds = array<i64: 2, 16>, scalar_prefetch = 0 : i64, scratch_operands = 4 : i64, tpu.core_type = #tpu.core_type<sc_vector_subcore>, window_params = [{transform_indices = #map}, {transform_indices = #map1}, {transform_indices = #map1}, {transform_indices = #map}]} {
    %mul3A = arith.constant 2 : i32
    %mul3A_0 = arith.muli %arg1, %mul3A : i32
    %add3A = arith.addi %mul3A_0, %arg0 : i32
    %jit3A = arith.constant 4 : i32
    %div3A = arith.divsi %add3A, %jit3A : i32
    %sign3A = arith.constant 0 : i32
    %sign3A_1 = arith.cmpi sgt, %add3A, %sign3A : i32
    %sign3A_2 = arith.extui %sign3A_1 : i1 to i32
    %sign3A_3 = arith.constant 0 : i32
    %sign3A_4 = arith.cmpi slt, %add3A, %sign3A_3 : i32
    %sign3A_5 = arith.extui %sign3A_4 : i1 to i32
    %sign3A_6 = arith.subi %sign3A_2, %sign3A_5 : i32
    %sign3A_7 = arith.constant 0 : i32
    %sign3A_8 = arith.cmpi sgt, %jit3A, %sign3A_7 : i32
    %sign3A_9 = arith.extui %sign3A_8 : i1 to i32
    %sign3A_10 = arith.constant 0 : i32
    %sign3A_11 = arith.cmpi slt, %jit3A, %sign3A_10 : i32
    %sign3A_12 = arith.extui %sign3A_11 : i1 to i32
    %sign3A_13 = arith.subi %sign3A_9, %sign3A_12 : i32
    %ne3A = arith.cmpi ne, %sign3A_6, %sign3A_13 : i32
    %rem3A = arith.remsi %add3A, %jit3A : i32
    %ne3A_14 = arith.constant 0 : i32
    %ne3A_15 = arith.cmpi ne, %rem3A, %ne3A_14 : i32
    %and3A = arith.andi %ne3A, %ne3A_15 : i1
    %sub3A = arith.constant 1 : i32
    %sub3A_16 = arith.subi %div3A, %sub3A : i32
    %select_n3A = arith.select %and3A, %sub3A_16, %div3A : i32
    %jit3A_17 = arith.constant 4 : i32
    %eq3A = arith.constant 0 : i32
    %eq3A_18 = arith.cmpi eq, %jit3A_17, %eq3A : i32
    %jit3A_19 = arith.constant 1 : i32
    %select_n3A_20 = arith.select %eq3A_18, %jit3A_19, %jit3A_17 : i32
    %rem3A_21 = arith.remsi %add3A, %select_n3A_20 : i32
    %ne3A_22 = arith.constant 0 : i32
    %ne3A_23 = arith.cmpi ne, %rem3A_21, %ne3A_22 : i32
    %lt3A = arith.constant 0 : i32
    %lt3A_24 = arith.cmpi slt, %rem3A_21, %lt3A : i32
    %lt3A_25 = arith.constant 0 : i32
    %lt3A_26 = arith.cmpi slt, %select_n3A_20, %lt3A_25 : i32
    %ne3A_27 = arith.xori %lt3A_24, %lt3A_26 : i1
    %and3A_28 = arith.andi %ne3A_27, %ne3A_23 : i1
    %add3A_29 = arith.addi %rem3A_21, %select_n3A_20 : i32
    %select_n3A_30 = arith.select %and3A_28, %add3A_29, %rem3A_21 : i32
    %mul3A_31 = arith.constant 32 : i32
    %mul3A_32 = arith.muli %select_n3A_30, %mul3A_31 : i32
    "tpu.region"() ({
      %run_scoped3A = tpu.sem_alloc : memref<!tpu.dma_semaphore, #tpu.memory_space<semaphore_mem>>
      %dma_start3A = arith.constant 0 : i32
      %dma_start3A_56 = tpu.memref_slice %arg2[%select_n3A, %dma_start3A, %mul3A_32] : memref<8x448x128xi32, #tpu.memory_space<hbm>> -> memref<1x448x32xi32, #tpu.memory_space<hbm>>
      %dma_start3A_57 = tpu.memref_squeeze %dma_start3A_56 : memref<1x448x32xi32, #tpu.memory_space<hbm>> -> memref<448x32xi32, #tpu.memory_space<hbm>>
      %dma_start3A_58 = arith.constant 0 : i32
      %dma_start3A_59 = tpu.memref_slice %arg2[%select_n3A, %dma_start3A_58, %mul3A_32] : memref<8x448x128xi32, #tpu.memory_space<hbm>> -> memref<1x448x32xi32, #tpu.memory_space<hbm>>
      %dma_start3A_60 = tpu.memref_squeeze %dma_start3A_59 : memref<1x448x32xi32, #tpu.memory_space<hbm>> -> memref<448x32xi32, #tpu.memory_space<hbm>>
      tpu.enqueue_dma source(%dma_start3A_60 : memref<448x32xi32, #tpu.memory_space<hbm>>) target(%arg6 : memref<448x32xi32, #tpu.memory_space<vmem>>) target_semaphore(%run_scoped3A : memref<!tpu.dma_semaphore, #tpu.memory_space<semaphore_mem>>)
      %dma_wait3A = arith.constant 0 : i32
      %dma_wait3A_61 = tpu.memref_slice %arg2[%select_n3A, %dma_wait3A, %mul3A_32] : memref<8x448x128xi32, #tpu.memory_space<hbm>> -> memref<1x448x32xi32, #tpu.memory_space<hbm>>
      %dma_wait3A_62 = tpu.memref_squeeze %dma_wait3A_61 : memref<1x448x32xi32, #tpu.memory_space<hbm>> -> memref<448x32xi32, #tpu.memory_space<hbm>>
      %dma_wait3A_63 = arith.constant 0 : i32
      %dma_wait3A_64 = tpu.memref_slice %arg2[%select_n3A, %dma_wait3A_63, %mul3A_32] : memref<8x448x128xi32, #tpu.memory_space<hbm>> -> memref<1x448x32xi32, #tpu.memory_space<hbm>>
      %dma_wait3A_65 = tpu.memref_squeeze %dma_wait3A_64 : memref<1x448x32xi32, #tpu.memory_space<hbm>> -> memref<448x32xi32, #tpu.memory_space<hbm>>
      tpu.wait_dma2 semaphore(%run_scoped3A : memref<!tpu.dma_semaphore, #tpu.memory_space<semaphore_mem>>) src(%dma_wait3A_65 : memref<448x32xi32, #tpu.memory_space<hbm>>) dst(%arg6 : memref<448x32xi32, #tpu.memory_space<vmem>>)
      tpu.yield
    }) : () -> ()
    %scan3A = arith.constant 0 : i32
    %scan3A_33 = arith.constant 0 : i32
    %scan3A_34 = arith.constant 416 : i32
    %scan3A_35 = arith.addi %scan3A_33, %scan3A_34 : i32
    %scan3A_36 = arith.constant 1 : i32
    scf.for %scan3A_56 = %scan3A_33 to %scan3A_35 step %scan3A_36  : i32 {
      %dma_start3A = arith.constant 0 : i32
      %dma_start3A_57 = tpu.memref_slice %arg7[%scan3A_56, %dma_start3A] : memref<448x32xf32, #tpu.memory_space<vmem>> -> memref<1x32xf32, #tpu.memory_space<vmem>>
      %dma_start3A_58 = tpu.memref_squeeze %dma_start3A_57 : memref<1x32xf32, #tpu.memory_space<vmem>> -> memref<32xf32, #tpu.memory_space<vmem>>
      %dma_start3A_59 = arith.constant 0 : i32
      %dma_start3A_60 = tpu.memref_slice %arg6[%scan3A_56, %dma_start3A_59] : memref<448x32xi32, #tpu.memory_space<vmem>> -> memref<1x32xi32, #tpu.memory_space<vmem>>
      %dma_start3A_61 = tpu.memref_squeeze %dma_start3A_60 : memref<1x32xi32, #tpu.memory_space<vmem>> -> memref<32xi32, #tpu.memory_space<vmem>>
      %dma_start3A_62 = arith.constant 0 : i32
      %dma_start3A_63 = tpu.memref_slice %arg3[%dma_start3A_62] : memref<16001024xf32, #tpu.memory_space<hbm>> -> memref<16001024xf32, #tpu.memory_space<hbm>>
      tpu.enqueue_indirect_dma source(%dma_start3A_63 : memref<16001024xf32, #tpu.memory_space<hbm>>) target(%dma_start3A_58 : memref<32xf32, #tpu.memory_space<vmem>>) offsets(%dma_start3A_61 : memref<32xi32, #tpu.memory_space<vmem>>) semaphore(%arg8 : memref<!tpu.dma_semaphore, #tpu.memory_space<semaphore_mem>>)
    }
    %scan3A_37 = arith.constant 416 : i32
    %scan3A_38 = arith.constant 0 : i32
    %scan3A_39 = arith.constant 0 : i32
    %scan3A_40 = arith.constant 26 : i32
    %scan3A_41 = arith.addi %scan3A_39, %scan3A_40 : i32
    %scan3A_42 = arith.constant 1 : i32
    scf.for %scan3A_56 = %scan3A_39 to %scan3A_41 step %scan3A_42  : i32 {
      %add3A_57 = arith.constant 416 : i32
      %add3A_58 = arith.addi %add3A_57, %scan3A_56 : i32
      %add3A_59 = arith.constant 416 : i32
      %add3A_60 = arith.addi %add3A_59, %scan3A_56 : i32
      %dma_start3A = arith.constant 0 : i32
      %dma_start3A_61 = tpu.memref_slice %arg7[%add3A_60, %dma_start3A] : memref<448x32xf32, #tpu.memory_space<vmem>> -> memref<1x32xf32, #tpu.memory_space<vmem>>
      %dma_start3A_62 = tpu.memref_squeeze %dma_start3A_61 : memref<1x32xf32, #tpu.memory_space<vmem>> -> memref<32xf32, #tpu.memory_space<vmem>>
      %dma_start3A_63 = arith.constant 0 : i32
      %dma_start3A_64 = tpu.memref_slice %arg6[%add3A_58, %dma_start3A_63] : memref<448x32xi32, #tpu.memory_space<vmem>> -> memref<1x32xi32, #tpu.memory_space<vmem>>
      %dma_start3A_65 = tpu.memref_squeeze %dma_start3A_64 : memref<1x32xi32, #tpu.memory_space<vmem>> -> memref<32xi32, #tpu.memory_space<vmem>>
      %dma_start3A_66 = arith.constant 0 : i32
      %dma_start3A_67 = tpu.memref_slice %arg4[%dma_start3A_66] : memref<8000512xf32, #tpu.memory_space<hbm>> -> memref<8000512xf32, #tpu.memory_space<hbm>>
      tpu.enqueue_indirect_dma source(%dma_start3A_67 : memref<8000512xf32, #tpu.memory_space<hbm>>) target(%dma_start3A_62 : memref<32xf32, #tpu.memory_space<vmem>>) offsets(%dma_start3A_65 : memref<32xi32, #tpu.memory_space<vmem>>) semaphore(%arg9 : memref<!tpu.dma_semaphore, #tpu.memory_space<semaphore_mem>>)
    }
    %scan3A_43 = arith.constant 26 : i32
    %scan3A_44 = arith.constant 0 : i32
    %scan3A_45 = arith.constant 0 : i32
    %scan3A_46 = arith.constant 416 : i32
    %scan3A_47 = arith.addi %scan3A_45, %scan3A_46 : i32
    %scan3A_48 = arith.constant 1 : i32
    scf.for %scan3A_56 = %scan3A_45 to %scan3A_47 step %scan3A_48  : i32 {
      %dma_wait3A = arith.constant 0 : i32
      %dma_wait3A_57 = arith.constant 0 : i32
      %dma_wait3A_58 = arith.constant 0 : i32
      %dma_wait3A_59 = tpu.memref_slice %arg7[%dma_wait3A_57, %dma_wait3A_58] : memref<448x32xf32, #tpu.memory_space<vmem>> -> memref<1x32xf32, #tpu.memory_space<vmem>>
      %dma_wait3A_60 = tpu.memref_squeeze %dma_wait3A_59 : memref<1x32xf32, #tpu.memory_space<vmem>> -> memref<32xf32, #tpu.memory_space<vmem>>
      %dma_wait3A_61 = arith.constant 0 : i32
      %dma_wait3A_62 = tpu.memref_slice %arg6[%dma_wait3A, %dma_wait3A_61] : memref<448x32xi32, #tpu.memory_space<vmem>> -> memref<1x32xi32, #tpu.memory_space<vmem>>
      %dma_wait3A_63 = tpu.memref_squeeze %dma_wait3A_62 : memref<1x32xi32, #tpu.memory_space<vmem>> -> memref<32xi32, #tpu.memory_space<vmem>>
      %dma_wait3A_64 = arith.constant 0 : i32
      %dma_wait3A_65 = tpu.memref_slice %arg3[%dma_wait3A_64] : memref<16001024xf32, #tpu.memory_space<hbm>> -> memref<16001024xf32, #tpu.memory_space<hbm>>
      tpu.wait_indirect_dma semaphore(%arg8 : memref<!tpu.dma_semaphore, #tpu.memory_space<semaphore_mem>>) src(%dma_wait3A_65 : memref<16001024xf32, #tpu.memory_space<hbm>>) dst(%dma_wait3A_60 : memref<32xf32, #tpu.memory_space<vmem>>)
    }
    %scan3A_49 = arith.constant 416 : i32
    %scan3A_50 = arith.constant 0 : i32
    %scan3A_51 = arith.constant 0 : i32
    %scan3A_52 = arith.constant 26 : i32
    %scan3A_53 = arith.addi %scan3A_51, %scan3A_52 : i32
    %scan3A_54 = arith.constant 1 : i32
    scf.for %scan3A_56 = %scan3A_51 to %scan3A_53 step %scan3A_54  : i32 {
      %dma_wait3A = arith.constant 0 : i32
      %dma_wait3A_57 = arith.constant 0 : i32
      %dma_wait3A_58 = arith.constant 0 : i32
      %dma_wait3A_59 = tpu.memref_slice %arg7[%dma_wait3A_57, %dma_wait3A_58] : memref<448x32xf32, #tpu.memory_space<vmem>> -> memref<1x32xf32, #tpu.memory_space<vmem>>
      %dma_wait3A_60 = tpu.memref_squeeze %dma_wait3A_59 : memref<1x32xf32, #tpu.memory_space<vmem>> -> memref<32xf32, #tpu.memory_space<vmem>>
      %dma_wait3A_61 = arith.constant 0 : i32
      %dma_wait3A_62 = tpu.memref_slice %arg6[%dma_wait3A, %dma_wait3A_61] : memref<448x32xi32, #tpu.memory_space<vmem>> -> memref<1x32xi32, #tpu.memory_space<vmem>>
      %dma_wait3A_63 = tpu.memref_squeeze %dma_wait3A_62 : memref<1x32xi32, #tpu.memory_space<vmem>> -> memref<32xi32, #tpu.memory_space<vmem>>
      %dma_wait3A_64 = arith.constant 0 : i32
      %dma_wait3A_65 = tpu.memref_slice %arg4[%dma_wait3A_64] : memref<8000512xf32, #tpu.memory_space<hbm>> -> memref<8000512xf32, #tpu.memory_space<hbm>>
      tpu.wait_indirect_dma semaphore(%arg9 : memref<!tpu.dma_semaphore, #tpu.memory_space<semaphore_mem>>) src(%dma_wait3A_65 : memref<8000512xf32, #tpu.memory_space<hbm>>) dst(%dma_wait3A_60 : memref<32xf32, #tpu.memory_space<vmem>>)
    }
    %scan3A_55 = arith.constant 26 : i32
    "tpu.region"() ({
      %run_scoped3A = tpu.sem_alloc : memref<!tpu.dma_semaphore, #tpu.memory_space<semaphore_mem>>
      %dma_start3A = arith.constant 0 : i32
      %dma_start3A_56 = tpu.memref_slice %arg5[%select_n3A, %dma_start3A, %mul3A_32] : memref<8x448x128xf32, #tpu.memory_space<hbm>> -> memref<1x448x32xf32, #tpu.memory_space<hbm>>
      %dma_start3A_57 = tpu.memref_squeeze %dma_start3A_56 : memref<1x448x32xf32, #tpu.memory_space<hbm>> -> memref<448x32xf32, #tpu.memory_space<hbm>>
      %dma_start3A_58 = arith.constant 0 : i32
      %dma_start3A_59 = tpu.memref_slice %arg5[%select_n3A, %dma_start3A_58, %mul3A_32] : memref<8x448x128xf32, #tpu.memory_space<hbm>> -> memref<1x448x32xf32, #tpu.memory_space<hbm>>
      %dma_start3A_60 = tpu.memref_squeeze %dma_start3A_59 : memref<1x448x32xf32, #tpu.memory_space<hbm>> -> memref<448x32xf32, #tpu.memory_space<hbm>>
      tpu.enqueue_dma source(%arg7 : memref<448x32xf32, #tpu.memory_space<vmem>>) target(%dma_start3A_60 : memref<448x32xf32, #tpu.memory_space<hbm>>) target_semaphore(%run_scoped3A : memref<!tpu.dma_semaphore, #tpu.memory_space<semaphore_mem>>)
      %dma_wait3A = arith.constant 0 : i32
      %dma_wait3A_61 = tpu.memref_slice %arg5[%select_n3A, %dma_wait3A, %mul3A_32] : memref<8x448x128xf32, #tpu.memory_space<hbm>> -> memref<1x448x32xf32, #tpu.memory_space<hbm>>
      %dma_wait3A_62 = tpu.memref_squeeze %dma_wait3A_61 : memref<1x448x32xf32, #tpu.memory_space<hbm>> -> memref<448x32xf32, #tpu.memory_space<hbm>>
      %dma_wait3A_63 = arith.constant 0 : i32
      %dma_wait3A_64 = tpu.memref_slice %arg5[%select_n3A, %dma_wait3A_63, %mul3A_32] : memref<8x448x128xf32, #tpu.memory_space<hbm>> -> memref<1x448x32xf32, #tpu.memory_space<hbm>>
      %dma_wait3A_65 = tpu.memref_squeeze %dma_wait3A_64 : memref<1x448x32xf32, #tpu.memory_space<hbm>> -> memref<448x32xf32, #tpu.memory_space<hbm>>
      tpu.wait_dma2 semaphore(%run_scoped3A : memref<!tpu.dma_semaphore, #tpu.memory_space<semaphore_mem>>) src(%arg7 : memref<448x32xf32, #tpu.memory_space<vmem>>) dst(%dma_wait3A_65 : memref<448x32xf32, #tpu.memory_space<hbm>>)
      tpu.yield
    }) : () -> ()
    return
  }
}

#map = affine_map<(d0, d1) -> (0, 0, 0)>
#map1 = affine_map<(d0, d1) -> (0)>
module attributes {stable_mosaic.version = 14 : i64} {
  func.func @_sc_body(%arg0: i32, %arg1: i32, %arg2: memref<8x448x128xi32, #tpu.memory_space<hbm>>, %arg3: memref<16001024xf32, #tpu.memory_space<hbm>>, %arg4: memref<8000512xf32, #tpu.memory_space<hbm>>, %arg5: memref<8x448x128xf32, #tpu.memory_space<hbm>>, %arg6: memref<448x32xi32, #tpu.memory_space<vmem>>, %arg7: memref<448x32xf32, #tpu.memory_space<vmem>>, %arg8: memref<!tpu.dma_semaphore, #tpu.memory_space<semaphore_mem>>, %arg9: memref<!tpu.dma_semaphore, #tpu.memory_space<semaphore_mem>>) attributes {dimension_semantics = [#tpu.dimension_semantics<core_parallel>, #tpu.dimension_semantics<subcore_parallel>], iteration_bounds = array<i64: 2, 16>, scalar_prefetch = 0 : i64, scratch_operands = 4 : i64, tpu.core_type = #tpu.core_type<sc_vector_subcore>, window_params = [{transform_indices = #map}, {transform_indices = #map1}, {transform_indices = #map1}, {transform_indices = #map}]} {
    %mul3A = arith.constant 2 : i32
    %mul3A_0 = arith.muli %arg1, %mul3A : i32
    %add3A = arith.addi %mul3A_0, %arg0 : i32
    %jit3A = arith.constant 4 : i32
    %div3A = arith.divsi %add3A, %jit3A : i32
    %sign3A = arith.constant 0 : i32
    %sign3A_1 = arith.cmpi sgt, %add3A, %sign3A : i32
    %sign3A_2 = arith.extui %sign3A_1 : i1 to i32
    %sign3A_3 = arith.constant 0 : i32
    %sign3A_4 = arith.cmpi slt, %add3A, %sign3A_3 : i32
    %sign3A_5 = arith.extui %sign3A_4 : i1 to i32
    %sign3A_6 = arith.subi %sign3A_2, %sign3A_5 : i32
    %sign3A_7 = arith.constant 0 : i32
    %sign3A_8 = arith.cmpi sgt, %jit3A, %sign3A_7 : i32
    %sign3A_9 = arith.extui %sign3A_8 : i1 to i32
    %sign3A_10 = arith.constant 0 : i32
    %sign3A_11 = arith.cmpi slt, %jit3A, %sign3A_10 : i32
    %sign3A_12 = arith.extui %sign3A_11 : i1 to i32
    %sign3A_13 = arith.subi %sign3A_9, %sign3A_12 : i32
    %ne3A = arith.cmpi ne, %sign3A_6, %sign3A_13 : i32
    %rem3A = arith.remsi %add3A, %jit3A : i32
    %ne3A_14 = arith.constant 0 : i32
    %ne3A_15 = arith.cmpi ne, %rem3A, %ne3A_14 : i32
    %and3A = arith.andi %ne3A, %ne3A_15 : i1
    %sub3A = arith.constant 1 : i32
    %sub3A_16 = arith.subi %div3A, %sub3A : i32
    %select_n3A = arith.select %and3A, %sub3A_16, %div3A : i32
    %jit3A_17 = arith.constant 4 : i32
    %eq3A = arith.constant 0 : i32
    %eq3A_18 = arith.cmpi eq, %jit3A_17, %eq3A : i32
    %jit3A_19 = arith.constant 1 : i32
    %select_n3A_20 = arith.select %eq3A_18, %jit3A_19, %jit3A_17 : i32
    %rem3A_21 = arith.remsi %add3A, %select_n3A_20 : i32
    %ne3A_22 = arith.constant 0 : i32
    %ne3A_23 = arith.cmpi ne, %rem3A_21, %ne3A_22 : i32
    %lt3A = arith.constant 0 : i32
    %lt3A_24 = arith.cmpi slt, %rem3A_21, %lt3A : i32
    %lt3A_25 = arith.constant 0 : i32
    %lt3A_26 = arith.cmpi slt, %select_n3A_20, %lt3A_25 : i32
    %ne3A_27 = arith.xori %lt3A_24, %lt3A_26 : i1
    %and3A_28 = arith.andi %ne3A_27, %ne3A_23 : i1
    %add3A_29 = arith.addi %rem3A_21, %select_n3A_20 : i32
    %select_n3A_30 = arith.select %and3A_28, %add3A_29, %rem3A_21 : i32
    %mul3A_31 = arith.constant 32 : i32
    %mul3A_32 = arith.muli %select_n3A_30, %mul3A_31 : i32
    "tpu.region"() ({
      %run_scoped3A = tpu.sem_alloc : memref<!tpu.dma_semaphore, #tpu.memory_space<semaphore_mem>>
      %dma_start3A = arith.constant 0 : i32
      %dma_start3A_56 = tpu.memref_slice %arg2[%select_n3A, %dma_start3A, %mul3A_32] : memref<8x448x128xi32, #tpu.memory_space<hbm>> -> memref<1x448x32xi32, #tpu.memory_space<hbm>>
      %dma_start3A_57 = tpu.memref_squeeze %dma_start3A_56 : memref<1x448x32xi32, #tpu.memory_space<hbm>> -> memref<448x32xi32, #tpu.memory_space<hbm>>
      %dma_start3A_58 = arith.constant 0 : i32
      %dma_start3A_59 = tpu.memref_slice %arg2[%select_n3A, %dma_start3A_58, %mul3A_32] : memref<8x448x128xi32, #tpu.memory_space<hbm>> -> memref<1x448x32xi32, #tpu.memory_space<hbm>>
      %dma_start3A_60 = tpu.memref_squeeze %dma_start3A_59 : memref<1x448x32xi32, #tpu.memory_space<hbm>> -> memref<448x32xi32, #tpu.memory_space<hbm>>
      tpu.enqueue_dma source(%dma_start3A_60 : memref<448x32xi32, #tpu.memory_space<hbm>>) target(%arg6 : memref<448x32xi32, #tpu.memory_space<vmem>>) target_semaphore(%run_scoped3A : memref<!tpu.dma_semaphore, #tpu.memory_space<semaphore_mem>>)
      %dma_wait3A = arith.constant 0 : i32
      %dma_wait3A_61 = tpu.memref_slice %arg2[%select_n3A, %dma_wait3A, %mul3A_32] : memref<8x448x128xi32, #tpu.memory_space<hbm>> -> memref<1x448x32xi32, #tpu.memory_space<hbm>>
      %dma_wait3A_62 = tpu.memref_squeeze %dma_wait3A_61 : memref<1x448x32xi32, #tpu.memory_space<hbm>> -> memref<448x32xi32, #tpu.memory_space<hbm>>
      %dma_wait3A_63 = arith.constant 0 : i32
      %dma_wait3A_64 = tpu.memref_slice %arg2[%select_n3A, %dma_wait3A_63, %mul3A_32] : memref<8x448x128xi32, #tpu.memory_space<hbm>> -> memref<1x448x32xi32, #tpu.memory_space<hbm>>
      %dma_wait3A_65 = tpu.memref_squeeze %dma_wait3A_64 : memref<1x448x32xi32, #tpu.memory_space<hbm>> -> memref<448x32xi32, #tpu.memory_space<hbm>>
      tpu.wait_dma2 semaphore(%run_scoped3A : memref<!tpu.dma_semaphore, #tpu.memory_space<semaphore_mem>>) src(%dma_wait3A_65 : memref<448x32xi32, #tpu.memory_space<hbm>>) dst(%arg6 : memref<448x32xi32, #tpu.memory_space<vmem>>)
      tpu.yield
    }) : () -> ()
    %scan3A = arith.constant 0 : i32
    %scan3A_33 = arith.constant 0 : i32
    %scan3A_34 = arith.constant 416 : i32
    %scan3A_35 = arith.addi %scan3A_33, %scan3A_34 : i32
    %scan3A_36 = arith.constant 1 : i32
    scf.for %scan3A_56 = %scan3A_33 to %scan3A_35 step %scan3A_36  : i32 {
      %dma_start3A = arith.constant 0 : i32
      %dma_start3A_57 = tpu.memref_slice %arg7[%scan3A_56, %dma_start3A] : memref<448x32xf32, #tpu.memory_space<vmem>> -> memref<1x32xf32, #tpu.memory_space<vmem>>
      %dma_start3A_58 = tpu.memref_squeeze %dma_start3A_57 : memref<1x32xf32, #tpu.memory_space<vmem>> -> memref<32xf32, #tpu.memory_space<vmem>>
      %dma_start3A_59 = arith.constant 0 : i32
      %dma_start3A_60 = tpu.memref_slice %arg6[%scan3A_56, %dma_start3A_59] : memref<448x32xi32, #tpu.memory_space<vmem>> -> memref<1x32xi32, #tpu.memory_space<vmem>>
      %dma_start3A_61 = tpu.memref_squeeze %dma_start3A_60 : memref<1x32xi32, #tpu.memory_space<vmem>> -> memref<32xi32, #tpu.memory_space<vmem>>
      %dma_start3A_62 = arith.constant 0 : i32
      %dma_start3A_63 = tpu.memref_slice %arg3[%dma_start3A_62] : memref<16001024xf32, #tpu.memory_space<hbm>> -> memref<16001024xf32, #tpu.memory_space<hbm>>
      tpu.enqueue_indirect_dma source(%dma_start3A_63 : memref<16001024xf32, #tpu.memory_space<hbm>>) target(%dma_start3A_58 : memref<32xf32, #tpu.memory_space<vmem>>) offsets(%dma_start3A_61 : memref<32xi32, #tpu.memory_space<vmem>>) semaphore(%arg8 : memref<!tpu.dma_semaphore, #tpu.memory_space<semaphore_mem>>)
    }
    %scan3A_37 = arith.constant 416 : i32
    %scan3A_38 = arith.constant 0 : i32
    %scan3A_39 = arith.constant 0 : i32
    %scan3A_40 = arith.constant 26 : i32
    %scan3A_41 = arith.addi %scan3A_39, %scan3A_40 : i32
    %scan3A_42 = arith.constant 1 : i32
    scf.for %scan3A_56 = %scan3A_39 to %scan3A_41 step %scan3A_42  : i32 {
      %add3A_57 = arith.constant 416 : i32
      %add3A_58 = arith.addi %add3A_57, %scan3A_56 : i32
      %add3A_59 = arith.constant 416 : i32
      %add3A_60 = arith.addi %add3A_59, %scan3A_56 : i32
      %dma_start3A = arith.constant 0 : i32
      %dma_start3A_61 = tpu.memref_slice %arg7[%add3A_60, %dma_start3A] : memref<448x32xf32, #tpu.memory_space<vmem>> -> memref<1x32xf32, #tpu.memory_space<vmem>>
      %dma_start3A_62 = tpu.memref_squeeze %dma_start3A_61 : memref<1x32xf32, #tpu.memory_space<vmem>> -> memref<32xf32, #tpu.memory_space<vmem>>
      %dma_start3A_63 = arith.constant 0 : i32
      %dma_start3A_64 = tpu.memref_slice %arg6[%add3A_58, %dma_start3A_63] : memref<448x32xi32, #tpu.memory_space<vmem>> -> memref<1x32xi32, #tpu.memory_space<vmem>>
      %dma_start3A_65 = tpu.memref_squeeze %dma_start3A_64 : memref<1x32xi32, #tpu.memory_space<vmem>> -> memref<32xi32, #tpu.memory_space<vmem>>
      %dma_start3A_66 = arith.constant 0 : i32
      %dma_start3A_67 = tpu.memref_slice %arg4[%dma_start3A_66] : memref<8000512xf32, #tpu.memory_space<hbm>> -> memref<8000512xf32, #tpu.memory_space<hbm>>
      tpu.enqueue_indirect_dma source(%dma_start3A_67 : memref<8000512xf32, #tpu.memory_space<hbm>>) target(%dma_start3A_62 : memref<32xf32, #tpu.memory_space<vmem>>) offsets(%dma_start3A_65 : memref<32xi32, #tpu.memory_space<vmem>>) semaphore(%arg9 : memref<!tpu.dma_semaphore, #tpu.memory_space<semaphore_mem>>)
    }
    %scan3A_43 = arith.constant 26 : i32
    %scan3A_44 = arith.constant 0 : i32
    %scan3A_45 = arith.constant 0 : i32
    %scan3A_46 = arith.constant 416 : i32
    %scan3A_47 = arith.addi %scan3A_45, %scan3A_46 : i32
    %scan3A_48 = arith.constant 1 : i32
    scf.for %scan3A_56 = %scan3A_45 to %scan3A_47 step %scan3A_48  : i32 {
      %dma_wait3A = arith.constant 0 : i32
      %dma_wait3A_57 = arith.constant 0 : i32
      %dma_wait3A_58 = arith.constant 0 : i32
      %dma_wait3A_59 = tpu.memref_slice %arg7[%dma_wait3A_57, %dma_wait3A_58] : memref<448x32xf32, #tpu.memory_space<vmem>> -> memref<1x32xf32, #tpu.memory_space<vmem>>
      %dma_wait3A_60 = tpu.memref_squeeze %dma_wait3A_59 : memref<1x32xf32, #tpu.memory_space<vmem>> -> memref<32xf32, #tpu.memory_space<vmem>>
      %dma_wait3A_61 = arith.constant 0 : i32
      %dma_wait3A_62 = tpu.memref_slice %arg6[%dma_wait3A, %dma_wait3A_61] : memref<448x32xi32, #tpu.memory_space<vmem>> -> memref<1x32xi32, #tpu.memory_space<vmem>>
      %dma_wait3A_63 = tpu.memref_squeeze %dma_wait3A_62 : memref<1x32xi32, #tpu.memory_space<vmem>> -> memref<32xi32, #tpu.memory_space<vmem>>
      %dma_wait3A_64 = arith.constant 0 : i32
      %dma_wait3A_65 = tpu.memref_slice %arg3[%dma_wait3A_64] : memref<16001024xf32, #tpu.memory_space<hbm>> -> memref<16001024xf32, #tpu.memory_space<hbm>>
      tpu.wait_indirect_dma semaphore(%arg8 : memref<!tpu.dma_semaphore, #tpu.memory_space<semaphore_mem>>) src(%dma_wait3A_65 : memref<16001024xf32, #tpu.memory_space<hbm>>) dst(%dma_wait3A_60 : memref<32xf32, #tpu.memory_space<vmem>>)
    }
    %scan3A_49 = arith.constant 416 : i32
    %scan3A_50 = arith.constant 0 : i32
    %scan3A_51 = arith.constant 0 : i32
    %scan3A_52 = arith.constant 26 : i32
    %scan3A_53 = arith.addi %scan3A_51, %scan3A_52 : i32
    %scan3A_54 = arith.constant 1 : i32
    scf.for %scan3A_56 = %scan3A_51 to %scan3A_53 step %scan3A_54  : i32 {
      %dma_wait3A = arith.constant 0 : i32
      %dma_wait3A_57 = arith.constant 0 : i32
      %dma_wait3A_58 = arith.constant 0 : i32
      %dma_wait3A_59 = tpu.memref_slice %arg7[%dma_wait3A_57, %dma_wait3A_58] : memref<448x32xf32, #tpu.memory_space<vmem>> -> memref<1x32xf32, #tpu.memory_space<vmem>>
      %dma_wait3A_60 = tpu.memref_squeeze %dma_wait3A_59 : memref<1x32xf32, #tpu.memory_space<vmem>> -> memref<32xf32, #tpu.memory_space<vmem>>
      %dma_wait3A_61 = arith.constant 0 : i32
      %dma_wait3A_62 = tpu.memref_slice %arg6[%dma_wait3A, %dma_wait3A_61] : memref<448x32xi32, #tpu.memory_space<vmem>> -> memref<1x32xi32, #tpu.memory_space<vmem>>
      %dma_wait3A_63 = tpu.memref_squeeze %dma_wait3A_62 : memref<1x32xi32, #tpu.memory_space<vmem>> -> memref<32xi32, #tpu.memory_space<vmem>>
      %dma_wait3A_64 = arith.constant 0 : i32
      %dma_wait3A_65 = tpu.memref_slice %arg4[%dma_wait3A_64] : memref<8000512xf32, #tpu.memory_space<hbm>> -> memref<8000512xf32, #tpu.memory_space<hbm>>
      tpu.wait_indirect_dma semaphore(%arg9 : memref<!tpu.dma_semaphore, #tpu.memory_space<semaphore_mem>>) src(%dma_wait3A_65 : memref<8000512xf32, #tpu.memory_space<hbm>>) dst(%dma_wait3A_60 : memref<32xf32, #tpu.memory_space<vmem>>)
    }
    %scan3A_55 = arith.constant 26 : i32
    "tpu.region"() ({
      %run_scoped3A = tpu.sem_alloc : memref<!tpu.dma_semaphore, #tpu.memory_space<semaphore_mem>>
      %dma_start3A = arith.constant 0 : i32
      %dma_start3A_56 = tpu.memref_slice %arg5[%select_n3A, %dma_start3A, %mul3A_32] : memref<8x448x128xf32, #tpu.memory_space<hbm>> -> memref<1x448x32xf32, #tpu.memory_space<hbm>>
      %dma_start3A_57 = tpu.memref_squeeze %dma_start3A_56 : memref<1x448x32xf32, #tpu.memory_space<hbm>> -> memref<448x32xf32, #tpu.memory_space<hbm>>
      %dma_start3A_58 = arith.constant 0 : i32
      %dma_start3A_59 = tpu.memref_slice %arg5[%select_n3A, %dma_start3A_58, %mul3A_32] : memref<8x448x128xf32, #tpu.memory_space<hbm>> -> memref<1x448x32xf32, #tpu.memory_space<hbm>>
      %dma_start3A_60 = tpu.memref_squeeze %dma_start3A_59 : memref<1x448x32xf32, #tpu.memory_space<hbm>> -> memref<448x32xf32, #tpu.memory_space<hbm>>
      tpu.enqueue_dma source(%arg7 : memref<448x32xf32, #tpu.memory_space<vmem>>) target(%dma_start3A_60 : memref<448x32xf32, #tpu.memory_space<hbm>>) target_semaphore(%run_scoped3A : memref<!tpu.dma_semaphore, #tpu.memory_space<semaphore_mem>>)
      %dma_wait3A = arith.constant 0 : i32
      %dma_wait3A_61 = tpu.memref_slice %arg5[%select_n3A, %dma_wait3A, %mul3A_32] : memref<8x448x128xf32, #tpu.memory_space<hbm>> -> memref<1x448x32xf32, #tpu.memory_space<hbm>>
      %dma_wait3A_62 = tpu.memref_squeeze %dma_wait3A_61 : memref<1x448x32xf32, #tpu.memory_space<hbm>> -> memref<448x32xf32, #tpu.memory_space<hbm>>
      %dma_wait3A_63 = arith.constant 0 : i32
      %dma_wait3A_64 = tpu.memref_slice %arg5[%select_n3A, %dma_wait3A_63, %mul3A_32] : memref<8x448x128xf32, #tpu.memory_space<hbm>> -> memref<1x448x32xf32, #tpu.memory_space<hbm>>
      %dma_wait3A_65 = tpu.memref_squeeze %dma_wait3A_64 : memref<1x448x32xf32, #tpu.memory_space<hbm>> -> memref<448x32xf32, #tpu.memory_space<hbm>>
      tpu.wait_dma2 semaphore(%run_scoped3A : memref<!tpu.dma_semaphore, #tpu.memory_space<semaphore_mem>>) src(%arg7 : memref<448x32xf32, #tpu.memory_space<vmem>>) dst(%dma_wait3A_65 : memref<448x32xf32, #tpu.memory_space<hbm>>)
      tpu.yield
    }) : () -> ()
    return
  }
}

#map = affine_map<(d0, d1) -> (0, 0, 0)>
#map1 = affine_map<(d0, d1) -> (0)>
module attributes {stable_mosaic.version = 14 : i64} {
  func.func @_sc_body(%arg0: i32, %arg1: i32, %arg2: memref<8x448x128xi32, #tpu.memory_space<hbm>>, %arg3: memref<16001024xf32, #tpu.memory_space<hbm>>, %arg4: memref<8000512xf32, #tpu.memory_space<hbm>>, %arg5: memref<8x448x128xf32, #tpu.memory_space<hbm>>, %arg6: memref<448x32xi32, #tpu.memory_space<vmem>>, %arg7: memref<448x32xf32, #tpu.memory_space<vmem>>, %arg8: memref<!tpu.dma_semaphore, #tpu.memory_space<semaphore_mem>>, %arg9: memref<!tpu.dma_semaphore, #tpu.memory_space<semaphore_mem>>) attributes {dimension_semantics = [#tpu.dimension_semantics<core_parallel>, #tpu.dimension_semantics<subcore_parallel>], iteration_bounds = array<i64: 2, 16>, scalar_prefetch = 0 : i64, scratch_operands = 4 : i64, tpu.core_type = #tpu.core_type<sc_vector_subcore>, window_params = [{transform_indices = #map}, {transform_indices = #map1}, {transform_indices = #map1}, {transform_indices = #map}]} {
    %mul3A = arith.constant 2 : i32
    %mul3A_0 = arith.muli %arg1, %mul3A : i32
    %add3A = arith.addi %mul3A_0, %arg0 : i32
    %jit3A = arith.constant 4 : i32
    %div3A = arith.divsi %add3A, %jit3A : i32
    %sign3A = arith.constant 0 : i32
    %sign3A_1 = arith.cmpi sgt, %add3A, %sign3A : i32
    %sign3A_2 = arith.extui %sign3A_1 : i1 to i32
    %sign3A_3 = arith.constant 0 : i32
    %sign3A_4 = arith.cmpi slt, %add3A, %sign3A_3 : i32
    %sign3A_5 = arith.extui %sign3A_4 : i1 to i32
    %sign3A_6 = arith.subi %sign3A_2, %sign3A_5 : i32
    %sign3A_7 = arith.constant 0 : i32
    %sign3A_8 = arith.cmpi sgt, %jit3A, %sign3A_7 : i32
    %sign3A_9 = arith.extui %sign3A_8 : i1 to i32
    %sign3A_10 = arith.constant 0 : i32
    %sign3A_11 = arith.cmpi slt, %jit3A, %sign3A_10 : i32
    %sign3A_12 = arith.extui %sign3A_11 : i1 to i32
    %sign3A_13 = arith.subi %sign3A_9, %sign3A_12 : i32
    %ne3A = arith.cmpi ne, %sign3A_6, %sign3A_13 : i32
    %rem3A = arith.remsi %add3A, %jit3A : i32
    %ne3A_14 = arith.constant 0 : i32
    %ne3A_15 = arith.cmpi ne, %rem3A, %ne3A_14 : i32
    %and3A = arith.andi %ne3A, %ne3A_15 : i1
    %sub3A = arith.constant 1 : i32
    %sub3A_16 = arith.subi %div3A, %sub3A : i32
    %select_n3A = arith.select %and3A, %sub3A_16, %div3A : i32
    %jit3A_17 = arith.constant 4 : i32
    %eq3A = arith.constant 0 : i32
    %eq3A_18 = arith.cmpi eq, %jit3A_17, %eq3A : i32
    %jit3A_19 = arith.constant 1 : i32
    %select_n3A_20 = arith.select %eq3A_18, %jit3A_19, %jit3A_17 : i32
    %rem3A_21 = arith.remsi %add3A, %select_n3A_20 : i32
    %ne3A_22 = arith.constant 0 : i32
    %ne3A_23 = arith.cmpi ne, %rem3A_21, %ne3A_22 : i32
    %lt3A = arith.constant 0 : i32
    %lt3A_24 = arith.cmpi slt, %rem3A_21, %lt3A : i32
    %lt3A_25 = arith.constant 0 : i32
    %lt3A_26 = arith.cmpi slt, %select_n3A_20, %lt3A_25 : i32
    %ne3A_27 = arith.xori %lt3A_24, %lt3A_26 : i1
    %and3A_28 = arith.andi %ne3A_27, %ne3A_23 : i1
    %add3A_29 = arith.addi %rem3A_21, %select_n3A_20 : i32
    %select_n3A_30 = arith.select %and3A_28, %add3A_29, %rem3A_21 : i32
    %mul3A_31 = arith.constant 32 : i32
    %mul3A_32 = arith.muli %select_n3A_30, %mul3A_31 : i32
    "tpu.region"() ({
      %run_scoped3A = tpu.sem_alloc : memref<!tpu.dma_semaphore, #tpu.memory_space<semaphore_mem>>
      %dma_start3A = arith.constant 0 : i32
      %dma_start3A_56 = tpu.memref_slice %arg2[%select_n3A, %dma_start3A, %mul3A_32] : memref<8x448x128xi32, #tpu.memory_space<hbm>> -> memref<1x448x32xi32, #tpu.memory_space<hbm>>
      %dma_start3A_57 = tpu.memref_squeeze %dma_start3A_56 : memref<1x448x32xi32, #tpu.memory_space<hbm>> -> memref<448x32xi32, #tpu.memory_space<hbm>>
      %dma_start3A_58 = arith.constant 0 : i32
      %dma_start3A_59 = tpu.memref_slice %arg2[%select_n3A, %dma_start3A_58, %mul3A_32] : memref<8x448x128xi32, #tpu.memory_space<hbm>> -> memref<1x448x32xi32, #tpu.memory_space<hbm>>
      %dma_start3A_60 = tpu.memref_squeeze %dma_start3A_59 : memref<1x448x32xi32, #tpu.memory_space<hbm>> -> memref<448x32xi32, #tpu.memory_space<hbm>>
      tpu.enqueue_dma source(%dma_start3A_60 : memref<448x32xi32, #tpu.memory_space<hbm>>) target(%arg6 : memref<448x32xi32, #tpu.memory_space<vmem>>) target_semaphore(%run_scoped3A : memref<!tpu.dma_semaphore, #tpu.memory_space<semaphore_mem>>)
      %dma_wait3A = arith.constant 0 : i32
      %dma_wait3A_61 = tpu.memref_slice %arg2[%select_n3A, %dma_wait3A, %mul3A_32] : memref<8x448x128xi32, #tpu.memory_space<hbm>> -> memref<1x448x32xi32, #tpu.memory_space<hbm>>
      %dma_wait3A_62 = tpu.memref_squeeze %dma_wait3A_61 : memref<1x448x32xi32, #tpu.memory_space<hbm>> -> memref<448x32xi32, #tpu.memory_space<hbm>>
      %dma_wait3A_63 = arith.constant 0 : i32
      %dma_wait3A_64 = tpu.memref_slice %arg2[%select_n3A, %dma_wait3A_63, %mul3A_32] : memref<8x448x128xi32, #tpu.memory_space<hbm>> -> memref<1x448x32xi32, #tpu.memory_space<hbm>>
      %dma_wait3A_65 = tpu.memref_squeeze %dma_wait3A_64 : memref<1x448x32xi32, #tpu.memory_space<hbm>> -> memref<448x32xi32, #tpu.memory_space<hbm>>
      tpu.wait_dma2 semaphore(%run_scoped3A : memref<!tpu.dma_semaphore, #tpu.memory_space<semaphore_mem>>) src(%dma_wait3A_65 : memref<448x32xi32, #tpu.memory_space<hbm>>) dst(%arg6 : memref<448x32xi32, #tpu.memory_space<vmem>>)
      tpu.yield
    }) : () -> ()
    %scan3A = arith.constant 0 : i32
    %scan3A_33 = arith.constant 0 : i32
    %scan3A_34 = arith.constant 416 : i32
    %scan3A_35 = arith.addi %scan3A_33, %scan3A_34 : i32
    %scan3A_36 = arith.constant 1 : i32
    scf.for %scan3A_56 = %scan3A_33 to %scan3A_35 step %scan3A_36  : i32 {
      %dma_start3A = arith.constant 0 : i32
      %dma_start3A_57 = tpu.memref_slice %arg7[%scan3A_56, %dma_start3A] : memref<448x32xf32, #tpu.memory_space<vmem>> -> memref<1x32xf32, #tpu.memory_space<vmem>>
      %dma_start3A_58 = tpu.memref_squeeze %dma_start3A_57 : memref<1x32xf32, #tpu.memory_space<vmem>> -> memref<32xf32, #tpu.memory_space<vmem>>
      %dma_start3A_59 = arith.constant 0 : i32
      %dma_start3A_60 = tpu.memref_slice %arg6[%scan3A_56, %dma_start3A_59] : memref<448x32xi32, #tpu.memory_space<vmem>> -> memref<1x32xi32, #tpu.memory_space<vmem>>
      %dma_start3A_61 = tpu.memref_squeeze %dma_start3A_60 : memref<1x32xi32, #tpu.memory_space<vmem>> -> memref<32xi32, #tpu.memory_space<vmem>>
      %dma_start3A_62 = arith.constant 0 : i32
      %dma_start3A_63 = tpu.memref_slice %arg3[%dma_start3A_62] : memref<16001024xf32, #tpu.memory_space<hbm>> -> memref<16001024xf32, #tpu.memory_space<hbm>>
      tpu.enqueue_indirect_dma source(%dma_start3A_63 : memref<16001024xf32, #tpu.memory_space<hbm>>) target(%dma_start3A_58 : memref<32xf32, #tpu.memory_space<vmem>>) offsets(%dma_start3A_61 : memref<32xi32, #tpu.memory_space<vmem>>) semaphore(%arg8 : memref<!tpu.dma_semaphore, #tpu.memory_space<semaphore_mem>>)
    }
    %scan3A_37 = arith.constant 416 : i32
    %scan3A_38 = arith.constant 0 : i32
    %scan3A_39 = arith.constant 0 : i32
    %scan3A_40 = arith.constant 26 : i32
    %scan3A_41 = arith.addi %scan3A_39, %scan3A_40 : i32
    %scan3A_42 = arith.constant 1 : i32
    scf.for %scan3A_56 = %scan3A_39 to %scan3A_41 step %scan3A_42  : i32 {
      %add3A_57 = arith.constant 416 : i32
      %add3A_58 = arith.addi %add3A_57, %scan3A_56 : i32
      %add3A_59 = arith.constant 416 : i32
      %add3A_60 = arith.addi %add3A_59, %scan3A_56 : i32
      %dma_start3A = arith.constant 0 : i32
      %dma_start3A_61 = tpu.memref_slice %arg7[%add3A_60, %dma_start3A] : memref<448x32xf32, #tpu.memory_space<vmem>> -> memref<1x32xf32, #tpu.memory_space<vmem>>
      %dma_start3A_62 = tpu.memref_squeeze %dma_start3A_61 : memref<1x32xf32, #tpu.memory_space<vmem>> -> memref<32xf32, #tpu.memory_space<vmem>>
      %dma_start3A_63 = arith.constant 0 : i32
      %dma_start3A_64 = tpu.memref_slice %arg6[%add3A_58, %dma_start3A_63] : memref<448x32xi32, #tpu.memory_space<vmem>> -> memref<1x32xi32, #tpu.memory_space<vmem>>
      %dma_start3A_65 = tpu.memref_squeeze %dma_start3A_64 : memref<1x32xi32, #tpu.memory_space<vmem>> -> memref<32xi32, #tpu.memory_space<vmem>>
      %dma_start3A_66 = arith.constant 0 : i32
      %dma_start3A_67 = tpu.memref_slice %arg4[%dma_start3A_66] : memref<8000512xf32, #tpu.memory_space<hbm>> -> memref<8000512xf32, #tpu.memory_space<hbm>>
      tpu.enqueue_indirect_dma source(%dma_start3A_67 : memref<8000512xf32, #tpu.memory_space<hbm>>) target(%dma_start3A_62 : memref<32xf32, #tpu.memory_space<vmem>>) offsets(%dma_start3A_65 : memref<32xi32, #tpu.memory_space<vmem>>) semaphore(%arg9 : memref<!tpu.dma_semaphore, #tpu.memory_space<semaphore_mem>>)
    }
    %scan3A_43 = arith.constant 26 : i32
    %scan3A_44 = arith.constant 0 : i32
    %scan3A_45 = arith.constant 0 : i32
    %scan3A_46 = arith.constant 416 : i32
    %scan3A_47 = arith.addi %scan3A_45, %scan3A_46 : i32
    %scan3A_48 = arith.constant 1 : i32
    scf.for %scan3A_56 = %scan3A_45 to %scan3A_47 step %scan3A_48  : i32 {
      %dma_wait3A = arith.constant 0 : i32
      %dma_wait3A_57 = arith.constant 0 : i32
      %dma_wait3A_58 = arith.constant 0 : i32
      %dma_wait3A_59 = tpu.memref_slice %arg7[%dma_wait3A_57, %dma_wait3A_58] : memref<448x32xf32, #tpu.memory_space<vmem>> -> memref<1x32xf32, #tpu.memory_space<vmem>>
      %dma_wait3A_60 = tpu.memref_squeeze %dma_wait3A_59 : memref<1x32xf32, #tpu.memory_space<vmem>> -> memref<32xf32, #tpu.memory_space<vmem>>
      %dma_wait3A_61 = arith.constant 0 : i32
      %dma_wait3A_62 = tpu.memref_slice %arg6[%dma_wait3A, %dma_wait3A_61] : memref<448x32xi32, #tpu.memory_space<vmem>> -> memref<1x32xi32, #tpu.memory_space<vmem>>
      %dma_wait3A_63 = tpu.memref_squeeze %dma_wait3A_62 : memref<1x32xi32, #tpu.memory_space<vmem>> -> memref<32xi32, #tpu.memory_space<vmem>>
      %dma_wait3A_64 = arith.constant 0 : i32
      %dma_wait3A_65 = tpu.memref_slice %arg3[%dma_wait3A_64] : memref<16001024xf32, #tpu.memory_space<hbm>> -> memref<16001024xf32, #tpu.memory_space<hbm>>
      tpu.wait_indirect_dma semaphore(%arg8 : memref<!tpu.dma_semaphore, #tpu.memory_space<semaphore_mem>>) src(%dma_wait3A_65 : memref<16001024xf32, #tpu.memory_space<hbm>>) dst(%dma_wait3A_60 : memref<32xf32, #tpu.memory_space<vmem>>)
    }
    %scan3A_49 = arith.constant 416 : i32
    %scan3A_50 = arith.constant 0 : i32
    %scan3A_51 = arith.constant 0 : i32
    %scan3A_52 = arith.constant 26 : i32
    %scan3A_53 = arith.addi %scan3A_51, %scan3A_52 : i32
    %scan3A_54 = arith.constant 1 : i32
    scf.for %scan3A_56 = %scan3A_51 to %scan3A_53 step %scan3A_54  : i32 {
      %dma_wait3A = arith.constant 0 : i32
      %dma_wait3A_57 = arith.constant 0 : i32
      %dma_wait3A_58 = arith.constant 0 : i32
      %dma_wait3A_59 = tpu.memref_slice %arg7[%dma_wait3A_57, %dma_wait3A_58] : memref<448x32xf32, #tpu.memory_space<vmem>> -> memref<1x32xf32, #tpu.memory_space<vmem>>
      %dma_wait3A_60 = tpu.memref_squeeze %dma_wait3A_59 : memref<1x32xf32, #tpu.memory_space<vmem>> -> memref<32xf32, #tpu.memory_space<vmem>>
      %dma_wait3A_61 = arith.constant 0 : i32
      %dma_wait3A_62 = tpu.memref_slice %arg6[%dma_wait3A, %dma_wait3A_61] : memref<448x32xi32, #tpu.memory_space<vmem>> -> memref<1x32xi32, #tpu.memory_space<vmem>>
      %dma_wait3A_63 = tpu.memref_squeeze %dma_wait3A_62 : memref<1x32xi32, #tpu.memory_space<vmem>> -> memref<32xi32, #tpu.memory_space<vmem>>
      %dma_wait3A_64 = arith.constant 0 : i32
      %dma_wait3A_65 = tpu.memref_slice %arg4[%dma_wait3A_64] : memref<8000512xf32, #tpu.memory_space<hbm>> -> memref<8000512xf32, #tpu.memory_space<hbm>>
      tpu.wait_indirect_dma semaphore(%arg9 : memref<!tpu.dma_semaphore, #tpu.memory_space<semaphore_mem>>) src(%dma_wait3A_65 : memref<8000512xf32, #tpu.memory_space<hbm>>) dst(%dma_wait3A_60 : memref<32xf32, #tpu.memory_space<vmem>>)
    }
    %scan3A_55 = arith.constant 26 : i32
    "tpu.region"() ({
      %run_scoped3A = tpu.sem_alloc : memref<!tpu.dma_semaphore, #tpu.memory_space<semaphore_mem>>
      %dma_start3A = arith.constant 0 : i32
      %dma_start3A_56 = tpu.memref_slice %arg5[%select_n3A, %dma_start3A, %mul3A_32] : memref<8x448x128xf32, #tpu.memory_space<hbm>> -> memref<1x448x32xf32, #tpu.memory_space<hbm>>
      %dma_start3A_57 = tpu.memref_squeeze %dma_start3A_56 : memref<1x448x32xf32, #tpu.memory_space<hbm>> -> memref<448x32xf32, #tpu.memory_space<hbm>>
      %dma_start3A_58 = arith.constant 0 : i32
      %dma_start3A_59 = tpu.memref_slice %arg5[%select_n3A, %dma_start3A_58, %mul3A_32] : memref<8x448x128xf32, #tpu.memory_space<hbm>> -> memref<1x448x32xf32, #tpu.memory_space<hbm>>
      %dma_start3A_60 = tpu.memref_squeeze %dma_start3A_59 : memref<1x448x32xf32, #tpu.memory_space<hbm>> -> memref<448x32xf32, #tpu.memory_space<hbm>>
      tpu.enqueue_dma source(%arg7 : memref<448x32xf32, #tpu.memory_space<vmem>>) target(%dma_start3A_60 : memref<448x32xf32, #tpu.memory_space<hbm>>) target_semaphore(%run_scoped3A : memref<!tpu.dma_semaphore, #tpu.memory_space<semaphore_mem>>)
      %dma_wait3A = arith.constant 0 : i32
      %dma_wait3A_61 = tpu.memref_slice %arg5[%select_n3A, %dma_wait3A, %mul3A_32] : memref<8x448x128xf32, #tpu.memory_space<hbm>> -> memref<1x448x32xf32, #tpu.memory_space<hbm>>
      %dma_wait3A_62 = tpu.memref_squeeze %dma_wait3A_61 : memref<1x448x32xf32, #tpu.memory_space<hbm>> -> memref<448x32xf32, #tpu.memory_space<hbm>>
      %dma_wait3A_63 = arith.constant 0 : i32
      %dma_wait3A_64 = tpu.memref_slice %arg5[%select_n3A, %dma_wait3A_63, %mul3A_32] : memref<8x448x128xf32, #tpu.memory_space<hbm>> -> memref<1x448x32xf32, #tpu.memory_space<hbm>>
      %dma_wait3A_65 = tpu.memref_squeeze %dma_wait3A_64 : memref<1x448x32xf32, #tpu.memory_space<hbm>> -> memref<448x32xf32, #tpu.memory_space<hbm>>
      tpu.wait_dma2 semaphore(%run_scoped3A : memref<!tpu.dma_semaphore, #tpu.memory_space<semaphore_mem>>) src(%arg7 : memref<448x32xf32, #tpu.memory_space<vmem>>) dst(%dma_wait3A_65 : memref<448x32xf32, #tpu.memory_space<hbm>>)
      tpu.yield
    }) : () -> ()
    return
  }
}

#map = affine_map<(d0, d1) -> (0, 0, 0)>
#map1 = affine_map<(d0, d1) -> (0)>
module attributes {stable_mosaic.version = 14 : i64} {
  func.func @_sc_body(%arg0: i32, %arg1: i32, %arg2: memref<8x448x128xi32, #tpu.memory_space<hbm>>, %arg3: memref<16001024xf32, #tpu.memory_space<hbm>>, %arg4: memref<8000512xf32, #tpu.memory_space<hbm>>, %arg5: memref<8x448x128xf32, #tpu.memory_space<hbm>>, %arg6: memref<448x32xi32, #tpu.memory_space<vmem>>, %arg7: memref<448x32xf32, #tpu.memory_space<vmem>>, %arg8: memref<!tpu.dma_semaphore, #tpu.memory_space<semaphore_mem>>, %arg9: memref<!tpu.dma_semaphore, #tpu.memory_space<semaphore_mem>>) attributes {dimension_semantics = [#tpu.dimension_semantics<core_parallel>, #tpu.dimension_semantics<subcore_parallel>], iteration_bounds = array<i64: 2, 16>, scalar_prefetch = 0 : i64, scratch_operands = 4 : i64, tpu.core_type = #tpu.core_type<sc_vector_subcore>, window_params = [{transform_indices = #map}, {transform_indices = #map1}, {transform_indices = #map1}, {transform_indices = #map}]} {
    %mul3A = arith.constant 2 : i32
    %mul3A_0 = arith.muli %arg1, %mul3A : i32
    %add3A = arith.addi %mul3A_0, %arg0 : i32
    %jit3A = arith.constant 4 : i32
    %div3A = arith.divsi %add3A, %jit3A : i32
    %sign3A = arith.constant 0 : i32
    %sign3A_1 = arith.cmpi sgt, %add3A, %sign3A : i32
    %sign3A_2 = arith.extui %sign3A_1 : i1 to i32
    %sign3A_3 = arith.constant 0 : i32
    %sign3A_4 = arith.cmpi slt, %add3A, %sign3A_3 : i32
    %sign3A_5 = arith.extui %sign3A_4 : i1 to i32
    %sign3A_6 = arith.subi %sign3A_2, %sign3A_5 : i32
    %sign3A_7 = arith.constant 0 : i32
    %sign3A_8 = arith.cmpi sgt, %jit3A, %sign3A_7 : i32
    %sign3A_9 = arith.extui %sign3A_8 : i1 to i32
    %sign3A_10 = arith.constant 0 : i32
    %sign3A_11 = arith.cmpi slt, %jit3A, %sign3A_10 : i32
    %sign3A_12 = arith.extui %sign3A_11 : i1 to i32
    %sign3A_13 = arith.subi %sign3A_9, %sign3A_12 : i32
    %ne3A = arith.cmpi ne, %sign3A_6, %sign3A_13 : i32
    %rem3A = arith.remsi %add3A, %jit3A : i32
    %ne3A_14 = arith.constant 0 : i32
    %ne3A_15 = arith.cmpi ne, %rem3A, %ne3A_14 : i32
    %and3A = arith.andi %ne3A, %ne3A_15 : i1
    %sub3A = arith.constant 1 : i32
    %sub3A_16 = arith.subi %div3A, %sub3A : i32
    %select_n3A = arith.select %and3A, %sub3A_16, %div3A : i32
    %jit3A_17 = arith.constant 4 : i32
    %eq3A = arith.constant 0 : i32
    %eq3A_18 = arith.cmpi eq, %jit3A_17, %eq3A : i32
    %jit3A_19 = arith.constant 1 : i32
    %select_n3A_20 = arith.select %eq3A_18, %jit3A_19, %jit3A_17 : i32
    %rem3A_21 = arith.remsi %add3A, %select_n3A_20 : i32
    %ne3A_22 = arith.constant 0 : i32
    %ne3A_23 = arith.cmpi ne, %rem3A_21, %ne3A_22 : i32
    %lt3A = arith.constant 0 : i32
    %lt3A_24 = arith.cmpi slt, %rem3A_21, %lt3A : i32
    %lt3A_25 = arith.constant 0 : i32
    %lt3A_26 = arith.cmpi slt, %select_n3A_20, %lt3A_25 : i32
    %ne3A_27 = arith.xori %lt3A_24, %lt3A_26 : i1
    %and3A_28 = arith.andi %ne3A_27, %ne3A_23 : i1
    %add3A_29 = arith.addi %rem3A_21, %select_n3A_20 : i32
    %select_n3A_30 = arith.select %and3A_28, %add3A_29, %rem3A_21 : i32
    %mul3A_31 = arith.constant 32 : i32
    %mul3A_32 = arith.muli %select_n3A_30, %mul3A_31 : i32
    "tpu.region"() ({
      %run_scoped3A = tpu.sem_alloc : memref<!tpu.dma_semaphore, #tpu.memory_space<semaphore_mem>>
      %dma_start3A = arith.constant 0 : i32
      %dma_start3A_56 = tpu.memref_slice %arg2[%select_n3A, %dma_start3A, %mul3A_32] : memref<8x448x128xi32, #tpu.memory_space<hbm>> -> memref<1x448x32xi32, #tpu.memory_space<hbm>>
      %dma_start3A_57 = tpu.memref_squeeze %dma_start3A_56 : memref<1x448x32xi32, #tpu.memory_space<hbm>> -> memref<448x32xi32, #tpu.memory_space<hbm>>
      %dma_start3A_58 = arith.constant 0 : i32
      %dma_start3A_59 = tpu.memref_slice %arg2[%select_n3A, %dma_start3A_58, %mul3A_32] : memref<8x448x128xi32, #tpu.memory_space<hbm>> -> memref<1x448x32xi32, #tpu.memory_space<hbm>>
      %dma_start3A_60 = tpu.memref_squeeze %dma_start3A_59 : memref<1x448x32xi32, #tpu.memory_space<hbm>> -> memref<448x32xi32, #tpu.memory_space<hbm>>
      tpu.enqueue_dma source(%dma_start3A_60 : memref<448x32xi32, #tpu.memory_space<hbm>>) target(%arg6 : memref<448x32xi32, #tpu.memory_space<vmem>>) target_semaphore(%run_scoped3A : memref<!tpu.dma_semaphore, #tpu.memory_space<semaphore_mem>>)
      %dma_wait3A = arith.constant 0 : i32
      %dma_wait3A_61 = tpu.memref_slice %arg2[%select_n3A, %dma_wait3A, %mul3A_32] : memref<8x448x128xi32, #tpu.memory_space<hbm>> -> memref<1x448x32xi32, #tpu.memory_space<hbm>>
      %dma_wait3A_62 = tpu.memref_squeeze %dma_wait3A_61 : memref<1x448x32xi32, #tpu.memory_space<hbm>> -> memref<448x32xi32, #tpu.memory_space<hbm>>
      %dma_wait3A_63 = arith.constant 0 : i32
      %dma_wait3A_64 = tpu.memref_slice %arg2[%select_n3A, %dma_wait3A_63, %mul3A_32] : memref<8x448x128xi32, #tpu.memory_space<hbm>> -> memref<1x448x32xi32, #tpu.memory_space<hbm>>
      %dma_wait3A_65 = tpu.memref_squeeze %dma_wait3A_64 : memref<1x448x32xi32, #tpu.memory_space<hbm>> -> memref<448x32xi32, #tpu.memory_space<hbm>>
      tpu.wait_dma2 semaphore(%run_scoped3A : memref<!tpu.dma_semaphore, #tpu.memory_space<semaphore_mem>>) src(%dma_wait3A_65 : memref<448x32xi32, #tpu.memory_space<hbm>>) dst(%arg6 : memref<448x32xi32, #tpu.memory_space<vmem>>)
      tpu.yield
    }) : () -> ()
    %scan3A = arith.constant 0 : i32
    %scan3A_33 = arith.constant 0 : i32
    %scan3A_34 = arith.constant 416 : i32
    %scan3A_35 = arith.addi %scan3A_33, %scan3A_34 : i32
    %scan3A_36 = arith.constant 1 : i32
    scf.for %scan3A_56 = %scan3A_33 to %scan3A_35 step %scan3A_36  : i32 {
      %dma_start3A = arith.constant 0 : i32
      %dma_start3A_57 = tpu.memref_slice %arg7[%scan3A_56, %dma_start3A] : memref<448x32xf32, #tpu.memory_space<vmem>> -> memref<1x32xf32, #tpu.memory_space<vmem>>
      %dma_start3A_58 = tpu.memref_squeeze %dma_start3A_57 : memref<1x32xf32, #tpu.memory_space<vmem>> -> memref<32xf32, #tpu.memory_space<vmem>>
      %dma_start3A_59 = arith.constant 0 : i32
      %dma_start3A_60 = tpu.memref_slice %arg6[%scan3A_56, %dma_start3A_59] : memref<448x32xi32, #tpu.memory_space<vmem>> -> memref<1x32xi32, #tpu.memory_space<vmem>>
      %dma_start3A_61 = tpu.memref_squeeze %dma_start3A_60 : memref<1x32xi32, #tpu.memory_space<vmem>> -> memref<32xi32, #tpu.memory_space<vmem>>
      %dma_start3A_62 = arith.constant 0 : i32
      %dma_start3A_63 = tpu.memref_slice %arg3[%dma_start3A_62] : memref<16001024xf32, #tpu.memory_space<hbm>> -> memref<16001024xf32, #tpu.memory_space<hbm>>
      tpu.enqueue_indirect_dma source(%dma_start3A_63 : memref<16001024xf32, #tpu.memory_space<hbm>>) target(%dma_start3A_58 : memref<32xf32, #tpu.memory_space<vmem>>) offsets(%dma_start3A_61 : memref<32xi32, #tpu.memory_space<vmem>>) semaphore(%arg8 : memref<!tpu.dma_semaphore, #tpu.memory_space<semaphore_mem>>)
    }
    %scan3A_37 = arith.constant 416 : i32
    %scan3A_38 = arith.constant 0 : i32
    %scan3A_39 = arith.constant 0 : i32
    %scan3A_40 = arith.constant 26 : i32
    %scan3A_41 = arith.addi %scan3A_39, %scan3A_40 : i32
    %scan3A_42 = arith.constant 1 : i32
    scf.for %scan3A_56 = %scan3A_39 to %scan3A_41 step %scan3A_42  : i32 {
      %add3A_57 = arith.constant 416 : i32
      %add3A_58 = arith.addi %add3A_57, %scan3A_56 : i32
      %add3A_59 = arith.constant 416 : i32
      %add3A_60 = arith.addi %add3A_59, %scan3A_56 : i32
      %dma_start3A = arith.constant 0 : i32
      %dma_start3A_61 = tpu.memref_slice %arg7[%add3A_60, %dma_start3A] : memref<448x32xf32, #tpu.memory_space<vmem>> -> memref<1x32xf32, #tpu.memory_space<vmem>>
      %dma_start3A_62 = tpu.memref_squeeze %dma_start3A_61 : memref<1x32xf32, #tpu.memory_space<vmem>> -> memref<32xf32, #tpu.memory_space<vmem>>
      %dma_start3A_63 = arith.constant 0 : i32
      %dma_start3A_64 = tpu.memref_slice %arg6[%add3A_58, %dma_start3A_63] : memref<448x32xi32, #tpu.memory_space<vmem>> -> memref<1x32xi32, #tpu.memory_space<vmem>>
      %dma_start3A_65 = tpu.memref_squeeze %dma_start3A_64 : memref<1x32xi32, #tpu.memory_space<vmem>> -> memref<32xi32, #tpu.memory_space<vmem>>
      %dma_start3A_66 = arith.constant 0 : i32
      %dma_start3A_67 = tpu.memref_slice %arg4[%dma_start3A_66] : memref<8000512xf32, #tpu.memory_space<hbm>> -> memref<8000512xf32, #tpu.memory_space<hbm>>
      tpu.enqueue_indirect_dma source(%dma_start3A_67 : memref<8000512xf32, #tpu.memory_space<hbm>>) target(%dma_start3A_62 : memref<32xf32, #tpu.memory_space<vmem>>) offsets(%dma_start3A_65 : memref<32xi32, #tpu.memory_space<vmem>>) semaphore(%arg9 : memref<!tpu.dma_semaphore, #tpu.memory_space<semaphore_mem>>)
    }
    %scan3A_43 = arith.constant 26 : i32
    %scan3A_44 = arith.constant 0 : i32
    %scan3A_45 = arith.constant 0 : i32
    %scan3A_46 = arith.constant 416 : i32
    %scan3A_47 = arith.addi %scan3A_45, %scan3A_46 : i32
    %scan3A_48 = arith.constant 1 : i32
    scf.for %scan3A_56 = %scan3A_45 to %scan3A_47 step %scan3A_48  : i32 {
      %dma_wait3A = arith.constant 0 : i32
      %dma_wait3A_57 = arith.constant 0 : i32
      %dma_wait3A_58 = arith.constant 0 : i32
      %dma_wait3A_59 = tpu.memref_slice %arg7[%dma_wait3A_57, %dma_wait3A_58] : memref<448x32xf32, #tpu.memory_space<vmem>> -> memref<1x32xf32, #tpu.memory_space<vmem>>
      %dma_wait3A_60 = tpu.memref_squeeze %dma_wait3A_59 : memref<1x32xf32, #tpu.memory_space<vmem>> -> memref<32xf32, #tpu.memory_space<vmem>>
      %dma_wait3A_61 = arith.constant 0 : i32
      %dma_wait3A_62 = tpu.memref_slice %arg6[%dma_wait3A, %dma_wait3A_61] : memref<448x32xi32, #tpu.memory_space<vmem>> -> memref<1x32xi32, #tpu.memory_space<vmem>>
      %dma_wait3A_63 = tpu.memref_squeeze %dma_wait3A_62 : memref<1x32xi32, #tpu.memory_space<vmem>> -> memref<32xi32, #tpu.memory_space<vmem>>
      %dma_wait3A_64 = arith.constant 0 : i32
      %dma_wait3A_65 = tpu.memref_slice %arg3[%dma_wait3A_64] : memref<16001024xf32, #tpu.memory_space<hbm>> -> memref<16001024xf32, #tpu.memory_space<hbm>>
      tpu.wait_indirect_dma semaphore(%arg8 : memref<!tpu.dma_semaphore, #tpu.memory_space<semaphore_mem>>) src(%dma_wait3A_65 : memref<16001024xf32, #tpu.memory_space<hbm>>) dst(%dma_wait3A_60 : memref<32xf32, #tpu.memory_space<vmem>>)
    }
    %scan3A_49 = arith.constant 416 : i32
    %scan3A_50 = arith.constant 0 : i32
    %scan3A_51 = arith.constant 0 : i32
    %scan3A_52 = arith.constant 26 : i32
    %scan3A_53 = arith.addi %scan3A_51, %scan3A_52 : i32
    %scan3A_54 = arith.constant 1 : i32
    scf.for %scan3A_56 = %scan3A_51 to %scan3A_53 step %scan3A_54  : i32 {
      %dma_wait3A = arith.constant 0 : i32
      %dma_wait3A_57 = arith.constant 0 : i32
      %dma_wait3A_58 = arith.constant 0 : i32
      %dma_wait3A_59 = tpu.memref_slice %arg7[%dma_wait3A_57, %dma_wait3A_58] : memref<448x32xf32, #tpu.memory_space<vmem>> -> memref<1x32xf32, #tpu.memory_space<vmem>>
      %dma_wait3A_60 = tpu.memref_squeeze %dma_wait3A_59 : memref<1x32xf32, #tpu.memory_space<vmem>> -> memref<32xf32, #tpu.memory_space<vmem>>
      %dma_wait3A_61 = arith.constant 0 : i32
      %dma_wait3A_62 = tpu.memref_slice %arg6[%dma_wait3A, %dma_wait3A_61] : memref<448x32xi32, #tpu.memory_space<vmem>> -> memref<1x32xi32, #tpu.memory_space<vmem>>
      %dma_wait3A_63 = tpu.memref_squeeze %dma_wait3A_62 : memref<1x32xi32, #tpu.memory_space<vmem>> -> memref<32xi32, #tpu.memory_space<vmem>>
      %dma_wait3A_64 = arith.constant 0 : i32
      %dma_wait3A_65 = tpu.memref_slice %arg4[%dma_wait3A_64] : memref<8000512xf32, #tpu.memory_space<hbm>> -> memref<8000512xf32, #tpu.memory_space<hbm>>
      tpu.wait_indirect_dma semaphore(%arg9 : memref<!tpu.dma_semaphore, #tpu.memory_space<semaphore_mem>>) src(%dma_wait3A_65 : memref<8000512xf32, #tpu.memory_space<hbm>>) dst(%dma_wait3A_60 : memref<32xf32, #tpu.memory_space<vmem>>)
    }
    %scan3A_55 = arith.constant 26 : i32
    "tpu.region"() ({
      %run_scoped3A = tpu.sem_alloc : memref<!tpu.dma_semaphore, #tpu.memory_space<semaphore_mem>>
      %dma_start3A = arith.constant 0 : i32
      %dma_start3A_56 = tpu.memref_slice %arg5[%select_n3A, %dma_start3A, %mul3A_32] : memref<8x448x128xf32, #tpu.memory_space<hbm>> -> memref<1x448x32xf32, #tpu.memory_space<hbm>>
      %dma_start3A_57 = tpu.memref_squeeze %dma_start3A_56 : memref<1x448x32xf32, #tpu.memory_space<hbm>> -> memref<448x32xf32, #tpu.memory_space<hbm>>
      %dma_start3A_58 = arith.constant 0 : i32
      %dma_start3A_59 = tpu.memref_slice %arg5[%select_n3A, %dma_start3A_58, %mul3A_32] : memref<8x448x128xf32, #tpu.memory_space<hbm>> -> memref<1x448x32xf32, #tpu.memory_space<hbm>>
      %dma_start3A_60 = tpu.memref_squeeze %dma_start3A_59 : memref<1x448x32xf32, #tpu.memory_space<hbm>> -> memref<448x32xf32, #tpu.memory_space<hbm>>
      tpu.enqueue_dma source(%arg7 : memref<448x32xf32, #tpu.memory_space<vmem>>) target(%dma_start3A_60 : memref<448x32xf32, #tpu.memory_space<hbm>>) target_semaphore(%run_scoped3A : memref<!tpu.dma_semaphore, #tpu.memory_space<semaphore_mem>>)
      %dma_wait3A = arith.constant 0 : i32
      %dma_wait3A_61 = tpu.memref_slice %arg5[%select_n3A, %dma_wait3A, %mul3A_32] : memref<8x448x128xf32, #tpu.memory_space<hbm>> -> memref<1x448x32xf32, #tpu.memory_space<hbm>>
      %dma_wait3A_62 = tpu.memref_squeeze %dma_wait3A_61 : memref<1x448x32xf32, #tpu.memory_space<hbm>> -> memref<448x32xf32, #tpu.memory_space<hbm>>
      %dma_wait3A_63 = arith.constant 0 : i32
      %dma_wait3A_64 = tpu.memref_slice %arg5[%select_n3A, %dma_wait3A_63, %mul3A_32] : memref<8x448x128xf32, #tpu.memory_space<hbm>> -> memref<1x448x32xf32, #tpu.memory_space<hbm>>
      %dma_wait3A_65 = tpu.memref_squeeze %dma_wait3A_64 : memref<1x448x32xf32, #tpu.memory_space<hbm>> -> memref<448x32xf32, #tpu.memory_space<hbm>>
      tpu.wait_dma2 semaphore(%run_scoped3A : memref<!tpu.dma_semaphore, #tpu.memory_space<semaphore_mem>>) src(%arg7 : memref<448x32xf32, #tpu.memory_space<vmem>>) dst(%dma_wait3A_65 : memref<448x32xf32, #tpu.memory_space<hbm>>)
      tpu.yield
    }) : () -> ()
    return
  }
}

module attributes {stable_mosaic.version = 14 : i64} {
  func.func @_tc_body(%arg0: i32, %arg1: memref<1x448x128xf32, #tpu.memory_space<vmem>>, %arg2: memref<26x128xf32, #tpu.memory_space<vmem>>, %arg3: memref<256x256xf32, #tpu.memory_space<vmem>>, %arg4: memref<256x1xf32, #tpu.memory_space<vmem>>, %arg5: memref<16x256xf32, #tpu.memory_space<vmem>>, %arg6: memref<16x1xf32, #tpu.memory_space<vmem>>, %arg7: memref<1x1xf32, #tpu.memory_space<vmem>>, %arg8: memref<1x1x128xf32, #tpu.memory_space<vmem>>, %arg9: memref<336x16x128xf32, #tpu.memory_space<vmem>>, %arg10: memref<336x128xf32, #tpu.memory_space<vmem>>) attributes {dimension_semantics = [#tpu.dimension_semantics<arbitrary>], iteration_bounds = array<i64: 8>, scalar_prefetch = 0 : i64, scratch_operands = 2 : i64, tpu.core_type = #tpu.core_type<tc>, window_params = [{transform_indices = @transform_0, window_bounds = array<i64: 1, 448, 128>}, {transform_indices = @transform_1, window_bounds = array<i64: 26, 128>}, {pipeline_mode = #tpu.pipeline_mode<synchronous>, transform_indices = @transform_2, window_bounds = array<i64: 256, 256>}, {pipeline_mode = #tpu.pipeline_mode<synchronous>, transform_indices = @transform_3, window_bounds = array<i64: 256, 1>}, {pipeline_mode = #tpu.pipeline_mode<synchronous>, transform_indices = @transform_4, window_bounds = array<i64: 16, 256>}, {pipeline_mode = #tpu.pipeline_mode<synchronous>, transform_indices = @transform_5, window_bounds = array<i64: 16, 1>}, {pipeline_mode = #tpu.pipeline_mode<synchronous>, transform_indices = @transform_6, window_bounds = array<i64: 1, 1>}, {transform_indices = @transform_7, window_bounds = array<i64: 1, 1, 128>}]} {
    %get3A = arith.constant 0 : index
    %get3A_0 = arith.constant 0 : index
    %get3A_1 = vector.load %arg2[%get3A, %get3A_0] : memref<26x128xf32, #tpu.memory_space<vmem>>, vector<26x128xf32>
    %get3A_2 = arith.constant 0 : index
    %get3A_3 = arith.constant 0 : index
    %get3A_4 = arith.constant 0 : index
    %get3A_5 = vector.load %arg1[%get3A_2, %get3A_3, %get3A_4] : memref<1x448x128xf32, #tpu.memory_space<vmem>>, vector<1x448x128xf32>
    %get3A_6 = vector.shape_cast %get3A_5 : vector<1x448x128xf32> to vector<448x128xf32>
    %slice3A = vector.extract_strided_slice %get3A_6 {offsets = [0, 0], sizes = [416, 128], strides = [1, 1]} : vector<448x128xf32> to vector<416x128xf32>
    %reshape3A = vector.shape_cast %slice3A : vector<416x128xf32> to vector<26x16x128xf32>
    %slice3A_7 = vector.extract_strided_slice %get3A_6 {offsets = [416, 0], sizes = [26, 128], strides = [1, 1]} : vector<448x128xf32> to vector<26x128xf32>
    %broadcast_in_dim3A = vector.shape_cast %get3A_1 : vector<26x128xf32> to vector<26x1x128xf32>
    %mul3A = vector.broadcast %broadcast_in_dim3A : vector<26x1x128xf32> to vector<26x16x128xf32>
    %mul3A_8 = arith.mulf %reshape3A, %mul3A : vector<26x16x128xf32>
    %slice3A_9 = vector.extract_strided_slice %mul3A_8 {offsets = [1, 0, 0], sizes = [25, 16, 128], strides = [1, 1, 1]} : vector<26x16x128xf32> to vector<25x16x128xf32>
    %slice3A_10 = vector.extract_strided_slice %mul3A_8 {offsets = [0, 0, 0], sizes = [1, 16, 128], strides = [1, 1, 1]} : vector<26x16x128xf32> to vector<1x16x128xf32>
    %mul3A_11 = vector.broadcast %slice3A_10 : vector<1x16x128xf32> to vector<25x16x128xf32>
    %mul3A_12 = arith.mulf %slice3A_9, %mul3A_11 : vector<25x16x128xf32>
    %swap3A = arith.constant 0 : index
    %swap3A_13 = arith.constant 0 : index
    %swap3A_14 = arith.constant 0 : index
    %swap3A_15 = vector.load %arg9[%swap3A, %swap3A_13, %swap3A_14] : memref<336x16x128xf32, #tpu.memory_space<vmem>>, vector<25x16x128xf32>
    tpu.vector_store %arg9[%swap3A, %swap3A_13, %swap3A_14], %mul3A_12 {strides = array<i32>} : memref<336x16x128xf32, #tpu.memory_space<vmem>>, vector<25x16x128xf32>,
    %slice3A_16 = vector.extract_strided_slice %mul3A_8 {offsets = [2, 0, 0], sizes = [24, 16, 128], strides = [1, 1, 1]} : vector<26x16x128xf32> to vector<24x16x128xf32>
    %slice3A_17 = vector.extract_strided_slice %mul3A_8 {offsets = [1, 0, 0], sizes = [1, 16, 128], strides = [1, 1, 1]} : vector<26x16x128xf32> to vector<1x16x128xf32>
    %mul3A_18 = vector.broadcast %slice3A_17 : vector<1x16x128xf32> to vector<24x16x128xf32>
    %mul3A_19 = arith.mulf %slice3A_16, %mul3A_18 : vector<24x16x128xf32>
    %swap3A_20 = arith.constant 25 : index
    %swap3A_21 = arith.constant 0 : index
    %swap3A_22 = arith.constant 0 : index
    %swap3A_23 = vector.load %arg9[%swap3A_20, %swap3A_21, %swap3A_22] : memref<336x16x128xf32, #tpu.memory_space<vmem>>, vector<24x16x128xf32>
    tpu.vector_store %arg9[%swap3A_20, %swap3A_21, %swap3A_22], %mul3A_19 {strides = array<i32>} : memref<336x16x128xf32, #tpu.memory_space<vmem>>, vector<24x16x128xf32>,
    %slice3A_24 = vector.extract_strided_slice %mul3A_8 {offsets = [3, 0, 0], sizes = [23, 16, 128], strides = [1, 1, 1]} : vector<26x16x128xf32> to vector<23x16x128xf32>
    %slice3A_25 = vector.extract_strided_slice %mul3A_8 {offsets = [2, 0, 0], sizes = [1, 16, 128], strides = [1, 1, 1]} : vector<26x16x128xf32> to vector<1x16x128xf32>
    %mul3A_26 = vector.broadcast %slice3A_25 : vector<1x16x128xf32> to vector<23x16x128xf32>
    %mul3A_27 = arith.mulf %slice3A_24, %mul3A_26 : vector<23x16x128xf32>
    %swap3A_28 = arith.constant 49 : index
    %swap3A_29 = arith.constant 0 : index
    %swap3A_30 = arith.constant 0 : index
    %swap3A_31 = vector.load %arg9[%swap3A_28, %swap3A_29, %swap3A_30] : memref<336x16x128xf32, #tpu.memory_space<vmem>>, vector<23x16x128xf32>
    tpu.vector_store %arg9[%swap3A_28, %swap3A_29, %swap3A_30], %mul3A_27 {strides = array<i32>} : memref<336x16x128xf32, #tpu.memory_space<vmem>>, vector<23x16x128xf32>,
    %slice3A_32 = vector.extract_strided_slice %mul3A_8 {offsets = [4, 0, 0], sizes = [22, 16, 128], strides = [1, 1, 1]} : vector<26x16x128xf32> to vector<22x16x128xf32>
    %slice3A_33 = vector.extract_strided_slice %mul3A_8 {offsets = [3, 0, 0], sizes = [1, 16, 128], strides = [1, 1, 1]} : vector<26x16x128xf32> to vector<1x16x128xf32>
    %mul3A_34 = vector.broadcast %slice3A_33 : vector<1x16x128xf32> to vector<22x16x128xf32>
    %mul3A_35 = arith.mulf %slice3A_32, %mul3A_34 : vector<22x16x128xf32>
    %swap3A_36 = arith.constant 72 : index
    %swap3A_37 = arith.constant 0 : index
    %swap3A_38 = arith.constant 0 : index
    %swap3A_39 = vector.load %arg9[%swap3A_36, %swap3A_37, %swap3A_38] : memref<336x16x128xf32, #tpu.memory_space<vmem>>, vector<22x16x128xf32>
    tpu.vector_store %arg9[%swap3A_36, %swap3A_37, %swap3A_38], %mul3A_35 {strides = array<i32>} : memref<336x16x128xf32, #tpu.memory_space<vmem>>, vector<22x16x128xf32>,
    %slice3A_40 = vector.extract_strided_slice %mul3A_8 {offsets = [5, 0, 0], sizes = [21, 16, 128], strides = [1, 1, 1]} : vector<26x16x128xf32> to vector<21x16x128xf32>
    %slice3A_41 = vector.extract_strided_slice %mul3A_8 {offsets = [4, 0, 0], sizes = [1, 16, 128], strides = [1, 1, 1]} : vector<26x16x128xf32> to vector<1x16x128xf32>
    %mul3A_42 = vector.broadcast %slice3A_41 : vector<1x16x128xf32> to vector<21x16x128xf32>
    %mul3A_43 = arith.mulf %slice3A_40, %mul3A_42 : vector<21x16x128xf32>
    %swap3A_44 = arith.constant 94 : index
    %swap3A_45 = arith.constant 0 : index
    %swap3A_46 = arith.constant 0 : index
    %swap3A_47 = vector.load %arg9[%swap3A_44, %swap3A_45, %swap3A_46] : memref<336x16x128xf32, #tpu.memory_space<vmem>>, vector<21x16x128xf32>
    tpu.vector_store %arg9[%swap3A_44, %swap3A_45, %swap3A_46], %mul3A_43 {strides = array<i32>} : memref<336x16x128xf32, #tpu.memory_space<vmem>>, vector<21x16x128xf32>,
    %slice3A_48 = vector.extract_strided_slice %mul3A_8 {offsets = [6, 0, 0], sizes = [20, 16, 128], strides = [1, 1, 1]} : vector<26x16x128xf32> to vector<20x16x128xf32>
    %slice3A_49 = vector.extract_strided_slice %mul3A_8 {offsets = [5, 0, 0], sizes = [1, 16, 128], strides = [1, 1, 1]} : vector<26x16x128xf32> to vector<1x16x128xf32>
    %mul3A_50 = vector.broadcast %slice3A_49 : vector<1x16x128xf32> to vector<20x16x128xf32>
    %mul3A_51 = arith.mulf %slice3A_48, %mul3A_50 : vector<20x16x128xf32>
    %swap3A_52 = arith.constant 115 : index
    %swap3A_53 = arith.constant 0 : index
    %swap3A_54 = arith.constant 0 : index
    %swap3A_55 = vector.load %arg9[%swap3A_52, %swap3A_53, %swap3A_54] : memref<336x16x128xf32, #tpu.memory_space<vmem>>, vector<20x16x128xf32>
    tpu.vector_store %arg9[%swap3A_52, %swap3A_53, %swap3A_54], %mul3A_51 {strides = array<i32>} : memref<336x16x128xf32, #tpu.memory_space<vmem>>, vector<20x16x128xf32>,
    %slice3A_56 = vector.extract_strided_slice %mul3A_8 {offsets = [7, 0, 0], sizes = [19, 16, 128], strides = [1, 1, 1]} : vector<26x16x128xf32> to vector<19x16x128xf32>
    %slice3A_57 = vector.extract_strided_slice %mul3A_8 {offsets = [6, 0, 0], sizes = [1, 16, 128], strides = [1, 1, 1]} : vector<26x16x128xf32> to vector<1x16x128xf32>
    %mul3A_58 = vector.broadcast %slice3A_57 : vector<1x16x128xf32> to vector<19x16x128xf32>
    %mul3A_59 = arith.mulf %slice3A_56, %mul3A_58 : vector<19x16x128xf32>
    %swap3A_60 = arith.constant 135 : index
    %swap3A_61 = arith.constant 0 : index
    %swap3A_62 = arith.constant 0 : index
    %swap3A_63 = vector.load %arg9[%swap3A_60, %swap3A_61, %swap3A_62] : memref<336x16x128xf32, #tpu.memory_space<vmem>>, vector<19x16x128xf32>
    tpu.vector_store %arg9[%swap3A_60, %swap3A_61, %swap3A_62], %mul3A_59 {strides = array<i32>} : memref<336x16x128xf32, #tpu.memory_space<vmem>>, vector<19x16x128xf32>,
    %slice3A_64 = vector.extract_strided_slice %mul3A_8 {offsets = [8, 0, 0], sizes = [18, 16, 128], strides = [1, 1, 1]} : vector<26x16x128xf32> to vector<18x16x128xf32>
    %slice3A_65 = vector.extract_strided_slice %mul3A_8 {offsets = [7, 0, 0], sizes = [1, 16, 128], strides = [1, 1, 1]} : vector<26x16x128xf32> to vector<1x16x128xf32>
    %mul3A_66 = vector.broadcast %slice3A_65 : vector<1x16x128xf32> to vector<18x16x128xf32>
    %mul3A_67 = arith.mulf %slice3A_64, %mul3A_66 : vector<18x16x128xf32>
    %swap3A_68 = arith.constant 154 : index
    %swap3A_69 = arith.constant 0 : index
    %swap3A_70 = arith.constant 0 : index
    %swap3A_71 = vector.load %arg9[%swap3A_68, %swap3A_69, %swap3A_70] : memref<336x16x128xf32, #tpu.memory_space<vmem>>, vector<18x16x128xf32>
    tpu.vector_store %arg9[%swap3A_68, %swap3A_69, %swap3A_70], %mul3A_67 {strides = array<i32>} : memref<336x16x128xf32, #tpu.memory_space<vmem>>, vector<18x16x128xf32>,
    %slice3A_72 = vector.extract_strided_slice %mul3A_8 {offsets = [9, 0, 0], sizes = [17, 16, 128], strides = [1, 1, 1]} : vector<26x16x128xf32> to vector<17x16x128xf32>
    %slice3A_73 = vector.extract_strided_slice %mul3A_8 {offsets = [8, 0, 0], sizes = [1, 16, 128], strides = [1, 1, 1]} : vector<26x16x128xf32> to vector<1x16x128xf32>
    %mul3A_74 = vector.broadcast %slice3A_73 : vector<1x16x128xf32> to vector<17x16x128xf32>
    %mul3A_75 = arith.mulf %slice3A_72, %mul3A_74 : vector<17x16x128xf32>
    %swap3A_76 = arith.constant 172 : index
    %swap3A_77 = arith.constant 0 : index
    %swap3A_78 = arith.constant 0 : index
    %swap3A_79 = vector.load %arg9[%swap3A_76, %swap3A_77, %swap3A_78] : memref<336x16x128xf32, #tpu.memory_space<vmem>>, vector<17x16x128xf32>
    tpu.vector_store %arg9[%swap3A_76, %swap3A_77, %swap3A_78], %mul3A_75 {strides = array<i32>} : memref<336x16x128xf32, #tpu.memory_space<vmem>>, vector<17x16x128xf32>,
    %slice3A_80 = vector.extract_strided_slice %mul3A_8 {offsets = [10, 0, 0], sizes = [16, 16, 128], strides = [1, 1, 1]} : vector<26x16x128xf32> to vector<16x16x128xf32>
    %slice3A_81 = vector.extract_strided_slice %mul3A_8 {offsets = [9, 0, 0], sizes = [1, 16, 128], strides = [1, 1, 1]} : vector<26x16x128xf32> to vector<1x16x128xf32>
    %mul3A_82 = vector.broadcast %slice3A_81 : vector<1x16x128xf32> to vector<16x16x128xf32>
    %mul3A_83 = arith.mulf %slice3A_80, %mul3A_82 : vector<16x16x128xf32>
    %swap3A_84 = arith.constant 189 : index
    %swap3A_85 = arith.constant 0 : index
    %swap3A_86 = arith.constant 0 : index
    %swap3A_87 = vector.load %arg9[%swap3A_84, %swap3A_85, %swap3A_86] : memref<336x16x128xf32, #tpu.memory_space<vmem>>, vector<16x16x128xf32>
    tpu.vector_store %arg9[%swap3A_84, %swap3A_85, %swap3A_86], %mul3A_83 {strides = array<i32>} : memref<336x16x128xf32, #tpu.memory_space<vmem>>, vector<16x16x128xf32>,
    %slice3A_88 = vector.extract_strided_slice %mul3A_8 {offsets = [11, 0, 0], sizes = [15, 16, 128], strides = [1, 1, 1]} : vector<26x16x128xf32> to vector<15x16x128xf32>
    %slice3A_89 = vector.extract_strided_slice %mul3A_8 {offsets = [10, 0, 0], sizes = [1, 16, 128], strides = [1, 1, 1]} : vector<26x16x128xf32> to vector<1x16x128xf32>
    %mul3A_90 = vector.broadcast %slice3A_89 : vector<1x16x128xf32> to vector<15x16x128xf32>
    %mul3A_91 = arith.mulf %slice3A_88, %mul3A_90 : vector<15x16x128xf32>
    %swap3A_92 = arith.constant 205 : index
    %swap3A_93 = arith.constant 0 : index
    %swap3A_94 = arith.constant 0 : index
    %swap3A_95 = vector.load %arg9[%swap3A_92, %swap3A_93, %swap3A_94] : memref<336x16x128xf32, #tpu.memory_space<vmem>>, vector<15x16x128xf32>
    tpu.vector_store %arg9[%swap3A_92, %swap3A_93, %swap3A_94], %mul3A_91 {strides = array<i32>} : memref<336x16x128xf32, #tpu.memory_space<vmem>>, vector<15x16x128xf32>,
    %slice3A_96 = vector.extract_strided_slice %mul3A_8 {offsets = [12, 0, 0], sizes = [14, 16, 128], strides = [1, 1, 1]} : vector<26x16x128xf32> to vector<14x16x128xf32>
    %slice3A_97 = vector.extract_strided_slice %mul3A_8 {offsets = [11, 0, 0], sizes = [1, 16, 128], strides = [1, 1, 1]} : vector<26x16x128xf32> to vector<1x16x128xf32>
    %mul3A_98 = vector.broadcast %slice3A_97 : vector<1x16x128xf32> to vector<14x16x128xf32>
    %mul3A_99 = arith.mulf %slice3A_96, %mul3A_98 : vector<14x16x128xf32>
    %swap3A_100 = arith.constant 220 : index
    %swap3A_101 = arith.constant 0 : index
    %swap3A_102 = arith.constant 0 : index
    %swap3A_103 = vector.load %arg9[%swap3A_100, %swap3A_101, %swap3A_102] : memref<336x16x128xf32, #tpu.memory_space<vmem>>, vector<14x16x128xf32>
    tpu.vector_store %arg9[%swap3A_100, %swap3A_101, %swap3A_102], %mul3A_99 {strides = array<i32>} : memref<336x16x128xf32, #tpu.memory_space<vmem>>, vector<14x16x128xf32>,
    %slice3A_104 = vector.extract_strided_slice %mul3A_8 {offsets = [13, 0, 0], sizes = [13, 16, 128], strides = [1, 1, 1]} : vector<26x16x128xf32> to vector<13x16x128xf32>
    %slice3A_105 = vector.extract_strided_slice %mul3A_8 {offsets = [12, 0, 0], sizes = [1, 16, 128], strides = [1, 1, 1]} : vector<26x16x128xf32> to vector<1x16x128xf32>
    %mul3A_106 = vector.broadcast %slice3A_105 : vector<1x16x128xf32> to vector<13x16x128xf32>
    %mul3A_107 = arith.mulf %slice3A_104, %mul3A_106 : vector<13x16x128xf32>
    %swap3A_108 = arith.constant 234 : index
    %swap3A_109 = arith.constant 0 : index
    %swap3A_110 = arith.constant 0 : index
    %swap3A_111 = vector.load %arg9[%swap3A_108, %swap3A_109, %swap3A_110] : memref<336x16x128xf32, #tpu.memory_space<vmem>>, vector<13x16x128xf32>
    tpu.vector_store %arg9[%swap3A_108, %swap3A_109, %swap3A_110], %mul3A_107 {strides = array<i32>} : memref<336x16x128xf32, #tpu.memory_space<vmem>>, vector<13x16x128xf32>,
    %slice3A_112 = vector.extract_strided_slice %mul3A_8 {offsets = [14, 0, 0], sizes = [12, 16, 128], strides = [1, 1, 1]} : vector<26x16x128xf32> to vector<12x16x128xf32>
    %slice3A_113 = vector.extract_strided_slice %mul3A_8 {offsets = [13, 0, 0], sizes = [1, 16, 128], strides = [1, 1, 1]} : vector<26x16x128xf32> to vector<1x16x128xf32>
    %mul3A_114 = vector.broadcast %slice3A_113 : vector<1x16x128xf32> to vector<12x16x128xf32>
    %mul3A_115 = arith.mulf %slice3A_112, %mul3A_114 : vector<12x16x128xf32>
    %swap3A_116 = arith.constant 247 : index
    %swap3A_117 = arith.constant 0 : index
    %swap3A_118 = arith.constant 0 : index
    %swap3A_119 = vector.load %arg9[%swap3A_116, %swap3A_117, %swap3A_118] : memref<336x16x128xf32, #tpu.memory_space<vmem>>, vector<12x16x128xf32>
    tpu.vector_store %arg9[%swap3A_116, %swap3A_117, %swap3A_118], %mul3A_115 {strides = array<i32>} : memref<336x16x128xf32, #tpu.memory_space<vmem>>, vector<12x16x128xf32>,
    %slice3A_120 = vector.extract_strided_slice %mul3A_8 {offsets = [15, 0, 0], sizes = [11, 16, 128], strides = [1, 1, 1]} : vector<26x16x128xf32> to vector<11x16x128xf32>
    %slice3A_121 = vector.extract_strided_slice %mul3A_8 {offsets = [14, 0, 0], sizes = [1, 16, 128], strides = [1, 1, 1]} : vector<26x16x128xf32> to vector<1x16x128xf32>
    %mul3A_122 = vector.broadcast %slice3A_121 : vector<1x16x128xf32> to vector<11x16x128xf32>
    %mul3A_123 = arith.mulf %slice3A_120, %mul3A_122 : vector<11x16x128xf32>
    %swap3A_124 = arith.constant 259 : index
    %swap3A_125 = arith.constant 0 : index
    %swap3A_126 = arith.constant 0 : index
    %swap3A_127 = vector.load %arg9[%swap3A_124, %swap3A_125, %swap3A_126] : memref<336x16x128xf32, #tpu.memory_space<vmem>>, vector<11x16x128xf32>
    tpu.vector_store %arg9[%swap3A_124, %swap3A_125, %swap3A_126], %mul3A_123 {strides = array<i32>} : memref<336x16x128xf32, #tpu.memory_space<vmem>>, vector<11x16x128xf32>,
    %slice3A_128 = vector.extract_strided_slice %mul3A_8 {offsets = [16, 0, 0], sizes = [10, 16, 128], strides = [1, 1, 1]} : vector<26x16x128xf32> to vector<10x16x128xf32>
    %slice3A_129 = vector.extract_strided_slice %mul3A_8 {offsets = [15, 0, 0], sizes = [1, 16, 128], strides = [1, 1, 1]} : vector<26x16x128xf32> to vector<1x16x128xf32>
    %mul3A_130 = vector.broadcast %slice3A_129 : vector<1x16x128xf32> to vector<10x16x128xf32>
    %mul3A_131 = arith.mulf %slice3A_128, %mul3A_130 : vector<10x16x128xf32>
    %swap3A_132 = arith.constant 270 : index
    %swap3A_133 = arith.constant 0 : index
    %swap3A_134 = arith.constant 0 : index
    %swap3A_135 = vector.load %arg9[%swap3A_132, %swap3A_133, %swap3A_134] : memref<336x16x128xf32, #tpu.memory_space<vmem>>, vector<10x16x128xf32>
    tpu.vector_store %arg9[%swap3A_132, %swap3A_133, %swap3A_134], %mul3A_131 {strides = array<i32>} : memref<336x16x128xf32, #tpu.memory_space<vmem>>, vector<10x16x128xf32>,
    %slice3A_136 = vector.extract_strided_slice %mul3A_8 {offsets = [17, 0, 0], sizes = [9, 16, 128], strides = [1, 1, 1]} : vector<26x16x128xf32> to vector<9x16x128xf32>
    %slice3A_137 = vector.extract_strided_slice %mul3A_8 {offsets = [16, 0, 0], sizes = [1, 16, 128], strides = [1, 1, 1]} : vector<26x16x128xf32> to vector<1x16x128xf32>
    %mul3A_138 = vector.broadcast %slice3A_137 : vector<1x16x128xf32> to vector<9x16x128xf32>
    %mul3A_139 = arith.mulf %slice3A_136, %mul3A_138 : vector<9x16x128xf32>
    %swap3A_140 = arith.constant 280 : index
    %swap3A_141 = arith.constant 0 : index
    %swap3A_142 = arith.constant 0 : index
    %swap3A_143 = vector.load %arg9[%swap3A_140, %swap3A_141, %swap3A_142] : memref<336x16x128xf32, #tpu.memory_space<vmem>>, vector<9x16x128xf32>
    tpu.vector_store %arg9[%swap3A_140, %swap3A_141, %swap3A_142], %mul3A_139 {strides = array<i32>} : memref<336x16x128xf32, #tpu.memory_space<vmem>>, vector<9x16x128xf32>,
    %slice3A_144 = vector.extract_strided_slice %mul3A_8 {offsets = [18, 0, 0], sizes = [8, 16, 128], strides = [1, 1, 1]} : vector<26x16x128xf32> to vector<8x16x128xf32>
    %slice3A_145 = vector.extract_strided_slice %mul3A_8 {offsets = [17, 0, 0], sizes = [1, 16, 128], strides = [1, 1, 1]} : vector<26x16x128xf32> to vector<1x16x128xf32>
    %mul3A_146 = vector.broadcast %slice3A_145 : vector<1x16x128xf32> to vector<8x16x128xf32>
    %mul3A_147 = arith.mulf %slice3A_144, %mul3A_146 : vector<8x16x128xf32>
    %swap3A_148 = arith.constant 289 : index
    %swap3A_149 = arith.constant 0 : index
    %swap3A_150 = arith.constant 0 : index
    %swap3A_151 = vector.load %arg9[%swap3A_148, %swap3A_149, %swap3A_150] : memref<336x16x128xf32, #tpu.memory_space<vmem>>, vector<8x16x128xf32>
    tpu.vector_store %arg9[%swap3A_148, %swap3A_149, %swap3A_150], %mul3A_147 {strides = array<i32>} : memref<336x16x128xf32, #tpu.memory_space<vmem>>, vector<8x16x128xf32>,
    %slice3A_152 = vector.extract_strided_slice %mul3A_8 {offsets = [19, 0, 0], sizes = [7, 16, 128], strides = [1, 1, 1]} : vector<26x16x128xf32> to vector<7x16x128xf32>
    %slice3A_153 = vector.extract_strided_slice %mul3A_8 {offsets = [18, 0, 0], sizes = [1, 16, 128], strides = [1, 1, 1]} : vector<26x16x128xf32> to vector<1x16x128xf32>
    %mul3A_154 = vector.broadcast %slice3A_153 : vector<1x16x128xf32> to vector<7x16x128xf32>
    %mul3A_155 = arith.mulf %slice3A_152, %mul3A_154 : vector<7x16x128xf32>
    %swap3A_156 = arith.constant 297 : index
    %swap3A_157 = arith.constant 0 : index
    %swap3A_158 = arith.constant 0 : index
    %swap3A_159 = vector.load %arg9[%swap3A_156, %swap3A_157, %swap3A_158] : memref<336x16x128xf32, #tpu.memory_space<vmem>>, vector<7x16x128xf32>
    tpu.vector_store %arg9[%swap3A_156, %swap3A_157, %swap3A_158], %mul3A_155 {strides = array<i32>} : memref<336x16x128xf32, #tpu.memory_space<vmem>>, vector<7x16x128xf32>,
    %slice3A_160 = vector.extract_strided_slice %mul3A_8 {offsets = [20, 0, 0], sizes = [6, 16, 128], strides = [1, 1, 1]} : vector<26x16x128xf32> to vector<6x16x128xf32>
    %slice3A_161 = vector.extract_strided_slice %mul3A_8 {offsets = [19, 0, 0], sizes = [1, 16, 128], strides = [1, 1, 1]} : vector<26x16x128xf32> to vector<1x16x128xf32>
    %mul3A_162 = vector.broadcast %slice3A_161 : vector<1x16x128xf32> to vector<6x16x128xf32>
    %mul3A_163 = arith.mulf %slice3A_160, %mul3A_162 : vector<6x16x128xf32>
    %swap3A_164 = arith.constant 304 : index
    %swap3A_165 = arith.constant 0 : index
    %swap3A_166 = arith.constant 0 : index
    %swap3A_167 = vector.load %arg9[%swap3A_164, %swap3A_165, %swap3A_166] : memref<336x16x128xf32, #tpu.memory_space<vmem>>, vector<6x16x128xf32>
    tpu.vector_store %arg9[%swap3A_164, %swap3A_165, %swap3A_166], %mul3A_163 {strides = array<i32>} : memref<336x16x128xf32, #tpu.memory_space<vmem>>, vector<6x16x128xf32>,
    %slice3A_168 = vector.extract_strided_slice %mul3A_8 {offsets = [21, 0, 0], sizes = [5, 16, 128], strides = [1, 1, 1]} : vector<26x16x128xf32> to vector<5x16x128xf32>
    %slice3A_169 = vector.extract_strided_slice %mul3A_8 {offsets = [20, 0, 0], sizes = [1, 16, 128], strides = [1, 1, 1]} : vector<26x16x128xf32> to vector<1x16x128xf32>
    %mul3A_170 = vector.broadcast %slice3A_169 : vector<1x16x128xf32> to vector<5x16x128xf32>
    %mul3A_171 = arith.mulf %slice3A_168, %mul3A_170 : vector<5x16x128xf32>
    %swap3A_172 = arith.constant 310 : index
    %swap3A_173 = arith.constant 0 : index
    %swap3A_174 = arith.constant 0 : index
    %swap3A_175 = vector.load %arg9[%swap3A_172, %swap3A_173, %swap3A_174] : memref<336x16x128xf32, #tpu.memory_space<vmem>>, vector<5x16x128xf32>
    tpu.vector_store %arg9[%swap3A_172, %swap3A_173, %swap3A_174], %mul3A_171 {strides = array<i32>} : memref<336x16x128xf32, #tpu.memory_space<vmem>>, vector<5x16x128xf32>,
    %slice3A_176 = vector.extract_strided_slice %mul3A_8 {offsets = [22, 0, 0], sizes = [4, 16, 128], strides = [1, 1, 1]} : vector<26x16x128xf32> to vector<4x16x128xf32>
    %slice3A_177 = vector.extract_strided_slice %mul3A_8 {offsets = [21, 0, 0], sizes = [1, 16, 128], strides = [1, 1, 1]} : vector<26x16x128xf32> to vector<1x16x128xf32>
    %mul3A_178 = vector.broadcast %slice3A_177 : vector<1x16x128xf32> to vector<4x16x128xf32>
    %mul3A_179 = arith.mulf %slice3A_176, %mul3A_178 : vector<4x16x128xf32>
    %swap3A_180 = arith.constant 315 : index
    %swap3A_181 = arith.constant 0 : index
    %swap3A_182 = arith.constant 0 : index
    %swap3A_183 = vector.load %arg9[%swap3A_180, %swap3A_181, %swap3A_182] : memref<336x16x128xf32, #tpu.memory_space<vmem>>, vector<4x16x128xf32>
    tpu.vector_store %arg9[%swap3A_180, %swap3A_181, %swap3A_182], %mul3A_179 {strides = array<i32>} : memref<336x16x128xf32, #tpu.memory_space<vmem>>, vector<4x16x128xf32>,
    %slice3A_184 = vector.extract_strided_slice %mul3A_8 {offsets = [23, 0, 0], sizes = [3, 16, 128], strides = [1, 1, 1]} : vector<26x16x128xf32> to vector<3x16x128xf32>
    %slice3A_185 = vector.extract_strided_slice %mul3A_8 {offsets = [22, 0, 0], sizes = [1, 16, 128], strides = [1, 1, 1]} : vector<26x16x128xf32> to vector<1x16x128xf32>
    %mul3A_186 = vector.broadcast %slice3A_185 : vector<1x16x128xf32> to vector<3x16x128xf32>
    %mul3A_187 = arith.mulf %slice3A_184, %mul3A_186 : vector<3x16x128xf32>
    %swap3A_188 = arith.constant 319 : index
    %swap3A_189 = arith.constant 0 : index
    %swap3A_190 = arith.constant 0 : index
    %swap3A_191 = vector.load %arg9[%swap3A_188, %swap3A_189, %swap3A_190] : memref<336x16x128xf32, #tpu.memory_space<vmem>>, vector<3x16x128xf32>
    tpu.vector_store %arg9[%swap3A_188, %swap3A_189, %swap3A_190], %mul3A_187 {strides = array<i32>} : memref<336x16x128xf32, #tpu.memory_space<vmem>>, vector<3x16x128xf32>,
    %slice3A_192 = vector.extract_strided_slice %mul3A_8 {offsets = [24, 0, 0], sizes = [2, 16, 128], strides = [1, 1, 1]} : vector<26x16x128xf32> to vector<2x16x128xf32>
    %slice3A_193 = vector.extract_strided_slice %mul3A_8 {offsets = [23, 0, 0], sizes = [1, 16, 128], strides = [1, 1, 1]} : vector<26x16x128xf32> to vector<1x16x128xf32>
    %mul3A_194 = vector.broadcast %slice3A_193 : vector<1x16x128xf32> to vector<2x16x128xf32>
    %mul3A_195 = arith.mulf %slice3A_192, %mul3A_194 : vector<2x16x128xf32>
    %swap3A_196 = arith.constant 322 : index
    %swap3A_197 = arith.constant 0 : index
    %swap3A_198 = arith.constant 0 : index
    %swap3A_199 = vector.load %arg9[%swap3A_196, %swap3A_197, %swap3A_198] : memref<336x16x128xf32, #tpu.memory_space<vmem>>, vector<2x16x128xf32>
    tpu.vector_store %arg9[%swap3A_196, %swap3A_197, %swap3A_198], %mul3A_195 {strides = array<i32>} : memref<336x16x128xf32, #tpu.memory_space<vmem>>, vector<2x16x128xf32>,
    %slice3A_200 = vector.extract_strided_slice %mul3A_8 {offsets = [25, 0, 0], sizes = [1, 16, 128], strides = [1, 1, 1]} : vector<26x16x128xf32> to vector<1x16x128xf32>
    %slice3A_201 = vector.extract_strided_slice %mul3A_8 {offsets = [24, 0, 0], sizes = [1, 16, 128], strides = [1, 1, 1]} : vector<26x16x128xf32> to vector<1x16x128xf32>
    %mul3A_202 = arith.mulf %slice3A_200, %slice3A_201 : vector<1x16x128xf32>
    %swap3A_203 = arith.constant 324 : index
    %swap3A_204 = arith.constant 0 : index
    %swap3A_205 = arith.constant 0 : index
    %swap3A_206 = vector.load %arg9[%swap3A_203, %swap3A_204, %swap3A_205] : memref<336x16x128xf32, #tpu.memory_space<vmem>>, vector<1x16x128xf32>
    tpu.vector_store %arg9[%swap3A_203, %swap3A_204, %swap3A_205], %mul3A_202 {strides = array<i32>} : memref<336x16x128xf32, #tpu.memory_space<vmem>>, vector<1x16x128xf32>,
    %broadcast_in_dim3A_207 = arith.constant 0.000000e+00 : f32
    %broadcast_in_dim3A_208 = vector.broadcast %broadcast_in_dim3A_207 : f32 to vector<11x16x128xf32>
    %swap3A_209 = arith.constant 325 : index
    %swap3A_210 = arith.constant 0 : index
    %swap3A_211 = arith.constant 0 : index
    %swap3A_212 = vector.load %arg9[%swap3A_209, %swap3A_210, %swap3A_211] : memref<336x16x128xf32, #tpu.memory_space<vmem>>, vector<11x16x128xf32>
    tpu.vector_store %arg9[%swap3A_209, %swap3A_210, %swap3A_211], %broadcast_in_dim3A_208 {strides = array<i32>} : memref<336x16x128xf32, #tpu.memory_space<vmem>>, vector<11x16x128xf32>,
    %get3A_213 = arith.constant 0 : index
    %get3A_214 = arith.constant 0 : index
    %get3A_215 = vector.load %arg3[%get3A_213, %get3A_214] : memref<256x256xf32, #tpu.memory_space<vmem>>, vector<256x256xf32>
    %get3A_216 = arith.constant 0 : index
    %get3A_217 = arith.constant 0 : index
    %get3A_218 = vector.load %arg4[%get3A_216, %get3A_217] : memref<256x1xf32, #tpu.memory_space<vmem>>, vector<256x1xf32>
    %get3A_219 = arith.constant 0 : index
    %get3A_220 = arith.constant 0 : index
    %get3A_221 = vector.load %arg5[%get3A_219, %get3A_220] : memref<16x256xf32, #tpu.memory_space<vmem>>, vector<16x256xf32>
    %get3A_222 = arith.constant 0 : index
    %get3A_223 = arith.constant 0 : index
    %get3A_224 = arith.constant 0 : index
    %get3A_225 = vector.load %arg9[%get3A_222, %get3A_223, %get3A_224] : memref<336x16x128xf32, #tpu.memory_space<vmem>>, vector<16x16x128xf32>
    %reshape3A_226 = vector.shape_cast %get3A_225 : vector<16x16x128xf32> to vector<256x128xf32>
    %dot_general3A = arith.constant dense<0.000000e+00> : vector<256x128xf32>
    %dot_general3A_227 = tpu.matmul %get3A_215, %reshape3A_226, %dot_general3A {dimension_numbers = #tpu.dot_dimension_numbers<[1], [0], [0], [1], [0, 0, 1, 1], [], []>, transpose_lhs_hint = false} : vector<256x256xf32>, vector<256x128xf32>, vector<256x128xf32> -> vector<256x128xf32>
    %add3A = vector.broadcast %get3A_218 : vector<256x1xf32> to vector<256x128xf32>
    %add3A_228 = arith.addf %dot_general3A_227, %add3A : vector<256x128xf32>
    %max3A = arith.constant 0.000000e+00 : f32
    %max3A_229 = vector.broadcast %max3A : f32 to vector<256x128xf32>
    %max3A_230 = arith.maximumf %add3A_228, %max3A_229 : vector<256x128xf32>
    %dot_general3A_231 = arith.constant dense<0.000000e+00> : vector<16x128xf32>
    %dot_general3A_232 = tpu.matmul %get3A_221, %max3A_230, %dot_general3A_231 {dimension_numbers = #tpu.dot_dimension_numbers<[1], [0], [0], [1], [0, 0, 1, 1], [], []>, transpose_lhs_hint = false} : vector<16x256xf32>, vector<256x128xf32>, vector<16x128xf32> -> vector<16x128xf32>
    %swap3A_233 = arith.constant 0 : index
    %swap3A_234 = arith.constant 0 : index
    %swap3A_235 = vector.load %arg10[%swap3A_233, %swap3A_234] : memref<336x128xf32, #tpu.memory_space<vmem>>, vector<16x128xf32>
    tpu.vector_store %arg10[%swap3A_233, %swap3A_234], %dot_general3A_232 {strides = array<i32>} : memref<336x128xf32, #tpu.memory_space<vmem>>, vector<16x128xf32>,
    %get3A_236 = arith.constant 16 : index
    %get3A_237 = arith.constant 0 : index
    %get3A_238 = arith.constant 0 : index
    %get3A_239 = vector.load %arg9[%get3A_236, %get3A_237, %get3A_238] : memref<336x16x128xf32, #tpu.memory_space<vmem>>, vector<16x16x128xf32>
    %reshape3A_240 = vector.shape_cast %get3A_239 : vector<16x16x128xf32> to vector<256x128xf32>
    %dot_general3A_241 = arith.constant dense<0.000000e+00> : vector<256x128xf32>
    %dot_general3A_242 = tpu.matmul %get3A_215, %reshape3A_240, %dot_general3A_241 {dimension_numbers = #tpu.dot_dimension_numbers<[1], [0], [0], [1], [0, 0, 1, 1], [], []>, transpose_lhs_hint = false} : vector<256x256xf32>, vector<256x128xf32>, vector<256x128xf32> -> vector<256x128xf32>
    %add3A_243 = vector.broadcast %get3A_218 : vector<256x1xf32> to vector<256x128xf32>
    %add3A_244 = arith.addf %dot_general3A_242, %add3A_243 : vector<256x128xf32>
    %max3A_245 = arith.constant 0.000000e+00 : f32
    %max3A_246 = vector.broadcast %max3A_245 : f32 to vector<256x128xf32>
    %max3A_247 = arith.maximumf %add3A_244, %max3A_246 : vector<256x128xf32>
    %dot_general3A_248 = arith.constant dense<0.000000e+00> : vector<16x128xf32>
    %dot_general3A_249 = tpu.matmul %get3A_221, %max3A_247, %dot_general3A_248 {dimension_numbers = #tpu.dot_dimension_numbers<[1], [0], [0], [1], [0, 0, 1, 1], [], []>, transpose_lhs_hint = false} : vector<16x256xf32>, vector<256x128xf32>, vector<16x128xf32> -> vector<16x128xf32>
    %swap3A_250 = arith.constant 16 : index
    %swap3A_251 = arith.constant 0 : index
    %swap3A_252 = vector.load %arg10[%swap3A_250, %swap3A_251] : memref<336x128xf32, #tpu.memory_space<vmem>>, vector<16x128xf32>
    tpu.vector_store %arg10[%swap3A_250, %swap3A_251], %dot_general3A_249 {strides = array<i32>} : memref<336x128xf32, #tpu.memory_space<vmem>>, vector<16x128xf32>,
    %get3A_253 = arith.constant 32 : index
    %get3A_254 = arith.constant 0 : index
    %get3A_255 = arith.constant 0 : index
    %get3A_256 = vector.load %arg9[%get3A_253, %get3A_254, %get3A_255] : memref<336x16x128xf32, #tpu.memory_space<vmem>>, vector<16x16x128xf32>
    %reshape3A_257 = vector.shape_cast %get3A_256 : vector<16x16x128xf32> to vector<256x128xf32>
    %dot_general3A_258 = arith.constant dense<0.000000e+00> : vector<256x128xf32>
    %dot_general3A_259 = tpu.matmul %get3A_215, %reshape3A_257, %dot_general3A_258 {dimension_numbers = #tpu.dot_dimension_numbers<[1], [0], [0], [1], [0, 0, 1, 1], [], []>, transpose_lhs_hint = false} : vector<256x256xf32>, vector<256x128xf32>, vector<256x128xf32> -> vector<256x128xf32>
    %add3A_260 = vector.broadcast %get3A_218 : vector<256x1xf32> to vector<256x128xf32>
    %add3A_261 = arith.addf %dot_general3A_259, %add3A_260 : vector<256x128xf32>
    %max3A_262 = arith.constant 0.000000e+00 : f32
    %max3A_263 = vector.broadcast %max3A_262 : f32 to vector<256x128xf32>
    %max3A_264 = arith.maximumf %add3A_261, %max3A_263 : vector<256x128xf32>
    %dot_general3A_265 = arith.constant dense<0.000000e+00> : vector<16x128xf32>
    %dot_general3A_266 = tpu.matmul %get3A_221, %max3A_264, %dot_general3A_265 {dimension_numbers = #tpu.dot_dimension_numbers<[1], [0], [0], [1], [0, 0, 1, 1], [], []>, transpose_lhs_hint = false} : vector<16x256xf32>, vector<256x128xf32>, vector<16x128xf32> -> vector<16x128xf32>
    %swap3A_267 = arith.constant 32 : index
    %swap3A_268 = arith.constant 0 : index
    %swap3A_269 = vector.load %arg10[%swap3A_267, %swap3A_268] : memref<336x128xf32, #tpu.memory_space<vmem>>, vector<16x128xf32>
    tpu.vector_store %arg10[%swap3A_267, %swap3A_268], %dot_general3A_266 {strides = array<i32>} : memref<336x128xf32, #tpu.memory_space<vmem>>, vector<16x128xf32>,
    %get3A_270 = arith.constant 48 : index
    %get3A_271 = arith.constant 0 : index
    %get3A_272 = arith.constant 0 : index
    %get3A_273 = vector.load %arg9[%get3A_270, %get3A_271, %get3A_272] : memref<336x16x128xf32, #tpu.memory_space<vmem>>, vector<16x16x128xf32>
    %reshape3A_274 = vector.shape_cast %get3A_273 : vector<16x16x128xf32> to vector<256x128xf32>
    %dot_general3A_275 = arith.constant dense<0.000000e+00> : vector<256x128xf32>
    %dot_general3A_276 = tpu.matmul %get3A_215, %reshape3A_274, %dot_general3A_275 {dimension_numbers = #tpu.dot_dimension_numbers<[1], [0], [0], [1], [0, 0, 1, 1], [], []>, transpose_lhs_hint = false} : vector<256x256xf32>, vector<256x128xf32>, vector<256x128xf32> -> vector<256x128xf32>
    %add3A_277 = vector.broadcast %get3A_218 : vector<256x1xf32> to vector<256x128xf32>
    %add3A_278 = arith.addf %dot_general3A_276, %add3A_277 : vector<256x128xf32>
    %max3A_279 = arith.constant 0.000000e+00 : f32
    %max3A_280 = vector.broadcast %max3A_279 : f32 to vector<256x128xf32>
    %max3A_281 = arith.maximumf %add3A_278, %max3A_280 : vector<256x128xf32>
    %dot_general3A_282 = arith.constant dense<0.000000e+00> : vector<16x128xf32>
    %dot_general3A_283 = tpu.matmul %get3A_221, %max3A_281, %dot_general3A_282 {dimension_numbers = #tpu.dot_dimension_numbers<[1], [0], [0], [1], [0, 0, 1, 1], [], []>, transpose_lhs_hint = false} : vector<16x256xf32>, vector<256x128xf32>, vector<16x128xf32> -> vector<16x128xf32>
    %swap3A_284 = arith.constant 48 : index
    %swap3A_285 = arith.constant 0 : index
    %swap3A_286 = vector.load %arg10[%swap3A_284, %swap3A_285] : memref<336x128xf32, #tpu.memory_space<vmem>>, vector<16x128xf32>
    tpu.vector_store %arg10[%swap3A_284, %swap3A_285], %dot_general3A_283 {strides = array<i32>} : memref<336x128xf32, #tpu.memory_space<vmem>>, vector<16x128xf32>,
    %get3A_287 = arith.constant 64 : index
    %get3A_288 = arith.constant 0 : index
    %get3A_289 = arith.constant 0 : index
    %get3A_290 = vector.load %arg9[%get3A_287, %get3A_288, %get3A_289] : memref<336x16x128xf32, #tpu.memory_space<vmem>>, vector<16x16x128xf32>
    %reshape3A_291 = vector.shape_cast %get3A_290 : vector<16x16x128xf32> to vector<256x128xf32>
    %dot_general3A_292 = arith.constant dense<0.000000e+00> : vector<256x128xf32>
    %dot_general3A_293 = tpu.matmul %get3A_215, %reshape3A_291, %dot_general3A_292 {dimension_numbers = #tpu.dot_dimension_numbers<[1], [0], [0], [1], [0, 0, 1, 1], [], []>, transpose_lhs_hint = false} : vector<256x256xf32>, vector<256x128xf32>, vector<256x128xf32> -> vector<256x128xf32>
    %add3A_294 = vector.broadcast %get3A_218 : vector<256x1xf32> to vector<256x128xf32>
    %add3A_295 = arith.addf %dot_general3A_293, %add3A_294 : vector<256x128xf32>
    %max3A_296 = arith.constant 0.000000e+00 : f32
    %max3A_297 = vector.broadcast %max3A_296 : f32 to vector<256x128xf32>
    %max3A_298 = arith.maximumf %add3A_295, %max3A_297 : vector<256x128xf32>
    %dot_general3A_299 = arith.constant dense<0.000000e+00> : vector<16x128xf32>
    %dot_general3A_300 = tpu.matmul %get3A_221, %max3A_298, %dot_general3A_299 {dimension_numbers = #tpu.dot_dimension_numbers<[1], [0], [0], [1], [0, 0, 1, 1], [], []>, transpose_lhs_hint = false} : vector<16x256xf32>, vector<256x128xf32>, vector<16x128xf32> -> vector<16x128xf32>
    %swap3A_301 = arith.constant 64 : index
    %swap3A_302 = arith.constant 0 : index
    %swap3A_303 = vector.load %arg10[%swap3A_301, %swap3A_302] : memref<336x128xf32, #tpu.memory_space<vmem>>, vector<16x128xf32>
    tpu.vector_store %arg10[%swap3A_301, %swap3A_302], %dot_general3A_300 {strides = array<i32>} : memref<336x128xf32, #tpu.memory_space<vmem>>, vector<16x128xf32>,
    %get3A_304 = arith.constant 80 : index
    %get3A_305 = arith.constant 0 : index
    %get3A_306 = arith.constant 0 : index
    %get3A_307 = vector.load %arg9[%get3A_304, %get3A_305, %get3A_306] : memref<336x16x128xf32, #tpu.memory_space<vmem>>, vector<16x16x128xf32>
    %reshape3A_308 = vector.shape_cast %get3A_307 : vector<16x16x128xf32> to vector<256x128xf32>
    %dot_general3A_309 = arith.constant dense<0.000000e+00> : vector<256x128xf32>
    %dot_general3A_310 = tpu.matmul %get3A_215, %reshape3A_308, %dot_general3A_309 {dimension_numbers = #tpu.dot_dimension_numbers<[1], [0], [0], [1], [0, 0, 1, 1], [], []>, transpose_lhs_hint = false} : vector<256x256xf32>, vector<256x128xf32>, vector<256x128xf32> -> vector<256x128xf32>
    %add3A_311 = vector.broadcast %get3A_218 : vector<256x1xf32> to vector<256x128xf32>
    %add3A_312 = arith.addf %dot_general3A_310, %add3A_311 : vector<256x128xf32>
    %max3A_313 = arith.constant 0.000000e+00 : f32
    %max3A_314 = vector.broadcast %max3A_313 : f32 to vector<256x128xf32>
    %max3A_315 = arith.maximumf %add3A_312, %max3A_314 : vector<256x128xf32>
    %dot_general3A_316 = arith.constant dense<0.000000e+00> : vector<16x128xf32>
    %dot_general3A_317 = tpu.matmul %get3A_221, %max3A_315, %dot_general3A_316 {dimension_numbers = #tpu.dot_dimension_numbers<[1], [0], [0], [1], [0, 0, 1, 1], [], []>, transpose_lhs_hint = false} : vector<16x256xf32>, vector<256x128xf32>, vector<16x128xf32> -> vector<16x128xf32>
    %swap3A_318 = arith.constant 80 : index
    %swap3A_319 = arith.constant 0 : index
    %swap3A_320 = vector.load %arg10[%swap3A_318, %swap3A_319] : memref<336x128xf32, #tpu.memory_space<vmem>>, vector<16x128xf32>
    tpu.vector_store %arg10[%swap3A_318, %swap3A_319], %dot_general3A_317 {strides = array<i32>} : memref<336x128xf32, #tpu.memory_space<vmem>>, vector<16x128xf32>,
    %get3A_321 = arith.constant 96 : index
    %get3A_322 = arith.constant 0 : index
    %get3A_323 = arith.constant 0 : index
    %get3A_324 = vector.load %arg9[%get3A_321, %get3A_322, %get3A_323] : memref<336x16x128xf32, #tpu.memory_space<vmem>>, vector<16x16x128xf32>
    %reshape3A_325 = vector.shape_cast %get3A_324 : vector<16x16x128xf32> to vector<256x128xf32>
    %dot_general3A_326 = arith.constant dense<0.000000e+00> : vector<256x128xf32>
    %dot_general3A_327 = tpu.matmul %get3A_215, %reshape3A_325, %dot_general3A_326 {dimension_numbers = #tpu.dot_dimension_numbers<[1], [0], [0], [1], [0, 0, 1, 1], [], []>, transpose_lhs_hint = false} : vector<256x256xf32>, vector<256x128xf32>, vector<256x128xf32> -> vector<256x128xf32>
    %add3A_328 = vector.broadcast %get3A_218 : vector<256x1xf32> to vector<256x128xf32>
    %add3A_329 = arith.addf %dot_general3A_327, %add3A_328 : vector<256x128xf32>
    %max3A_330 = arith.constant 0.000000e+00 : f32
    %max3A_331 = vector.broadcast %max3A_330 : f32 to vector<256x128xf32>
    %max3A_332 = arith.maximumf %add3A_329, %max3A_331 : vector<256x128xf32>
    %dot_general3A_333 = arith.constant dense<0.000000e+00> : vector<16x128xf32>
    %dot_general3A_334 = tpu.matmul %get3A_221, %max3A_332, %dot_general3A_333 {dimension_numbers = #tpu.dot_dimension_numbers<[1], [0], [0], [1], [0, 0, 1, 1], [], []>, transpose_lhs_hint = false} : vector<16x256xf32>, vector<256x128xf32>, vector<16x128xf32> -> vector<16x128xf32>
    %swap3A_335 = arith.constant 96 : index
    %swap3A_336 = arith.constant 0 : index
    %swap3A_337 = vector.load %arg10[%swap3A_335, %swap3A_336] : memref<336x128xf32, #tpu.memory_space<vmem>>, vector<16x128xf32>
    tpu.vector_store %arg10[%swap3A_335, %swap3A_336], %dot_general3A_334 {strides = array<i32>} : memref<336x128xf32, #tpu.memory_space<vmem>>, vector<16x128xf32>,
    %get3A_338 = arith.constant 112 : index
    %get3A_339 = arith.constant 0 : index
    %get3A_340 = arith.constant 0 : index
    %get3A_341 = vector.load %arg9[%get3A_338, %get3A_339, %get3A_340] : memref<336x16x128xf32, #tpu.memory_space<vmem>>, vector<16x16x128xf32>
    %reshape3A_342 = vector.shape_cast %get3A_341 : vector<16x16x128xf32> to vector<256x128xf32>
    %dot_general3A_343 = arith.constant dense<0.000000e+00> : vector<256x128xf32>
    %dot_general3A_344 = tpu.matmul %get3A_215, %reshape3A_342, %dot_general3A_343 {dimension_numbers = #tpu.dot_dimension_numbers<[1], [0], [0], [1], [0, 0, 1, 1], [], []>, transpose_lhs_hint = false} : vector<256x256xf32>, vector<256x128xf32>, vector<256x128xf32> -> vector<256x128xf32>
    %add3A_345 = vector.broadcast %get3A_218 : vector<256x1xf32> to vector<256x128xf32>
    %add3A_346 = arith.addf %dot_general3A_344, %add3A_345 : vector<256x128xf32>
    %max3A_347 = arith.constant 0.000000e+00 : f32
    %max3A_348 = vector.broadcast %max3A_347 : f32 to vector<256x128xf32>
    %max3A_349 = arith.maximumf %add3A_346, %max3A_348 : vector<256x128xf32>
    %dot_general3A_350 = arith.constant dense<0.000000e+00> : vector<16x128xf32>
    %dot_general3A_351 = tpu.matmul %get3A_221, %max3A_349, %dot_general3A_350 {dimension_numbers = #tpu.dot_dimension_numbers<[1], [0], [0], [1], [0, 0, 1, 1], [], []>, transpose_lhs_hint = false} : vector<16x256xf32>, vector<256x128xf32>, vector<16x128xf32> -> vector<16x128xf32>
    %swap3A_352 = arith.constant 112 : index
    %swap3A_353 = arith.constant 0 : index
    %swap3A_354 = vector.load %arg10[%swap3A_352, %swap3A_353] : memref<336x128xf32, #tpu.memory_space<vmem>>, vector<16x128xf32>
    tpu.vector_store %arg10[%swap3A_352, %swap3A_353], %dot_general3A_351 {strides = array<i32>} : memref<336x128xf32, #tpu.memory_space<vmem>>, vector<16x128xf32>,
    %get3A_355 = arith.constant 128 : index
    %get3A_356 = arith.constant 0 : index
    %get3A_357 = arith.constant 0 : index
    %get3A_358 = vector.load %arg9[%get3A_355, %get3A_356, %get3A_357] : memref<336x16x128xf32, #tpu.memory_space<vmem>>, vector<16x16x128xf32>
    %reshape3A_359 = vector.shape_cast %get3A_358 : vector<16x16x128xf32> to vector<256x128xf32>
    %dot_general3A_360 = arith.constant dense<0.000000e+00> : vector<256x128xf32>
    %dot_general3A_361 = tpu.matmul %get3A_215, %reshape3A_359, %dot_general3A_360 {dimension_numbers = #tpu.dot_dimension_numbers<[1], [0], [0], [1], [0, 0, 1, 1], [], []>, transpose_lhs_hint = false} : vector<256x256xf32>, vector<256x128xf32>, vector<256x128xf32> -> vector<256x128xf32>
    %add3A_362 = vector.broadcast %get3A_218 : vector<256x1xf32> to vector<256x128xf32>
    %add3A_363 = arith.addf %dot_general3A_361, %add3A_362 : vector<256x128xf32>
    %max3A_364 = arith.constant 0.000000e+00 : f32
    %max3A_365 = vector.broadcast %max3A_364 : f32 to vector<256x128xf32>
    %max3A_366 = arith.maximumf %add3A_363, %max3A_365 : vector<256x128xf32>
    %dot_general3A_367 = arith.constant dense<0.000000e+00> : vector<16x128xf32>
    %dot_general3A_368 = tpu.matmul %get3A_221, %max3A_366, %dot_general3A_367 {dimension_numbers = #tpu.dot_dimension_numbers<[1], [0], [0], [1], [0, 0, 1, 1], [], []>, transpose_lhs_hint = false} : vector<16x256xf32>, vector<256x128xf32>, vector<16x128xf32> -> vector<16x128xf32>
    %swap3A_369 = arith.constant 128 : index
    %swap3A_370 = arith.constant 0 : index
    %swap3A_371 = vector.load %arg10[%swap3A_369, %swap3A_370] : memref<336x128xf32, #tpu.memory_space<vmem>>, vector<16x128xf32>
    tpu.vector_store %arg10[%swap3A_369, %swap3A_370], %dot_general3A_368 {strides = array<i32>} : memref<336x128xf32, #tpu.memory_space<vmem>>, vector<16x128xf32>,
    %get3A_372 = arith.constant 144 : index
    %get3A_373 = arith.constant 0 : index
    %get3A_374 = arith.constant 0 : index
    %get3A_375 = vector.load %arg9[%get3A_372, %get3A_373, %get3A_374] : memref<336x16x128xf32, #tpu.memory_space<vmem>>, vector<16x16x128xf32>
    %reshape3A_376 = vector.shape_cast %get3A_375 : vector<16x16x128xf32> to vector<256x128xf32>
    %dot_general3A_377 = arith.constant dense<0.000000e+00> : vector<256x128xf32>
    %dot_general3A_378 = tpu.matmul %get3A_215, %reshape3A_376, %dot_general3A_377 {dimension_numbers = #tpu.dot_dimension_numbers<[1], [0], [0], [1], [0, 0, 1, 1], [], []>, transpose_lhs_hint = false} : vector<256x256xf32>, vector<256x128xf32>, vector<256x128xf32> -> vector<256x128xf32>
    %add3A_379 = vector.broadcast %get3A_218 : vector<256x1xf32> to vector<256x128xf32>
    %add3A_380 = arith.addf %dot_general3A_378, %add3A_379 : vector<256x128xf32>
    %max3A_381 = arith.constant 0.000000e+00 : f32
    %max3A_382 = vector.broadcast %max3A_381 : f32 to vector<256x128xf32>
    %max3A_383 = arith.maximumf %add3A_380, %max3A_382 : vector<256x128xf32>
    %dot_general3A_384 = arith.constant dense<0.000000e+00> : vector<16x128xf32>
    %dot_general3A_385 = tpu.matmul %get3A_221, %max3A_383, %dot_general3A_384 {dimension_numbers = #tpu.dot_dimension_numbers<[1], [0], [0], [1], [0, 0, 1, 1], [], []>, transpose_lhs_hint = false} : vector<16x256xf32>, vector<256x128xf32>, vector<16x128xf32> -> vector<16x128xf32>
    %swap3A_386 = arith.constant 144 : index
    %swap3A_387 = arith.constant 0 : index
    %swap3A_388 = vector.load %arg10[%swap3A_386, %swap3A_387] : memref<336x128xf32, #tpu.memory_space<vmem>>, vector<16x128xf32>
    tpu.vector_store %arg10[%swap3A_386, %swap3A_387], %dot_general3A_385 {strides = array<i32>} : memref<336x128xf32, #tpu.memory_space<vmem>>, vector<16x128xf32>,
    %get3A_389 = arith.constant 160 : index
    %get3A_390 = arith.constant 0 : index
    %get3A_391 = arith.constant 0 : index
    %get3A_392 = vector.load %arg9[%get3A_389, %get3A_390, %get3A_391] : memref<336x16x128xf32, #tpu.memory_space<vmem>>, vector<16x16x128xf32>
    %reshape3A_393 = vector.shape_cast %get3A_392 : vector<16x16x128xf32> to vector<256x128xf32>
    %dot_general3A_394 = arith.constant dense<0.000000e+00> : vector<256x128xf32>
    %dot_general3A_395 = tpu.matmul %get3A_215, %reshape3A_393, %dot_general3A_394 {dimension_numbers = #tpu.dot_dimension_numbers<[1], [0], [0], [1], [0, 0, 1, 1], [], []>, transpose_lhs_hint = false} : vector<256x256xf32>, vector<256x128xf32>, vector<256x128xf32> -> vector<256x128xf32>
    %add3A_396 = vector.broadcast %get3A_218 : vector<256x1xf32> to vector<256x128xf32>
    %add3A_397 = arith.addf %dot_general3A_395, %add3A_396 : vector<256x128xf32>
    %max3A_398 = arith.constant 0.000000e+00 : f32
    %max3A_399 = vector.broadcast %max3A_398 : f32 to vector<256x128xf32>
    %max3A_400 = arith.maximumf %add3A_397, %max3A_399 : vector<256x128xf32>
    %dot_general3A_401 = arith.constant dense<0.000000e+00> : vector<16x128xf32>
    %dot_general3A_402 = tpu.matmul %get3A_221, %max3A_400, %dot_general3A_401 {dimension_numbers = #tpu.dot_dimension_numbers<[1], [0], [0], [1], [0, 0, 1, 1], [], []>, transpose_lhs_hint = false} : vector<16x256xf32>, vector<256x128xf32>, vector<16x128xf32> -> vector<16x128xf32>
    %swap3A_403 = arith.constant 160 : index
    %swap3A_404 = arith.constant 0 : index
    %swap3A_405 = vector.load %arg10[%swap3A_403, %swap3A_404] : memref<336x128xf32, #tpu.memory_space<vmem>>, vector<16x128xf32>
    tpu.vector_store %arg10[%swap3A_403, %swap3A_404], %dot_general3A_402 {strides = array<i32>} : memref<336x128xf32, #tpu.memory_space<vmem>>, vector<16x128xf32>,
    %get3A_406 = arith.constant 176 : index
    %get3A_407 = arith.constant 0 : index
    %get3A_408 = arith.constant 0 : index
    %get3A_409 = vector.load %arg9[%get3A_406, %get3A_407, %get3A_408] : memref<336x16x128xf32, #tpu.memory_space<vmem>>, vector<16x16x128xf32>
    %reshape3A_410 = vector.shape_cast %get3A_409 : vector<16x16x128xf32> to vector<256x128xf32>
    %dot_general3A_411 = arith.constant dense<0.000000e+00> : vector<256x128xf32>
    %dot_general3A_412 = tpu.matmul %get3A_215, %reshape3A_410, %dot_general3A_411 {dimension_numbers = #tpu.dot_dimension_numbers<[1], [0], [0], [1], [0, 0, 1, 1], [], []>, transpose_lhs_hint = false} : vector<256x256xf32>, vector<256x128xf32>, vector<256x128xf32> -> vector<256x128xf32>
    %add3A_413 = vector.broadcast %get3A_218 : vector<256x1xf32> to vector<256x128xf32>
    %add3A_414 = arith.addf %dot_general3A_412, %add3A_413 : vector<256x128xf32>
    %max3A_415 = arith.constant 0.000000e+00 : f32
    %max3A_416 = vector.broadcast %max3A_415 : f32 to vector<256x128xf32>
    %max3A_417 = arith.maximumf %add3A_414, %max3A_416 : vector<256x128xf32>
    %dot_general3A_418 = arith.constant dense<0.000000e+00> : vector<16x128xf32>
    %dot_general3A_419 = tpu.matmul %get3A_221, %max3A_417, %dot_general3A_418 {dimension_numbers = #tpu.dot_dimension_numbers<[1], [0], [0], [1], [0, 0, 1, 1], [], []>, transpose_lhs_hint = false} : vector<16x256xf32>, vector<256x128xf32>, vector<16x128xf32> -> vector<16x128xf32>
    %swap3A_420 = arith.constant 176 : index
    %swap3A_421 = arith.constant 0 : index
    %swap3A_422 = vector.load %arg10[%swap3A_420, %swap3A_421] : memref<336x128xf32, #tpu.memory_space<vmem>>, vector<16x128xf32>
    tpu.vector_store %arg10[%swap3A_420, %swap3A_421], %dot_general3A_419 {strides = array<i32>} : memref<336x128xf32, #tpu.memory_space<vmem>>, vector<16x128xf32>,
    %get3A_423 = arith.constant 192 : index
    %get3A_424 = arith.constant 0 : index
    %get3A_425 = arith.constant 0 : index
    %get3A_426 = vector.load %arg9[%get3A_423, %get3A_424, %get3A_425] : memref<336x16x128xf32, #tpu.memory_space<vmem>>, vector<16x16x128xf32>
    %reshape3A_427 = vector.shape_cast %get3A_426 : vector<16x16x128xf32> to vector<256x128xf32>
    %dot_general3A_428 = arith.constant dense<0.000000e+00> : vector<256x128xf32>
    %dot_general3A_429 = tpu.matmul %get3A_215, %reshape3A_427, %dot_general3A_428 {dimension_numbers = #tpu.dot_dimension_numbers<[1], [0], [0], [1], [0, 0, 1, 1], [], []>, transpose_lhs_hint = false} : vector<256x256xf32>, vector<256x128xf32>, vector<256x128xf32> -> vector<256x128xf32>
    %add3A_430 = vector.broadcast %get3A_218 : vector<256x1xf32> to vector<256x128xf32>
    %add3A_431 = arith.addf %dot_general3A_429, %add3A_430 : vector<256x128xf32>
    %max3A_432 = arith.constant 0.000000e+00 : f32
    %max3A_433 = vector.broadcast %max3A_432 : f32 to vector<256x128xf32>
    %max3A_434 = arith.maximumf %add3A_431, %max3A_433 : vector<256x128xf32>
    %dot_general3A_435 = arith.constant dense<0.000000e+00> : vector<16x128xf32>
    %dot_general3A_436 = tpu.matmul %get3A_221, %max3A_434, %dot_general3A_435 {dimension_numbers = #tpu.dot_dimension_numbers<[1], [0], [0], [1], [0, 0, 1, 1], [], []>, transpose_lhs_hint = false} : vector<16x256xf32>, vector<256x128xf32>, vector<16x128xf32> -> vector<16x128xf32>
    %swap3A_437 = arith.constant 192 : index
    %swap3A_438 = arith.constant 0 : index
    %swap3A_439 = vector.load %arg10[%swap3A_437, %swap3A_438] : memref<336x128xf32, #tpu.memory_space<vmem>>, vector<16x128xf32>
    tpu.vector_store %arg10[%swap3A_437, %swap3A_438], %dot_general3A_436 {strides = array<i32>} : memref<336x128xf32, #tpu.memory_space<vmem>>, vector<16x128xf32>,
    %get3A_440 = arith.constant 208 : index
    %get3A_441 = arith.constant 0 : index
    %get3A_442 = arith.constant 0 : index
    %get3A_443 = vector.load %arg9[%get3A_440, %get3A_441, %get3A_442] : memref<336x16x128xf32, #tpu.memory_space<vmem>>, vector<16x16x128xf32>
    %reshape3A_444 = vector.shape_cast %get3A_443 : vector<16x16x128xf32> to vector<256x128xf32>
    %dot_general3A_445 = arith.constant dense<0.000000e+00> : vector<256x128xf32>
    %dot_general3A_446 = tpu.matmul %get3A_215, %reshape3A_444, %dot_general3A_445 {dimension_numbers = #tpu.dot_dimension_numbers<[1], [0], [0], [1], [0, 0, 1, 1], [], []>, transpose_lhs_hint = false} : vector<256x256xf32>, vector<256x128xf32>, vector<256x128xf32> -> vector<256x128xf32>
    %add3A_447 = vector.broadcast %get3A_218 : vector<256x1xf32> to vector<256x128xf32>
    %add3A_448 = arith.addf %dot_general3A_446, %add3A_447 : vector<256x128xf32>
    %max3A_449 = arith.constant 0.000000e+00 : f32
    %max3A_450 = vector.broadcast %max3A_449 : f32 to vector<256x128xf32>
    %max3A_451 = arith.maximumf %add3A_448, %max3A_450 : vector<256x128xf32>
    %dot_general3A_452 = arith.constant dense<0.000000e+00> : vector<16x128xf32>
    %dot_general3A_453 = tpu.matmul %get3A_221, %max3A_451, %dot_general3A_452 {dimension_numbers = #tpu.dot_dimension_numbers<[1], [0], [0], [1], [0, 0, 1, 1], [], []>, transpose_lhs_hint = false} : vector<16x256xf32>, vector<256x128xf32>, vector<16x128xf32> -> vector<16x128xf32>
    %swap3A_454 = arith.constant 208 : index
    %swap3A_455 = arith.constant 0 : index
    %swap3A_456 = vector.load %arg10[%swap3A_454, %swap3A_455] : memref<336x128xf32, #tpu.memory_space<vmem>>, vector<16x128xf32>
    tpu.vector_store %arg10[%swap3A_454, %swap3A_455], %dot_general3A_453 {strides = array<i32>} : memref<336x128xf32, #tpu.memory_space<vmem>>, vector<16x128xf32>,
    %get3A_457 = arith.constant 224 : index
    %get3A_458 = arith.constant 0 : index
    %get3A_459 = arith.constant 0 : index
    %get3A_460 = vector.load %arg9[%get3A_457, %get3A_458, %get3A_459] : memref<336x16x128xf32, #tpu.memory_space<vmem>>, vector<16x16x128xf32>
    %reshape3A_461 = vector.shape_cast %get3A_460 : vector<16x16x128xf32> to vector<256x128xf32>
    %dot_general3A_462 = arith.constant dense<0.000000e+00> : vector<256x128xf32>
    %dot_general3A_463 = tpu.matmul %get3A_215, %reshape3A_461, %dot_general3A_462 {dimension_numbers = #tpu.dot_dimension_numbers<[1], [0], [0], [1], [0, 0, 1, 1], [], []>, transpose_lhs_hint = false} : vector<256x256xf32>, vector<256x128xf32>, vector<256x128xf32> -> vector<256x128xf32>
    %add3A_464 = vector.broadcast %get3A_218 : vector<256x1xf32> to vector<256x128xf32>
    %add3A_465 = arith.addf %dot_general3A_463, %add3A_464 : vector<256x128xf32>
    %max3A_466 = arith.constant 0.000000e+00 : f32
    %max3A_467 = vector.broadcast %max3A_466 : f32 to vector<256x128xf32>
    %max3A_468 = arith.maximumf %add3A_465, %max3A_467 : vector<256x128xf32>
    %dot_general3A_469 = arith.constant dense<0.000000e+00> : vector<16x128xf32>
    %dot_general3A_470 = tpu.matmul %get3A_221, %max3A_468, %dot_general3A_469 {dimension_numbers = #tpu.dot_dimension_numbers<[1], [0], [0], [1], [0, 0, 1, 1], [], []>, transpose_lhs_hint = false} : vector<16x256xf32>, vector<256x128xf32>, vector<16x128xf32> -> vector<16x128xf32>
    %swap3A_471 = arith.constant 224 : index
    %swap3A_472 = arith.constant 0 : index
    %swap3A_473 = vector.load %arg10[%swap3A_471, %swap3A_472] : memref<336x128xf32, #tpu.memory_space<vmem>>, vector<16x128xf32>
    tpu.vector_store %arg10[%swap3A_471, %swap3A_472], %dot_general3A_470 {strides = array<i32>} : memref<336x128xf32, #tpu.memory_space<vmem>>, vector<16x128xf32>,
    %get3A_474 = arith.constant 240 : index
    %get3A_475 = arith.constant 0 : index
    %get3A_476 = arith.constant 0 : index
    %get3A_477 = vector.load %arg9[%get3A_474, %get3A_475, %get3A_476] : memref<336x16x128xf32, #tpu.memory_space<vmem>>, vector<16x16x128xf32>
    %reshape3A_478 = vector.shape_cast %get3A_477 : vector<16x16x128xf32> to vector<256x128xf32>
    %dot_general3A_479 = arith.constant dense<0.000000e+00> : vector<256x128xf32>
    %dot_general3A_480 = tpu.matmul %get3A_215, %reshape3A_478, %dot_general3A_479 {dimension_numbers = #tpu.dot_dimension_numbers<[1], [0], [0], [1], [0, 0, 1, 1], [], []>, transpose_lhs_hint = false} : vector<256x256xf32>, vector<256x128xf32>, vector<256x128xf32> -> vector<256x128xf32>
    %add3A_481 = vector.broadcast %get3A_218 : vector<256x1xf32> to vector<256x128xf32>
    %add3A_482 = arith.addf %dot_general3A_480, %add3A_481 : vector<256x128xf32>
    %max3A_483 = arith.constant 0.000000e+00 : f32
    %max3A_484 = vector.broadcast %max3A_483 : f32 to vector<256x128xf32>
    %max3A_485 = arith.maximumf %add3A_482, %max3A_484 : vector<256x128xf32>
    %dot_general3A_486 = arith.constant dense<0.000000e+00> : vector<16x128xf32>
    %dot_general3A_487 = tpu.matmul %get3A_221, %max3A_485, %dot_general3A_486 {dimension_numbers = #tpu.dot_dimension_numbers<[1], [0], [0], [1], [0, 0, 1, 1], [], []>, transpose_lhs_hint = false} : vector<16x256xf32>, vector<256x128xf32>, vector<16x128xf32> -> vector<16x128xf32>
    %swap3A_488 = arith.constant 240 : index
    %swap3A_489 = arith.constant 0 : index
    %swap3A_490 = vector.load %arg10[%swap3A_488, %swap3A_489] : memref<336x128xf32, #tpu.memory_space<vmem>>, vector<16x128xf32>
    tpu.vector_store %arg10[%swap3A_488, %swap3A_489], %dot_general3A_487 {strides = array<i32>} : memref<336x128xf32, #tpu.memory_space<vmem>>, vector<16x128xf32>,
    %get3A_491 = arith.constant 256 : index
    %get3A_492 = arith.constant 0 : index
    %get3A_493 = arith.constant 0 : index
    %get3A_494 = vector.load %arg9[%get3A_491, %get3A_492, %get3A_493] : memref<336x16x128xf32, #tpu.memory_space<vmem>>, vector<16x16x128xf32>
    %reshape3A_495 = vector.shape_cast %get3A_494 : vector<16x16x128xf32> to vector<256x128xf32>
    %dot_general3A_496 = arith.constant dense<0.000000e+00> : vector<256x128xf32>
    %dot_general3A_497 = tpu.matmul %get3A_215, %reshape3A_495, %dot_general3A_496 {dimension_numbers = #tpu.dot_dimension_numbers<[1], [0], [0], [1], [0, 0, 1, 1], [], []>, transpose_lhs_hint = false} : vector<256x256xf32>, vector<256x128xf32>, vector<256x128xf32> -> vector<256x128xf32>
    %add3A_498 = vector.broadcast %get3A_218 : vector<256x1xf32> to vector<256x128xf32>
    %add3A_499 = arith.addf %dot_general3A_497, %add3A_498 : vector<256x128xf32>
    %max3A_500 = arith.constant 0.000000e+00 : f32
    %max3A_501 = vector.broadcast %max3A_500 : f32 to vector<256x128xf32>
    %max3A_502 = arith.maximumf %add3A_499, %max3A_501 : vector<256x128xf32>
    %dot_general3A_503 = arith.constant dense<0.000000e+00> : vector<16x128xf32>
    %dot_general3A_504 = tpu.matmul %get3A_221, %max3A_502, %dot_general3A_503 {dimension_numbers = #tpu.dot_dimension_numbers<[1], [0], [0], [1], [0, 0, 1, 1], [], []>, transpose_lhs_hint = false} : vector<16x256xf32>, vector<256x128xf32>, vector<16x128xf32> -> vector<16x128xf32>
    %swap3A_505 = arith.constant 256 : index
    %swap3A_506 = arith.constant 0 : index
    %swap3A_507 = vector.load %arg10[%swap3A_505, %swap3A_506] : memref<336x128xf32, #tpu.memory_space<vmem>>, vector<16x128xf32>
    tpu.vector_store %arg10[%swap3A_505, %swap3A_506], %dot_general3A_504 {strides = array<i32>} : memref<336x128xf32, #tpu.memory_space<vmem>>, vector<16x128xf32>,
    %get3A_508 = arith.constant 272 : index
    %get3A_509 = arith.constant 0 : index
    %get3A_510 = arith.constant 0 : index
    %get3A_511 = vector.load %arg9[%get3A_508, %get3A_509, %get3A_510] : memref<336x16x128xf32, #tpu.memory_space<vmem>>, vector<16x16x128xf32>
    %reshape3A_512 = vector.shape_cast %get3A_511 : vector<16x16x128xf32> to vector<256x128xf32>
    %dot_general3A_513 = arith.constant dense<0.000000e+00> : vector<256x128xf32>
    %dot_general3A_514 = tpu.matmul %get3A_215, %reshape3A_512, %dot_general3A_513 {dimension_numbers = #tpu.dot_dimension_numbers<[1], [0], [0], [1], [0, 0, 1, 1], [], []>, transpose_lhs_hint = false} : vector<256x256xf32>, vector<256x128xf32>, vector<256x128xf32> -> vector<256x128xf32>
    %add3A_515 = vector.broadcast %get3A_218 : vector<256x1xf32> to vector<256x128xf32>
    %add3A_516 = arith.addf %dot_general3A_514, %add3A_515 : vector<256x128xf32>
    %max3A_517 = arith.constant 0.000000e+00 : f32
    %max3A_518 = vector.broadcast %max3A_517 : f32 to vector<256x128xf32>
    %max3A_519 = arith.maximumf %add3A_516, %max3A_518 : vector<256x128xf32>
    %dot_general3A_520 = arith.constant dense<0.000000e+00> : vector<16x128xf32>
    %dot_general3A_521 = tpu.matmul %get3A_221, %max3A_519, %dot_general3A_520 {dimension_numbers = #tpu.dot_dimension_numbers<[1], [0], [0], [1], [0, 0, 1, 1], [], []>, transpose_lhs_hint = false} : vector<16x256xf32>, vector<256x128xf32>, vector<16x128xf32> -> vector<16x128xf32>
    %swap3A_522 = arith.constant 272 : index
    %swap3A_523 = arith.constant 0 : index
    %swap3A_524 = vector.load %arg10[%swap3A_522, %swap3A_523] : memref<336x128xf32, #tpu.memory_space<vmem>>, vector<16x128xf32>
    tpu.vector_store %arg10[%swap3A_522, %swap3A_523], %dot_general3A_521 {strides = array<i32>} : memref<336x128xf32, #tpu.memory_space<vmem>>, vector<16x128xf32>,
    %get3A_525 = arith.constant 288 : index
    %get3A_526 = arith.constant 0 : index
    %get3A_527 = arith.constant 0 : index
    %get3A_528 = vector.load %arg9[%get3A_525, %get3A_526, %get3A_527] : memref<336x16x128xf32, #tpu.memory_space<vmem>>, vector<16x16x128xf32>
    %reshape3A_529 = vector.shape_cast %get3A_528 : vector<16x16x128xf32> to vector<256x128xf32>
    %dot_general3A_530 = arith.constant dense<0.000000e+00> : vector<256x128xf32>
    %dot_general3A_531 = tpu.matmul %get3A_215, %reshape3A_529, %dot_general3A_530 {dimension_numbers = #tpu.dot_dimension_numbers<[1], [0], [0], [1], [0, 0, 1, 1], [], []>, transpose_lhs_hint = false} : vector<256x256xf32>, vector<256x128xf32>, vector<256x128xf32> -> vector<256x128xf32>
    %add3A_532 = vector.broadcast %get3A_218 : vector<256x1xf32> to vector<256x128xf32>
    %add3A_533 = arith.addf %dot_general3A_531, %add3A_532 : vector<256x128xf32>
    %max3A_534 = arith.constant 0.000000e+00 : f32
    %max3A_535 = vector.broadcast %max3A_534 : f32 to vector<256x128xf32>
    %max3A_536 = arith.maximumf %add3A_533, %max3A_535 : vector<256x128xf32>
    %dot_general3A_537 = arith.constant dense<0.000000e+00> : vector<16x128xf32>
    %dot_general3A_538 = tpu.matmul %get3A_221, %max3A_536, %dot_general3A_537 {dimension_numbers = #tpu.dot_dimension_numbers<[1], [0], [0], [1], [0, 0, 1, 1], [], []>, transpose_lhs_hint = false} : vector<16x256xf32>, vector<256x128xf32>, vector<16x128xf32> -> vector<16x128xf32>
    %swap3A_539 = arith.constant 288 : index
    %swap3A_540 = arith.constant 0 : index
    %swap3A_541 = vector.load %arg10[%swap3A_539, %swap3A_540] : memref<336x128xf32, #tpu.memory_space<vmem>>, vector<16x128xf32>
    tpu.vector_store %arg10[%swap3A_539, %swap3A_540], %dot_general3A_538 {strides = array<i32>} : memref<336x128xf32, #tpu.memory_space<vmem>>, vector<16x128xf32>,
    %get3A_542 = arith.constant 304 : index
    %get3A_543 = arith.constant 0 : index
    %get3A_544 = arith.constant 0 : index
    %get3A_545 = vector.load %arg9[%get3A_542, %get3A_543, %get3A_544] : memref<336x16x128xf32, #tpu.memory_space<vmem>>, vector<16x16x128xf32>
    %reshape3A_546 = vector.shape_cast %get3A_545 : vector<16x16x128xf32> to vector<256x128xf32>
    %dot_general3A_547 = arith.constant dense<0.000000e+00> : vector<256x128xf32>
    %dot_general3A_548 = tpu.matmul %get3A_215, %reshape3A_546, %dot_general3A_547 {dimension_numbers = #tpu.dot_dimension_numbers<[1], [0], [0], [1], [0, 0, 1, 1], [], []>, transpose_lhs_hint = false} : vector<256x256xf32>, vector<256x128xf32>, vector<256x128xf32> -> vector<256x128xf32>
    %add3A_549 = vector.broadcast %get3A_218 : vector<256x1xf32> to vector<256x128xf32>
    %add3A_550 = arith.addf %dot_general3A_548, %add3A_549 : vector<256x128xf32>
    %max3A_551 = arith.constant 0.000000e+00 : f32
    %max3A_552 = vector.broadcast %max3A_551 : f32 to vector<256x128xf32>
    %max3A_553 = arith.maximumf %add3A_550, %max3A_552 : vector<256x128xf32>
    %dot_general3A_554 = arith.constant dense<0.000000e+00> : vector<16x128xf32>
    %dot_general3A_555 = tpu.matmul %get3A_221, %max3A_553, %dot_general3A_554 {dimension_numbers = #tpu.dot_dimension_numbers<[1], [0], [0], [1], [0, 0, 1, 1], [], []>, transpose_lhs_hint = false} : vector<16x256xf32>, vector<256x128xf32>, vector<16x128xf32> -> vector<16x128xf32>
    %swap3A_556 = arith.constant 304 : index
    %swap3A_557 = arith.constant 0 : index
    %swap3A_558 = vector.load %arg10[%swap3A_556, %swap3A_557] : memref<336x128xf32, #tpu.memory_space<vmem>>, vector<16x128xf32>
    tpu.vector_store %arg10[%swap3A_556, %swap3A_557], %dot_general3A_555 {strides = array<i32>} : memref<336x128xf32, #tpu.memory_space<vmem>>, vector<16x128xf32>,
    %get3A_559 = arith.constant 320 : index
    %get3A_560 = arith.constant 0 : index
    %get3A_561 = arith.constant 0 : index
    %get3A_562 = vector.load %arg9[%get3A_559, %get3A_560, %get3A_561] : memref<336x16x128xf32, #tpu.memory_space<vmem>>, vector<16x16x128xf32>
    %reshape3A_563 = vector.shape_cast %get3A_562 : vector<16x16x128xf32> to vector<256x128xf32>
    %dot_general3A_564 = arith.constant dense<0.000000e+00> : vector<256x128xf32>
    %dot_general3A_565 = tpu.matmul %get3A_215, %reshape3A_563, %dot_general3A_564 {dimension_numbers = #tpu.dot_dimension_numbers<[1], [0], [0], [1], [0, 0, 1, 1], [], []>, transpose_lhs_hint = false} : vector<256x256xf32>, vector<256x128xf32>, vector<256x128xf32> -> vector<256x128xf32>
    %add3A_566 = vector.broadcast %get3A_218 : vector<256x1xf32> to vector<256x128xf32>
    %add3A_567 = arith.addf %dot_general3A_565, %add3A_566 : vector<256x128xf32>
    %max3A_568 = arith.constant 0.000000e+00 : f32
    %max3A_569 = vector.broadcast %max3A_568 : f32 to vector<256x128xf32>
    %max3A_570 = arith.maximumf %add3A_567, %max3A_569 : vector<256x128xf32>
    %dot_general3A_571 = arith.constant dense<0.000000e+00> : vector<16x128xf32>
    %dot_general3A_572 = tpu.matmul %get3A_221, %max3A_570, %dot_general3A_571 {dimension_numbers = #tpu.dot_dimension_numbers<[1], [0], [0], [1], [0, 0, 1, 1], [], []>, transpose_lhs_hint = false} : vector<16x256xf32>, vector<256x128xf32>, vector<16x128xf32> -> vector<16x128xf32>
    %swap3A_573 = arith.constant 320 : index
    %swap3A_574 = arith.constant 0 : index
    %swap3A_575 = vector.load %arg10[%swap3A_573, %swap3A_574] : memref<336x128xf32, #tpu.memory_space<vmem>>, vector<16x128xf32>
    tpu.vector_store %arg10[%swap3A_573, %swap3A_574], %dot_general3A_572 {strides = array<i32>} : memref<336x128xf32, #tpu.memory_space<vmem>>, vector<16x128xf32>,
    %broadcast_in_dim3A_576 = arith.constant -1.000000e+30 : f32
    %broadcast_in_dim3A_577 = vector.broadcast %broadcast_in_dim3A_576 : f32 to vector<11x128xf32>
    %swap3A_578 = arith.constant 325 : index
    %swap3A_579 = arith.constant 0 : index
    %swap3A_580 = vector.load %arg10[%swap3A_578, %swap3A_579] : memref<336x128xf32, #tpu.memory_space<vmem>>, vector<11x128xf32>
    tpu.vector_store %arg10[%swap3A_578, %swap3A_579], %broadcast_in_dim3A_577 {strides = array<i32>} : memref<336x128xf32, #tpu.memory_space<vmem>>, vector<11x128xf32>,
    %get3A_581 = arith.constant 0 : index
    %get3A_582 = arith.constant 0 : index
    %get3A_583 = vector.load %arg10[%get3A_581, %get3A_582] : memref<336x128xf32, #tpu.memory_space<vmem>>, vector<336x128xf32>
    %reduce_max3A = arith.constant dense<0xFF800000> : vector<128xf32>
    %reduce_max3A_584 = vector.multi_reduction <maximumf>, %get3A_583, %reduce_max3A [0] : vector<336x128xf32> to vector<128xf32>
    %broadcast_in_dim3A_585 = vector.shape_cast %reduce_max3A_584 : vector<128xf32> to vector<1x128xf32>
    %sub3A = vector.broadcast %broadcast_in_dim3A_585 : vector<1x128xf32> to vector<336x128xf32>
    %sub3A_586 = arith.subf %get3A_583, %sub3A : vector<336x128xf32>
    %exp3A = math.exp %sub3A_586 : vector<336x128xf32>
    %reduce_sum3A = arith.constant dense<0.000000e+00> : vector<128xf32>
    %reduce_sum3A_587 = vector.multi_reduction <add>, %exp3A, %reduce_sum3A [0] : vector<336x128xf32> to vector<128xf32>
    %broadcast_in_dim3A_588 = vector.shape_cast %reduce_sum3A_587 : vector<128xf32> to vector<1x128xf32>
    %div3A = vector.broadcast %broadcast_in_dim3A_588 : vector<1x128xf32> to vector<336x128xf32>
    %div3A_589 = arith.divf %exp3A, %div3A : vector<336x128xf32>
    %broadcast_in_dim3A_590 = vector.shape_cast %div3A_589 : vector<336x128xf32> to vector<336x1x128xf32>
    %get3A_591 = arith.constant 0 : index
    %get3A_592 = arith.constant 0 : index
    %get3A_593 = arith.constant 0 : index
    %get3A_594 = vector.load %arg9[%get3A_591, %get3A_592, %get3A_593] : memref<336x16x128xf32, #tpu.memory_space<vmem>>, vector<336x16x128xf32>
    %mul3A_595 = vector.broadcast %broadcast_in_dim3A_590 : vector<336x1x128xf32> to vector<336x16x128xf32>
    %mul3A_596 = arith.mulf %mul3A_595, %get3A_594 : vector<336x16x128xf32>
    %reduce_sum3A_597 = arith.constant dense<0.000000e+00> : vector<16x128xf32>
    %reduce_sum3A_598 = vector.multi_reduction <add>, %mul3A_596, %reduce_sum3A_597 [0] : vector<336x16x128xf32> to vector<16x128xf32>
    %get3A_599 = arith.constant 0 : index
    %get3A_600 = arith.constant 0 : index
    %get3A_601 = vector.load %arg6[%get3A_599, %get3A_600] : memref<16x1xf32, #tpu.memory_space<vmem>>, vector<16x1xf32>
    %mul3A_602 = vector.broadcast %get3A_601 : vector<16x1xf32> to vector<16x128xf32>
    %mul3A_603 = arith.mulf %reduce_sum3A_598, %mul3A_602 : vector<16x128xf32>
    %reduce_sum3A_604 = arith.constant dense<0.000000e+00> : vector<128xf32>
    %reduce_sum3A_605 = vector.multi_reduction <add>, %mul3A_603, %reduce_sum3A_604 [0] : vector<16x128xf32> to vector<128xf32>
    %broadcast_in_dim3A_606 = vector.shape_cast %reduce_sum3A_605 : vector<128xf32> to vector<1x128xf32>
    %mul3A_607 = arith.mulf %slice3A_7, %get3A_1 : vector<26x128xf32>
    %reduce_sum3A_608 = arith.constant dense<0.000000e+00> : vector<128xf32>
    %reduce_sum3A_609 = vector.multi_reduction <add>, %mul3A_607, %reduce_sum3A_608 [0] : vector<26x128xf32> to vector<128xf32>
    %broadcast_in_dim3A_610 = vector.shape_cast %reduce_sum3A_609 : vector<128xf32> to vector<1x128xf32>
    %get3A_611 = arith.constant 0 : index
    %get3A_612 = arith.constant 0 : index
    %get3A_613 = vector.load %arg7[%get3A_611, %get3A_612] : memref<1x1xf32, #tpu.memory_space<vmem>>, vector<1x1xf32>
    %add3A_614 = vector.broadcast %get3A_613 : vector<1x1xf32> to vector<1x128xf32>
    %add3A_615 = arith.addf %add3A_614, %broadcast_in_dim3A_610 : vector<1x128xf32>
    %add3A_616 = arith.addf %add3A_615, %broadcast_in_dim3A_606 : vector<1x128xf32>
    %neg3A = arith.constant 0.000000e+00 : f32
    %neg3A_617 = vector.broadcast %neg3A : f32 to vector<1x128xf32>
    %neg3A_618 = arith.subf %neg3A_617, %add3A_616 : vector<1x128xf32>
    %exp3A_619 = math.exp %neg3A_618 : vector<1x128xf32>
    %add3A_620 = arith.constant 1.000000e+00 : f32
    %add3A_621 = vector.broadcast %add3A_620 : f32 to vector<1x128xf32>
    %add3A_622 = arith.addf %add3A_621, %exp3A_619 : vector<1x128xf32>
    %div3A_623 = arith.constant 1.000000e+00 : f32
    %div3A_624 = vector.broadcast %div3A_623 : f32 to vector<1x128xf32>
    %div3A_625 = arith.divf %div3A_624, %add3A_622 : vector<1x128xf32>
    %broadcast_in_dim3A_626 = vector.shape_cast %div3A_625 : vector<1x128xf32> to vector<1x1x128xf32>
    %swap3A_627 = arith.constant 0 : index
    %swap3A_628 = arith.constant 0 : index
    %swap3A_629 = arith.constant 0 : index
    %swap3A_630 = vector.load %arg8[%swap3A_627, %swap3A_628, %swap3A_629] : memref<1x1x128xf32, #tpu.memory_space<vmem>>, vector<1x1x128xf32>
    tpu.vector_store %arg8[%swap3A_627, %swap3A_628, %swap3A_629], %broadcast_in_dim3A_626 {strides = array<i32>} : memref<1x1x128xf32, #tpu.memory_space<vmem>>, vector<1x1x128xf32>,
    return
  }
  func.func @transform_0(%arg0: i32) -> (i32, i32, i32) {
    %c0_i32 = arith.constant 0 : i32
    %c0_i32_0 = arith.constant 0 : i32
    %c0_i32_1 = arith.constant 0 : i32
    return %arg0, %c0_i32, %c0_i32_0 : i32, i32, i32
  }
  func.func @transform_1(%arg0: i32) -> (i32, i32) {
    %c0_i32 = arith.constant 0 : i32
    %c0_i32_0 = arith.constant 0 : i32
    return %c0_i32, %arg0 : i32, i32
  }
  func.func @transform_2(%arg0: i32) -> (i32, i32) {
    %c0_i32 = arith.constant 0 : i32
    %c0_i32_0 = arith.constant 0 : i32
    %c0_i32_1 = arith.constant 0 : i32
    return %c0_i32, %c0_i32_0 : i32, i32
  }
  func.func @transform_3(%arg0: i32) -> (i32, i32) {
    %c0_i32 = arith.constant 0 : i32
    %c0_i32_0 = arith.constant 0 : i32
    %c0_i32_1 = arith.constant 0 : i32
    return %c0_i32, %c0_i32_0 : i32, i32
  }
  func.func @transform_4(%arg0: i32) -> (i32, i32) {
    %c0_i32 = arith.constant 0 : i32
    %c0_i32_0 = arith.constant 0 : i32
    %c0_i32_1 = arith.constant 0 : i32
    return %c0_i32, %c0_i32_0 : i32, i32
  }
  func.func @transform_5(%arg0: i32) -> (i32, i32) {
    %c0_i32 = arith.constant 0 : i32
    %c0_i32_0 = arith.constant 0 : i32
    %c0_i32_1 = arith.constant 0 : i32
    return %c0_i32, %c0_i32_0 : i32, i32
  }
  func.func @transform_6(%arg0: i32) -> (i32, i32) {
    %c0_i32 = arith.constant 0 : i32
    %c0_i32_0 = arith.constant 0 : i32
    %c0_i32_1 = arith.constant 0 : i32
    return %c0_i32, %c0_i32_0 : i32, i32
  }
  func.func @transform_7(%arg0: i32) -> (i32, i32, i32) {
    %c0_i32 = arith.constant 0 : i32
    %c0_i32_0 = arith.constant 0 : i32
    %c0_i32_1 = arith.constant 0 : i32
    return %arg0, %c0_i32, %c0_i32_0 : i32, i32, i32
  }
}

</mosaic_0001>

<sc_bundles>
// kernel: kernel.10.cloned.1.call-start
scs
__scs_entry_jumppad:
0x0: {  	(pc) =	sbr.rel $0x88, $3  }
0x1: {  	(tag) =	ssettag $0x0;
	lr =	simm.s32 $0x1  }
0x2: {  	[smem:$0x3F98] =	sst lr;
	_ =	strace $0xD0000000  }
0x3: {  	_ = 	snop  }
0x4: {  	_ = 	snop  }
0x5: {  	_ = 	snop  }
0x6: {  	_ = 	snop  }
0x7: {  	_ = 	snop  }
__scs_overlays_trampoline_lowered:
0x8: {  	[smem:$0x3FA7] =	sst s0  }
0x9: {  	[smem:$0x3FA8] =	sst s1  }
0xa: {  	[smem:$0x3FA9] =	sst s2  }
0xb: {  	[smem:$0x3FAA] =	sst s3  }
0xc: {  	[smem:$0x3FAB] =	sst s4  }
0xd: {  	[smem:$0x3FAC] =	sst s5  }
0xe: {  	[smem:$0x3FAD] =	sst s6  }
0xf: {  	[smem:$0x3FAE] =	sst s7  }
0x10: {  	[smem:$0x3FAF] =	sst s8  }
0x11: {  	[smem:$0x3FB0] =	sst s9;
	s0 =	simm.s32 @!p0 $0x0  }
0x12: {  	s1 =	sld [smem:$0x3F96];
	s0 =	simm.s32 @p0 $0x1  }
0x13: {  	[smem:$0x3FB1] =	sst s0;
	s0 =	simm.s32 @!p1 $0x0  }
0x14: {  	s2 =	sld [smem:$0x3F95];
	s0 =	simm.s32 @p1 $0x1  }
0x15: {  	[smem:$0x3FB2] =	sst s0;
	s0 =	simm.s32 @!p2 $0x0  }
0x16: {  	s3 =	sld [smem:$0x3FDB];
	s0 =	simm.s32 @p2 $0x1  }
0x17: {  	s4 =	simm.s32 $0x1BF5;
	[smem:$0x3FB4] =	sst s0  }
0x18: {  	s0 =	sld [smem:$0x3F97];
	_ =	swait.ge [sflag:s4], $0x0  }
0x19: {  	s7 =	sld [smem:$0x3F98]  }
0x1a: {  	s8 =	sadd.s32 $0xFFFFE003, lr  }
0x1b: {  	s9 =	sadd.s32 $0xFFFFFEF7, lr;
	s5 =	simm.s32 $0xFFFFFFFF;
	p2 =	slt.u32 s8, $0xFFFFF086  }
0x1c: {  	p1 =	slt.u32 s9, $0xF7A;
	s5 =	simm.s32 @!p2 $0x0  }
0x1d: {  	s5 =	simm.s32 @p1 $0x1;
	p0 =	seq.s32 s7, s2  }
0x1e: {  	s7 =	smul.u32 @!p0 $0xF7A, s2;
	p2 =	seq.s32 @!p0 s5, $0x0  }
0x1f: {  	s9 =	smul.u32 $0xF7A, s1;
	s8 =	simm.s32 @!p0 $0x1BF5;
	p2 =	por !p2, p0  }
0x20: {  	[sflag:s8] =	ssyncset.s32 @!p0 $0xFFFFF086;
	s6 =	sadd.s32 @!p0 s3, s7;
	s7 =	simm.s32 @!p0 $0x108  }
0x21: {  	s3 =	sadd.s32 s3, s9;
	s6 =	sadd.s32 @!p0 $0x88, s6;
	s7 =	simm.s32 @p2 $0x1082  }
0x22: {  	[simem:s7], [sflag:s8] =	dma.local @!p0 [hbm:s6], $0xF7A  }
0x23: {  	s9 =	sor.u32 $0xD0000000, s2;
	s6 =	simm.s32 $0x108;
	_ =	swait.ge @!p0 [sflag:s8], $0x0  }
0x24: {  	s3 =	sadd.s32 $0x88, s3;
	s6 =	simm.s32 @!p1 $0x1082;
	[sflag:s4] =	ssyncset.s32 $0xFFFFF086  }
0x25: {  	[simem:s6], [sflag:s4] =	dma.local [hbm:s3], $0xF7A  }
0x26: {  	[smem:$0x3F98] =	sst s1;
	(tag) =	ssettag s2;
	_ =	strace s9  }
0x27: {  	s1 =	sld [smem:$0x3FA8]  }
0x28: {  	s2 =	sld [smem:$0x3FA9]  }
0x29: {  	s4 =	sld [smem:$0x3FAB]  }
0x2a: {  	p0 =	seq.s32 s5, $0x0;
	s5 =	sld [smem:$0x3FAC]  }
0x2b: {  	s6 =	sld [smem:$0x3FAD]  }
0x2c: {  	s7 =	sld [smem:$0x3FAE]  }
0x2d: {  	s3 =	simm.s32 $0x108;
	s8 =	sld [smem:$0x3FAF]  }
0x2e: {  	s3 =	simm.s32 @!p0 $0x1082;
	s9 =	sld [smem:$0x3FB0]  }
0x2f: {  	lr =	sadd.s32 s0, s3;
	s0 =	sld [smem:$0x3FA7]  }
0x30: {  	s3 =	sld [smem:$0x3FAA]  }
0x31: {  	[smem:$0x3FB3] =	sst s10  }
0x32: {  	s10 =	sld [smem:$0x3FB1];
	_ =	sdelay $0x3  }
0x33: {  	p0 =	seq.s32 s10, $0x1;
	s10 =	sld [smem:$0x3FB3];
	_ =	sdelay $0x3  }
0x34: {  	[smem:$0x3FB3] =	sst s10  }
0x35: {  	s10 =	sld [smem:$0x3FB2];
	_ =	sdelay $0x3  }
0x36: {  	p1 =	seq.s32 s10, $0x1;
	s10 =	sld [smem:$0x3FB3];
	_ =	sdelay $0x3  }
0x37: {  	[smem:$0x3FB3] =	sst s10  }
0x38: {  	s10 =	sld [smem:$0x3FB4]  }
0x39: {  	_ = 	snop;
	(pc) =	sbr.ind lr, $3  }
0x3a: {  	_ = 	snop  }
0x3b: {  	_ = 	snop  }
0x3c: {  	p2 =	seq.s32 s10, $0x1;
	s10 =	sld [smem:$0x3FB3]  }
0x3d: {  	_ =	shalt  }
0x3e: {  	_ =	shalt  }
0x3f: {  	_ =	shalt  }
0x40: {  	_ =	shalt  }
0x41: {  	_ =	shalt  }
0x42: {  	_ =	shalt  }
0x43: {  	_ =	shalt  }
0x44: {  	_ =	shalt  }
0x45: {  	_ =	shalt  }
0x46: {  	_ =	shalt  }
0x47: {  	_ =	shalt  }
0x48: {  	_ =	shalt  }
0x49: {  	_ =	shalt  }
0x4a: {  	_ =	shalt  }
0x4b: {  	_ =	shalt  }
0x4c: {  	_ =	shalt  }
0x4d: {  	_ =	shalt  }
0x4e: {  	_ =	shalt  }
0x4f: {  	_ =	shalt  }
0x50: {  	_ =	shalt  }
0x51: {  	_ =	shalt  }
0x52: {  	_ =	shalt  }
0x53: {  	_ =	shalt  }
0x54: {  	_ =	shalt  }
0x55: {  	_ =	shalt  }
0x56: {  	_ =	shalt  }
0x57: {  	_ =	shalt  }
0x58: {  	_ =	shalt  }
0x59: {  	_ =	shalt  }
0x5a: {  	_ =	shalt  }
0x5b: {  	_ =	shalt  }
0x5c: {  	_ =	shalt  }
0x5d: {  	_ =	shalt  }
0x5e: {  	_ =	shalt  }
0x5f: {  	_ =	shalt  }
0x60: {  	_ =	shalt  }
0x61: {  	_ =	shalt  }
0x62: {  	_ =	shalt  }
0x63: {  	_ =	shalt  }
0x64: {  	_ =	shalt  }
0x65: {  	_ =	shalt  }
0x66: {  	_ =	shalt  }
0x67: {  	_ =	shalt  }
0x68: {  	_ =	shalt  }
0x69: {  	_ =	shalt  }
0x6a: {  	_ =	shalt  }
0x6b: {  	_ =	shalt  }
0x6c: {  	_ =	shalt  }
0x6d: {  	_ =	shalt  }
0x6e: {  	_ =	shalt  }
0x6f: {  	_ =	shalt  }
0x70: {  	_ =	shalt  }
0x71: {  	_ =	shalt  }
0x72: {  	_ =	shalt  }
0x73: {  	_ =	shalt  }
0x74: {  	_ =	shalt  }
0x75: {  	_ =	shalt  }
0x76: {  	_ =	shalt  }
0x77: {  	_ =	shalt  }
0x78: {  	_ =	shalt  }
0x79: {  	_ =	shalt  }
0x7a: {  	_ =	shalt  }
0x7b: {  	_ =	shalt  }
0x7c: {  	_ =	shalt  }
0x7d: {  	_ =	shalt  }
0x7e: {  	_ =	shalt  }
0x7f: {  	_ =	shalt  }
0x80: {  	_ =	shalt  }
0x81: {  	_ =	shalt  }
0x82: {  	_ =	shalt  }
0x83: {  	_ =	shalt  }
0x84: {  	_ =	shalt  }
0x85: {  	_ =	shalt  }
0x86: {  	_ =	shalt  }
0x87: {  	_ =	shalt  }
.Lfunc_end0:
.L_simem_size_0:
called_computation_lowered:
.L_overlay_start_0:
0x88: {  	s2 =	sld [smem:$0x3FD9]  }
0x89: {  	s3 =	sld [smem:$0x3FFE];
	_ =	sdelay $0x1  }
0x8a: {  	s1 =	srdreg.scid  }
0x8b: {  	s0 =	sand.u32 $0x1, s1  }
0x8c: {  	s16 =	sshll.u32 s0, $0xA;
	s2 =	sadd.s32 s3, s2  }
0x8d: {  	s2 =	sadd.s32 s2, s16  }
0x8e: {  	[smem:$0x3FBF] =	sst s2  }
0x8f: {  	_ = 	snop  }
0x90: {  	(tm) =	ssettm $0x1  }
0x91: {  	s17 =	sld [smem:$0x3FFB];
	_ =	sdelay $0x3  }
0x92: {  	_ =	strace s17  }
0x93: {  	s2 =	sld [smem:$0x3FFC];
	_ =	sdelay $0x3  }
0x94: {  	_ =	strace s2  }
0x95: {  	s2 =	sld [smem:$0x3FFD];
	_ =	sdelay $0x3  }
0x96: {  	_ =	strace s2  }
0x97: {  	_ =	strace $0x8FFFFFFF  }
0x98: {  	s18 =	sld [smem:$0x3FDB];
	_ =	sdelay $0x1  }
0x99: {  	s19 =	simm.s32 $_scs_section_size  }
0x9a: {  	s4 =	simm.s32 $_size__tile_overlayer_lowered;
	s5 =	simm.s32 $_tile_overlayer_lowered  }
0x9b: {  	s22 =	simm.s32 $0x1BFF;
	s21 =	sshll.u32 s5, $0x1;
	s2 =	sadd.s32 s19, s18  }
0x9c: {  	s6 =	simm.s32 $0x0;
	s20 =	sshll.u32 s4, $0x1;
	s4 =	sadd.s32 s21, s2  }
0x9d: {  	[timem:s6], [sflag:s22] =	dma.local [hbm:s4], s20  }
0x9e: {  	_ =	swait.ge [sflag:s22], s20  }
0x9f: {  	s3 =	ssub.s32 $0x0, s20;
	[sflag:s22] =	ssyncset.done $0x0  }
0xa0: {  	[sflag:s22] =	ssyncadd.s32 s3;
	_ =	sdelay $0x1  }
0xa1: {  	s23 =	simm.s32 $0x1B8B  }
0xa2: {  	_ =	swait.ge [sflag:s23], $0x1  }
0xa3: {  	[sflag:s23] =	ssyncset.done $0x0  }
0xa4: {  	s25 =	simm.s32 $0x1B8E;
	s24 =	sld [smem:$0x3FFE];
	[sflag:s23] =	ssyncadd.s32 $0xFFFFFFFF  }
0xa5: {  	s26 =	simm.s32 $execute0_lowered;
	[smem:$0x3FD2] =	sst s25  }
0xa6: {  	s4 =	sshll.u32 s26, $0x1;
	_ =	strace $0x80000046;
	[dreg:$0x1] =	wrdreg $0xFFFFFFFF  }
0xa7: {  	s28 =	simm.s32 $_size_execute0_lowered;
	s2 =	sadd.s32 s2, s4;
	[dreg:$0x0] =	wrdreg $0x0  }
0xa8: {  	s4 =	sshll.u32 s28, $0x1;
	[dreg:$0x2] =	wrdreg s2  }
0xa9: {  	[dreg:$0x3] =	wrdreg s4  }
0xaa: {  	[dreg:$0x4] =	wrdreg $0xC0  }
0xab: {  	_ =	task [dreg:s6], $0x5FFFF  }
0xac: {  	[dreg:$0x1] =	wrdreg $0xFFFFFFFF  }
0xad: {  	[dreg:$0x0] =	wrdreg $0x60  }
0xae: {  	[dreg:$0x2] =	wrdreg s24  }
0xaf: {  	[dreg:$0x3] =	wrdreg $0x9  }
0xb0: {  	_ =	task.clear_ibuf [dreg:s6], $0x4FFFF;
	_ =	strace $0x90000046  }
0xb1: {  	s29 =	simm.s32 $0x9;
	_ =	strace $0x80000048  }
0xb2: {  	_ =	swait.ge [sflag:s29], $0x1  }
0xb3: {  	[sflag:s29] =	ssyncadd.s32 $0xFFFFFFFF  }
0xb4: {  	_ =	strace $0x90000048  }
0xb5: {  	_ =	sfence  }
0xb6: {  	s30 =	sld [smem:$0x0];
	_ =	sdelay $0x2  }
0xb7: {  	s31 =	sshll.u32 s1, $0xD;
	s1 =	sshrl.u32 s1, $0x2  }
0xb8: {  	s3 =	sand.u32 $0x4000, s31;
	s1 =	sadd.s32 s1, s30  }
0xb9: {  	s0 =	sor.u32 s3, s0;
	s1 =	sshll.u32 s1, $0x11  }
0xba: {  	s0 =	sor.u32 s1, s0  }
0xbb: {  	s0 =	sadd.s32 $0x8F2B, s0  }
0xbc: {  	[sflag:s0] =	ssyncadd.remote.s32 $0x1  }
0xbd: {  	_ =	sfence.sel $0xFFFF  }
0xbe: {  	[dreg:$0x0] =	wrdreg $0xFFFFFFFF;
	(pc) =	sbr.abs _section_cstart, $3  }
0xbf: {  	[dreg:$0x1] =	wrdreg $0xFFFFFFFF  }
0xc0: {  	_ =	task.clear_ibuf [dreg:s6], $0x2FFFF;
	_ =	strace $0x9FFFFFFF  }
0xc1: {  	(tm) =	ssettm $0x7FFFFFFF  }
tec
execute0_lowered:
.L_overlay_start_1:
0x0: {  	(tag) =	ssettag $0x1  }
0x1: {  	s0 =	stileid.u32;
	s1 =	srdreg.scid  }
0x2: {  	s4 =	rddreg [dreg:$0x0];
	s9 =	simm.s32 $0x80;
	s10 =	simm.s32 $0x3  }
0x3: {  	s11 =	simm.s32 $0x1;
	s12 =	simm.s32 $0x2;
	s2 =	sshll.u32 s0, $0x1  }
0x4: {  	s3 =	sand.u32 $0x1, s1;
	s29 =	sshrl.u32 s0, $0x1;
	s2 =	sand.u32 $0x2, s2  }
0x5: {  	s13 =	simm.s32 $0x3800;
	s6 =	smul.u32 $0xE000, s29;
	s5 =	sor.u32 s3, s2  }
0x6: {  	s14 =	simm.s32 $0x0;
	s1 =	rddreg [dreg:$0x1];
	s5 =	sshll.u32 s5, $0x5  }
0x7: {  	s30 =	ssub.s32 $0x2, s3;
	s2 =	simm.s32 $0x0;
	s5 =	sor.u32 s6, s5  }
0x8: {  	s3 =	sadd.s32 $0x3A800, s4;
	[smem:$0x7FF] =	sst s2;
	s5 =	sshrl.u32 s5, $0x3  }
0x9: {  	s31 =	sshrl.u32 s30, $0x1;
	_ =	strace $0x80000047;
	s7 =	sadd.s32 s5, s4  }
0xa: {  	s8 =	ssub.s32 s30, s31;
	s4 =	sadd.s32 $0x222E00, s4;
	s5 =	sadd.s32 $0x2800, s7  }
0xb: {  	s6 =	sadd.s32 $0x317200, s7;
	s7 =	smax.u32 s8, $0x1;
	s8 =	simm.s32 $0x20  }
.LBB2_1:
0xc: {  	[tilespmem:s2], [sflag:$0x3] =	stream.strided.gather [hbm4b:s5+s8], $0x3800, s9, s8, $0x38;
	[tilespmem:$0x7000] =	vst v63  }
0xd: {  	_ =	swait.ge [sflag:s10], $0x3800  }
0xe: {  	[sflag:s10] =	ssyncset.done $0x0  }
0xf: {  	s15 =	simm.s32 $0x0;
	[sflag:s10] =	ssyncadd.s32 $0xFFFFC800  }
.LBB2_2:
0x10: {  	p0 =	sne.s32 s15, $0xCF80  }
.Ltmp0:
0x11: {  	_ = 	snop;
	(pc) =	sbr.rel @p0 .LBB2_2-.Ltmp0, $4  }
0x12: {  	_ = 	snop  }
0x13: {  	s16 =	sshra.s32 s15, $0x2  }
0x14: {  	s15 =	sadd.s32 $0x80, s15;
	s17 =	sadd.s32 $0x3800, s16  }
0x15: {  	[tilespmem:s17], [sflag:$0x1] =	stream.indirect.gather [hbm4b:s3+s8], $0x1, s16, s8, $0xb8;
	[tilespmem:$0x7000] =	vst v63  }
0x16: {  	s15 =	simm.s32 $0x0  }
.LBB2_4:
0x17: {  	p0 =	sne.s32 s15, $0xC80  }
.Ltmp1:
0x18: {  	_ = 	snop;
	(pc) =	sbr.rel @p0 .LBB2_4-.Ltmp1, $4  }
0x19: {  	_ = 	snop  }
0x1a: {  	s16 =	sshra.s32 s15, $0x2  }
0x1b: {  	s15 =	sadd.s32 $0x80, s15;
	s17 =	sadd.s32 $0x6C00, s16;
	s16 =	sadd.s32 $0x3400, s16  }
0x1c: {  	[tilespmem:s17], [sflag:$0x2] =	stream.indirect.gather [hbm4b:s4+s8], $0x1, s16, s8, $0xb8;
	[tilespmem:$0x7000] =	vst v63  }
0x1d: {  	_ =	swait.ge [sflag:s11], $0x20  }
0x1e: {  	s15 =	simm.s32 $0x19F;
	[sflag:s11] =	ssyncset.done $0x0  }
.LBB2_6:
0x1f: {  	p0 =	sne.s32 s15, $0x1;
	s15 =	sadd.s32 $0xFFFFFFFF, s15;
	[sflag:s11] =	ssyncadd.s32 $0xFFFFFFE0  }
.Ltmp2:
0x20: {  	(pc) =	sbr.rel @p0 .LBB2_6-.Ltmp2, $3  }
0x21: {  	_ =	sdelay $0x1  }
0x22: {  	_ =	swait.ge [sflag:s11], $0x20  }
0x23: {  	[sflag:s11] =	ssyncset.done $0x0  }
0x24: {  	[sflag:s11] =	ssyncadd.s32 $0xFFFFFFE0  }
0x25: {  	_ =	swait.ge [sflag:s12], $0x20  }
0x26: {  	[sflag:s12] =	ssyncset.done $0x0  }
0x27: {  	[sflag:s12] =	ssyncadd.s32 $0xFFFFFFE0  }
0x28: {  	_ =	swait.ge [sflag:s12], $0x20  }
0x29: {  	[sflag:s12] =	ssyncset.done $0x0  }
0x2a: {  	[sflag:s12] =	ssyncadd.s32 $0xFFFFFFE0  }
0x2b: {  	_ =	swait.ge [sflag:s12], $0x20  }
0x2c: {  	[sflag:s12] =	ssyncset.done $0x0  }
0x2d: {  	[sflag:s12] =	ssyncadd.s32 $0xFFFFFFE0  }
0x2e: {  	_ =	swait.ge [sflag:s12], $0x20  }
0x2f: {  	[sflag:s12] =	ssyncset.done $0x0  }
0x30: {  	[sflag:s12] =	ssyncadd.s32 $0xFFFFFFE0  }
0x31: {  	_ =	swait.ge [sflag:s12], $0x20  }
0x32: {  	[sflag:s12] =	ssyncset.done $0x0  }
0x33: {  	[sflag:s12] =	ssyncadd.s32 $0xFFFFFFE0  }
0x34: {  	_ =	swait.ge [sflag:s12], $0x20  }
0x35: {  	[sflag:s12] =	ssyncset.done $0x0  }
0x36: {  	[sflag:s12] =	ssyncadd.s32 $0xFFFFFFE0  }
0x37: {  	_ =	swait.ge [sflag:s12], $0x20  }
0x38: {  	[sflag:s12] =	ssyncset.done $0x0  }
0x39: {  	[sflag:s12] =	ssyncadd.s32 $0xFFFFFFE0  }
0x3a: {  	_ =	swait.ge [sflag:s12], $0x20  }
0x3b: {  	[sflag:s12] =	ssyncset.done $0x0  }
0x3c: {  	[sflag:s12] =	ssyncadd.s32 $0xFFFFFFE0  }
0x3d: {  	_ =	swait.ge [sflag:s12], $0x20  }
0x3e: {  	[sflag:s12] =	ssyncset.done $0x0  }
0x3f: {  	[sflag:s12] =	ssyncadd.s32 $0xFFFFFFE0  }
0x40: {  	_ =	swait.ge [sflag:s12], $0x20  }
0x41: {  	[sflag:s12] =	ssyncset.done $0x0  }
0x42: {  	[sflag:s12] =	ssyncadd.s32 $0xFFFFFFE0  }
0x43: {  	_ =	swait.ge [sflag:s12], $0x20  }
0x44: {  	[sflag:s12] =	ssyncset.done $0x0  }
0x45: {  	[sflag:s12] =	ssyncadd.s32 $0xFFFFFFE0  }
0x46: {  	_ =	swait.ge [sflag:s12], $0x20  }
0x47: {  	[sflag:s12] =	ssyncset.done $0x0  }
0x48: {  	[sflag:s12] =	ssyncadd.s32 $0xFFFFFFE0  }
0x49: {  	_ =	swait.ge [sflag:s12], $0x20  }
0x4a: {  	[sflag:s12] =	ssyncset.done $0x0  }
0x4b: {  	[sflag:s12] =	ssyncadd.s32 $0xFFFFFFE0  }
0x4c: {  	_ =	swait.ge [sflag:s12], $0x20  }
0x4d: {  	[sflag:s12] =	ssyncset.done $0x0  }
0x4e: {  	[sflag:s12] =	ssyncadd.s32 $0xFFFFFFE0  }
0x4f: {  	_ =	swait.ge [sflag:s12], $0x20  }
0x50: {  	[sflag:s12] =	ssyncset.done $0x0  }
0x51: {  	[sflag:s12] =	ssyncadd.s32 $0xFFFFFFE0  }
0x52: {  	_ =	swait.ge [sflag:s12], $0x20  }
0x53: {  	[sflag:s12] =	ssyncset.done $0x0  }
0x54: {  	[sflag:s12] =	ssyncadd.s32 $0xFFFFFFE0  }
0x55: {  	_ =	swait.ge [sflag:s12], $0x20  }
0x56: {  	[sflag:s12] =	ssyncset.done $0x0  }
0x57: {  	[sflag:s12] =	ssyncadd.s32 $0xFFFFFFE0  }
0x58: {  	_ =	swait.ge [sflag:s12], $0x20  }
0x59: {  	[sflag:s12] =	ssyncset.done $0x0  }
0x5a: {  	[sflag:s12] =	ssyncadd.s32 $0xFFFFFFE0  }
0x5b: {  	_ =	swait.ge [sflag:s12], $0x20  }
0x5c: {  	[sflag:s12] =	ssyncset.done $0x0  }
0x5d: {  	[sflag:s12] =	ssyncadd.s32 $0xFFFFFFE0  }
0x5e: {  	_ =	swait.ge [sflag:s12], $0x20  }
0x5f: {  	[sflag:s12] =	ssyncset.done $0x0  }
0x60: {  	[sflag:s12] =	ssyncadd.s32 $0xFFFFFFE0  }
0x61: {  	_ =	swait.ge [sflag:s12], $0x20  }
0x62: {  	[sflag:s12] =	ssyncset.done $0x0  }
0x63: {  	[sflag:s12] =	ssyncadd.s32 $0xFFFFFFE0  }
0x64: {  	_ =	swait.ge [sflag:s12], $0x20  }
0x65: {  	[sflag:s12] =	ssyncset.done $0x0  }
0x66: {  	[sflag:s12] =	ssyncadd.s32 $0xFFFFFFE0  }
0x67: {  	_ =	swait.ge [sflag:s12], $0x20  }
0x68: {  	[sflag:s12] =	ssyncset.done $0x0  }
0x69: {  	[sflag:s12] =	ssyncadd.s32 $0xFFFFFFE0  }
0x6a: {  	_ =	swait.ge [sflag:s12], $0x20  }
0x6b: {  	[sflag:s12] =	ssyncset.done $0x0  }
0x6c: {  	[sflag:s12] =	ssyncadd.s32 $0xFFFFFFE0  }
0x6d: {  	_ =	swait.ge [sflag:s12], $0x20  }
0x6e: {  	[sflag:s12] =	ssyncset.done $0x0  }
0x6f: {  	[sflag:s12] =	ssyncadd.s32 $0xFFFFFFE0  }
0x70: {  	s14 =	sadd.s32 $0x1, s14;
	_ =	swait.ge [sflag:s12], $0x20  }
0x71: {  	p0 =	sne.s32 s14, s7;
	[sflag:s12] =	ssyncset.done $0x0  }
.Ltmp3:
0x72: {  	[sflag:s12] =	ssyncadd.s32 $0xFFFFFFE0;
	(pc) =	sbr.rel @p0 .LBB2_1-.Ltmp3, $4  }
0x73: {  	[hbm4b:s6+s8] =	stream.strided.scatter [tilespmem:s13], [sflag:$0x3], $0x3800, s9, s8, $0x38;
	[tilespmem:$0x7000] =	vst v63  }
0x74: {  	_ =	swait.ge [sflag:s10], $0x3800  }
0x75: {  	[sflag:s10] =	ssyncset.done $0x0  }
0x76: {  	[sflag:s10] =	ssyncadd.s32 $0xFFFFC800  }
0x77: {  	_ =	sfence.sel $0x180000  }
0x78: {  	[bflag:$0x0] =	sbarrier.arrive $0xFFFF  }
0x79: {  	p0 =	sne.s32 s0, $0x0;
	_ =	strace $0x90000047  }
0x7a: {  	s0 =	sadd.s32 @!p0 $0x100000, s1;
	[bflag:$0x2] =	sbarrier.arrive $0xFFFF  }
0x7b: {  	[sflag:s0] =	ssyncadd.tile.s32 @!p0 $0x1;
	_ =	shalt  }
.Lfunc_end2:
_tile_overlayer_lowered:
.L_overlay_start_2:
0x7c: {  	(tag) =	ssettag $0x2  }
0x7d: {  	s0 =	rddreg [dreg:$0x0];
	s2 =	stileid.u32  }
0x7e: {  	s1 =	rddreg [dreg:$0x1];
	p0 =	sne.s32 s2, $0x0  }
0x7f: {  	s3 =	rddreg [dreg:$0x2];
	[bflag:$0x3] =	sbarrier.arrive $0xFFFF;
	s2 =	simm.s32 @!p0 $0x1C03  }
0x80: {  	[timem:s3], [sflag:s2] =	dma.local @!p0 [hbm:s0], s1  }
0x81: {  	s0 =	simm.s32 @!p0 $0x3  }
0x82: {  	_ =	swait.ge @!p0 [sflag:s0], s1  }
0x83: {  	s1 =	ssub.s32 @!p0 $0x0, s1;
	[sflag:s0] =	ssyncset.done @!p0 $0x0  }
0x84: {  	[sflag:s0] =	ssyncadd.s32 @!p0 s1  }
0x85: {  	[bflag:$0x3] =	sbarrier.arrive $0xFFFF  }
0x86: {  	_ =	shalt  }

// kernel: kernel.13.cloned.1.call-start
scs
__scs_entry_jumppad:
0x0: {  	(pc) =	sbr.rel $0x88, $3  }
0x1: {  	(tag) =	ssettag $0x0;
	lr =	simm.s32 $0x1  }
0x2: {  	[smem:$0x3F98] =	sst lr;
	_ =	strace $0xD0000000  }
0x3: {  	_ = 	snop  }
0x4: {  	_ = 	snop  }
0x5: {  	_ = 	snop  }
0x6: {  	_ = 	snop  }
0x7: {  	_ = 	snop  }
__scs_overlays_trampoline_lowered:
0x8: {  	[smem:$0x3FA7] =	sst s0  }
0x9: {  	[smem:$0x3FA8] =	sst s1  }
0xa: {  	[smem:$0x3FA9] =	sst s2  }
0xb: {  	[smem:$0x3FAA] =	sst s3  }
0xc: {  	[smem:$0x3FAB] =	sst s4  }
0xd: {  	[smem:$0x3FAC] =	sst s5  }
0xe: {  	[smem:$0x3FAD] =	sst s6  }
0xf: {  	[smem:$0x3FAE] =	sst s7  }
0x10: {  	[smem:$0x3FAF] =	sst s8  }
0x11: {  	[smem:$0x3FB0] =	sst s9;
	s0 =	simm.s32 @!p0 $0x0  }
0x12: {  	s1 =	sld [smem:$0x3F96];
	s0 =	simm.s32 @p0 $0x1  }
0x13: {  	[smem:$0x3FB1] =	sst s0;
	s0 =	simm.s32 @!p1 $0x0  }
0x14: {  	s2 =	sld [smem:$0x3F95];
	s0 =	simm.s32 @p1 $0x1  }
0x15: {  	[smem:$0x3FB2] =	sst s0;
	s0 =	simm.s32 @!p2 $0x0  }
0x16: {  	s3 =	sld [smem:$0x3FDB];
	s0 =	simm.s32 @p2 $0x1  }
0x17: {  	s4 =	simm.s32 $0x1BF5;
	[smem:$0x3FB4] =	sst s0  }
0x18: {  	s0 =	sld [smem:$0x3F97];
	_ =	swait.ge [sflag:s4], $0x0  }
0x19: {  	s7 =	sld [smem:$0x3F98]  }
0x1a: {  	s8 =	sadd.s32 $0xFFFFE003, lr  }
0x1b: {  	s9 =	sadd.s32 $0xFFFFFEF7, lr;
	s5 =	simm.s32 $0xFFFFFFFF;
	p2 =	slt.u32 s8, $0xFFFFF086  }
0x1c: {  	p1 =	slt.u32 s9, $0xF7A;
	s5 =	simm.s32 @!p2 $0x0  }
0x1d: {  	s5 =	simm.s32 @p1 $0x1;
	p0 =	seq.s32 s7, s2  }
0x1e: {  	s7 =	smul.u32 @!p0 $0xF7A, s2;
	p2 =	seq.s32 @!p0 s5, $0x0  }
0x1f: {  	s9 =	smul.u32 $0xF7A, s1;
	s8 =	simm.s32 @!p0 $0x1BF5;
	p2 =	por !p2, p0  }
0x20: {  	[sflag:s8] =	ssyncset.s32 @!p0 $0xFFFFF086;
	s6 =	sadd.s32 @!p0 s3, s7;
	s7 =	simm.s32 @!p0 $0x108  }
0x21: {  	s3 =	sadd.s32 s3, s9;
	s6 =	sadd.s32 @!p0 $0x88, s6;
	s7 =	simm.s32 @p2 $0x1082  }
0x22: {  	[simem:s7], [sflag:s8] =	dma.local @!p0 [hbm:s6], $0xF7A  }
0x23: {  	s9 =	sor.u32 $0xD0000000, s2;
	s6 =	simm.s32 $0x108;
	_ =	swait.ge @!p0 [sflag:s8], $0x0  }
0x24: {  	s3 =	sadd.s32 $0x88, s3;
	s6 =	simm.s32 @!p1 $0x1082;
	[sflag:s4] =	ssyncset.s32 $0xFFFFF086  }
0x25: {  	[simem:s6], [sflag:s4] =	dma.local [hbm:s3], $0xF7A  }
0x26: {  	[smem:$0x3F98] =	sst s1;
	(tag) =	ssettag s2;
	_ =	strace s9  }
0x27: {  	s1 =	sld [smem:$0x3FA8]  }
0x28: {  	s2 =	sld [smem:$0x3FA9]  }
0x29: {  	s4 =	sld [smem:$0x3FAB]  }
0x2a: {  	p0 =	seq.s32 s5, $0x0;
	s5 =	sld [smem:$0x3FAC]  }
0x2b: {  	s6 =	sld [smem:$0x3FAD]  }
0x2c: {  	s7 =	sld [smem:$0x3FAE]  }
0x2d: {  	s3 =	simm.s32 $0x108;
	s8 =	sld [smem:$0x3FAF]  }
0x2e: {  	s3 =	simm.s32 @!p0 $0x1082;
	s9 =	sld [smem:$0x3FB0]  }
0x2f: {  	lr =	sadd.s32 s0, s3;
	s0 =	sld [smem:$0x3FA7]  }
0x30: {  	s3 =	sld [smem:$0x3FAA]  }
0x31: {  	[smem:$0x3FB3] =	sst s10  }
0x32: {  	s10 =	sld [smem:$0x3FB1];
	_ =	sdelay $0x3  }
0x33: {  	p0 =	seq.s32 s10, $0x1;
	s10 =	sld [smem:$0x3FB3];
	_ =	sdelay $0x3  }
0x34: {  	[smem:$0x3FB3] =	sst s10  }
0x35: {  	s10 =	sld [smem:$0x3FB2];
	_ =	sdelay $0x3  }
0x36: {  	p1 =	seq.s32 s10, $0x1;
	s10 =	sld [smem:$0x3FB3];
	_ =	sdelay $0x3  }
0x37: {  	[smem:$0x3FB3] =	sst s10  }
0x38: {  	s10 =	sld [smem:$0x3FB4]  }
0x39: {  	_ = 	snop;
	(pc) =	sbr.ind lr, $3  }
0x3a: {  	_ = 	snop  }
0x3b: {  	_ = 	snop  }
0x3c: {  	p2 =	seq.s32 s10, $0x1;
	s10 =	sld [smem:$0x3FB3]  }
0x3d: {  	_ =	shalt  }
0x3e: {  	_ =	shalt  }
0x3f: {  	_ =	shalt  }
0x40: {  	_ =	shalt  }
0x41: {  	_ =	shalt  }
0x42: {  	_ =	shalt  }
0x43: {  	_ =	shalt  }
0x44: {  	_ =	shalt  }
0x45: {  	_ =	shalt  }
0x46: {  	_ =	shalt  }
0x47: {  	_ =	shalt  }
0x48: {  	_ =	shalt  }
0x49: {  	_ =	shalt  }
0x4a: {  	_ =	shalt  }
0x4b: {  	_ =	shalt  }
0x4c: {  	_ =	shalt  }
0x4d: {  	_ =	shalt  }
0x4e: {  	_ =	shalt  }
0x4f: {  	_ =	shalt  }
0x50: {  	_ =	shalt  }
0x51: {  	_ =	shalt  }
0x52: {  	_ =	shalt  }
0x53: {  	_ =	shalt  }
0x54: {  	_ =	shalt  }
0x55: {  	_ =	shalt  }
0x56: {  	_ =	shalt  }
0x57: {  	_ =	shalt  }
0x58: {  	_ =	shalt  }
0x59: {  	_ =	shalt  }
0x5a: {  	_ =	shalt  }
0x5b: {  	_ =	shalt  }
0x5c: {  	_ =	shalt  }
0x5d: {  	_ =	shalt  }
0x5e: {  	_ =	shalt  }
0x5f: {  	_ =	shalt  }
0x60: {  	_ =	shalt  }
0x61: {  	_ =	shalt  }
0x62: {  	_ =	shalt  }
0x63: {  	_ =	shalt  }
0x64: {  	_ =	shalt  }
0x65: {  	_ =	shalt  }
0x66: {  	_ =	shalt  }
0x67: {  	_ =	shalt  }
0x68: {  	_ =	shalt  }
0x69: {  	_ =	shalt  }
0x6a: {  	_ =	shalt  }
0x6b: {  	_ =	shalt  }
0x6c: {  	_ =	shalt  }
0x6d: {  	_ =	shalt  }
0x6e: {  	_ =	shalt  }
0x6f: {  	_ =	shalt  }
0x70: {  	_ =	shalt  }
0x71: {  	_ =	shalt  }
0x72: {  	_ =	shalt  }
0x73: {  	_ =	shalt  }
0x74: {  	_ =	shalt  }
0x75: {  	_ =	shalt  }
0x76: {  	_ =	shalt  }
0x77: {  	_ =	shalt  }
0x78: {  	_ =	shalt  }
0x79: {  	_ =	shalt  }
0x7a: {  	_ =	shalt  }
0x7b: {  	_ =	shalt  }
0x7c: {  	_ =	shalt  }
0x7d: {  	_ =	shalt  }
0x7e: {  	_ =	shalt  }
0x7f: {  	_ =	shalt  }
0x80: {  	_ =	shalt  }
0x81: {  	_ =	shalt  }
0x82: {  	_ =	shalt  }
0x83: {  	_ =	shalt  }
0x84: {  	_ =	shalt  }
0x85: {  	_ =	shalt  }
0x86: {  	_ =	shalt  }
0x87: {  	_ =	shalt  }
.Lfunc_end0:
.L_simem_size_0:
called_computation.1_lowered:
.L_overlay_start_0:
0x88: {  	s2 =	sld [smem:$0x3FD9]  }
0x89: {  	s3 =	sld [smem:$0x3FFE];
	_ =	sdelay $0x1  }
0x8a: {  	s1 =	srdreg.scid  }
0x8b: {  	s0 =	sand.u32 $0x1, s1  }
0x8c: {  	s17 =	sshll.u32 s0, $0xA;
	s2 =	sadd.s32 s3, s2  }
0x8d: {  	s2 =	sadd.s32 s2, s17  }
0x8e: {  	[smem:$0x3FBF] =	sst s2  }
0x8f: {  	_ = 	snop  }
0x90: {  	(tm) =	ssettm $0x1  }
0x91: {  	s18 =	sld [smem:$0x3FFB];
	_ =	sdelay $0x3  }
0x92: {  	_ =	strace s18  }
0x93: {  	s2 =	sld [smem:$0x3FFC];
	_ =	sdelay $0x3  }
0x94: {  	_ =	strace s2  }
0x95: {  	s2 =	sld [smem:$0x3FFD];
	_ =	sdelay $0x3  }
0x96: {  	_ =	strace s2  }
0x97: {  	_ =	strace $0x8FFFFFFF  }
0x98: {  	s19 =	sld [smem:$0x3FDB];
	_ =	sdelay $0x1  }
0x99: {  	s20 =	simm.s32 $_scs_section_size  }
0x9a: {  	s4 =	simm.s32 $_size__tile_overlayer_lowered;
	s5 =	simm.s32 $_tile_overlayer_lowered  }
0x9b: {  	s6 =	simm.s32 $0x1BFF;
	s21 =	sshll.u32 s5, $0x1;
	s3 =	sadd.s32 s20, s19  }
0x9c: {  	s22 =	simm.s32 $0x0;
	s4 =	sshll.u32 s4, $0x1;
	s5 =	sadd.s32 s21, s3  }
0x9d: {  	[timem:s22], [sflag:s6] =	dma.local [hbm:s5], s4  }
0x9e: {  	_ =	swait.ge [sflag:s6], s4  }
0x9f: {  	s4 =	ssub.s32 $0x0, s4;
	[sflag:s6] =	ssyncset.done $0x0  }
0xa0: {  	[sflag:s6] =	ssyncadd.s32 s4;
	_ =	sdelay $0x1  }
0xa1: {  	s23 =	simm.s32 $0x1B8B  }
0xa2: {  	_ =	swait.ge [sflag:s23], $0x1  }
0xa3: {  	[sflag:s23] =	ssyncset.done $0x0  }
0xa4: {  	[sflag:s23] =	ssyncadd.s32 $0xFFFFFFFF  }
0xa5: {  	s4 =	sld [smem:$0x0]  }
0xa6: {  	s5 =	sand.u32 $0xFFFFFFFE, s1  }
0xa7: {  	p0 =	sne.s32 s1, s5  }
0xa8: {  	s5 =	sshll.u32 @p0 s5, $0xE  }
0xa9: {  	s5 =	sadd.s32 @p0 $0x11B8D, s5;
	s6 =	sshll.u32 @p0 s4, $0x11  }
0xaa: {  	s5 =	sor.u32 @p0 s6, s5  }
0xab: {  	[sflag:s5] =	ssyncadd.remote.s32 @p0 $0x1;
	_ =	sdelay $0x1  }
0xac: {  	s5 =	simm.s32 @p0 $0x1B8D  }
0xad: {  	_ =	swait.eq @p0 [sflag:s5], $0x1  }
0xae: {  	[sflag:s5] =	ssyncadd.s32 @p0 $0xFFFFFFFF  }
0xaf: {  	s6 =	sshll.u32 @!p0 s1, $0xE  }
0xb0: {  	s6 =	sor.u32 @!p0 $0x4000, s6;
	s5 =	simm.s32 @!p0 $0x1B8D  }
0xb1: {  	s4 =	sshll.u32 @!p0 s4, $0x11;
	s6 =	sadd.s32 @!p0 $0x11B8D, s6;
	_ =	swait.eq @!p0 [sflag:s5], $0x1  }
0xb2: {  	s4 =	sor.u32 @!p0 s4, s6;
	[sflag:s5] =	ssyncadd.s32 @!p0 $0xFFFFFFFF  }
0xb3: {  	s25 =	simm.s32 $0x1B8E;
	s24 =	sld [smem:$0x3FFE];
	[sflag:s4] =	ssyncadd.remote.s32 @!p0 $0x1  }
0xb4: {  	s26 =	simm.s32 $execute0_lowered;
	[smem:$0x3FD2] =	sst s25  }
0xb5: {  	s5 =	sshll.u32 s26, $0x1;
	_ =	strace $0x80000049;
	[dreg:$0x1] =	wrdreg $0xFFFFFFFF  }
0xb6: {  	s28 =	simm.s32 $_size_execute0_lowered;
	s3 =	sadd.s32 s3, s5;
	[dreg:$0x0] =	wrdreg $0x0  }
0xb7: {  	s5 =	sshll.u32 s28, $0x1;
	[dreg:$0x2] =	wrdreg s3  }
0xb8: {  	[dreg:$0x3] =	wrdreg s5  }
0xb9: {  	[dreg:$0x4] =	wrdreg $0xC0  }
0xba: {  	_ =	task [dreg:s22], $0x5FFFF  }
0xbb: {  	[dreg:$0x1] =	wrdreg $0xFFFFFFFF  }
0xbc: {  	[dreg:$0x0] =	wrdreg $0x60  }
0xbd: {  	[dreg:$0x2] =	wrdreg s24  }
0xbe: {  	[dreg:$0x3] =	wrdreg $0xA  }
0xbf: {  	_ =	task.clear_ibuf [dreg:s22], $0x4FFFF;
	_ =	strace $0x90000049  }
0xc0: {  	s29 =	simm.s32 $0xA;
	_ =	strace $0x8000004B  }
0xc1: {  	_ =	swait.ge [sflag:s29], $0x1  }
0xc2: {  	[sflag:s29] =	ssyncadd.s32 $0xFFFFFFFF  }
0xc3: {  	_ =	strace $0x9000004B  }
0xc4: {  	_ =	sfence  }
0xc5: {  	s30 =	sld [smem:$0x0];
	_ =	sdelay $0x2  }
0xc6: {  	s31 =	sshll.u32 s1, $0xD;
	s1 =	sshrl.u32 s1, $0x2  }
0xc7: {  	s4 =	sand.u32 $0x4000, s31;
	s1 =	sadd.s32 s1, s30  }
0xc8: {  	s0 =	sor.u32 s4, s0;
	s1 =	sshll.u32 s1, $0x11  }
0xc9: {  	s0 =	sor.u32 s1, s0  }
0xca: {  	s0 =	sadd.s32 $0x8F2B, s0  }
0xcb: {  	[sflag:s0] =	ssyncadd.remote.s32 $0x1  }
0xcc: {  	_ =	sfence.sel $0xFFFF  }
0xcd: {  	[dreg:$0x0] =	wrdreg $0xFFFFFFFF;
	(pc) =	sbr.abs _section_cstart, $3  }
0xce: {  	[dreg:$0x1] =	wrdreg $0xFFFFFFFF  }
0xcf: {  	_ =	task.clear_ibuf [dreg:s22], $0x2FFFF;
	_ =	strace $0x9FFFFFFF  }
0xd0: {  	(tm) =	ssettm $0x7FFFFFFF  }
0xd1: {  	_ =	shalt  }
tec
execute0_lowered:
.L_overlay_start_1:
0x0: {  	(tag) =	ssettag $0x1  }
0x1: {  	s0 =	stileid.u32;
	s1 =	srdreg.scid  }
0x2: {  	s4 =	rddreg [dreg:$0x0];
	s9 =	simm.s32 $0x80;
	s10 =	simm.s32 $0x3  }
0x3: {  	s11 =	simm.s32 $0x1;
	s12 =	simm.s32 $0x2;
	s2 =	sshll.u32 s0, $0x1  }
0x4: {  	s3 =	sand.u32 $0x1, s1;
	s29 =	sshrl.u32 s0, $0x1;
	s2 =	sand.u32 $0x2, s2  }
0x5: {  	s13 =	simm.s32 $0x3800;
	s6 =	smul.u32 $0xE000, s29;
	s5 =	sor.u32 s3, s2  }
0x6: {  	s14 =	simm.s32 $0x0;
	s1 =	rddreg [dreg:$0x1];
	s5 =	sshll.u32 s5, $0x5  }
0x7: {  	s30 =	ssub.s32 $0x2, s3;
	s2 =	simm.s32 $0x0;
	s5 =	sor.u32 s6, s5  }
0x8: {  	s3 =	sadd.s32 $0x3A800, s4;
	[smem:$0x7FF] =	sst s2;
	s5 =	sshrl.u32 s5, $0x3  }
0x9: {  	s31 =	sshrl.u32 s30, $0x1;
	_ =	strace $0x8000004A;
	s7 =	sadd.s32 s5, s4  }
0xa: {  	s8 =	ssub.s32 s30, s31;
	s4 =	sadd.s32 $0x222E00, s4;
	s5 =	sadd.s32 $0x10800, s7  }
0xb: {  	s6 =	sadd.s32 $0x325200, s7;
	s7 =	smax.u32 s8, $0x1;
	s8 =	simm.s32 $0x20  }
.LBB2_1:
0xc: {  	[tilespmem:s2], [sflag:$0x3] =	stream.strided.gather [hbm4b:s5+s8], $0x3800, s9, s8, $0x38;
	[tilespmem:$0x7000] =	vst v63  }
0xd: {  	_ =	swait.ge [sflag:s10], $0x3800  }
0xe: {  	[sflag:s10] =	ssyncset.done $0x0  }
0xf: {  	s15 =	simm.s32 $0x0;
	[sflag:s10] =	ssyncadd.s32 $0xFFFFC800  }
.LBB2_2:
0x10: {  	p0 =	sne.s32 s15, $0xCF80  }
.Ltmp0:
0x11: {  	_ = 	snop;
	(pc) =	sbr.rel @p0 .LBB2_2-.Ltmp0, $4  }
0x12: {  	_ = 	snop  }
0x13: {  	s16 =	sshra.s32 s15, $0x2  }
0x14: {  	s15 =	sadd.s32 $0x80, s15;
	s17 =	sadd.s32 $0x3800, s16  }
0x15: {  	[tilespmem:s17], [sflag:$0x1] =	stream.indirect.gather [hbm4b:s3+s8], $0x1, s16, s8, $0xb8;
	[tilespmem:$0x7000] =	vst v63  }
0x16: {  	s15 =	simm.s32 $0x0  }
.LBB2_4:
0x17: {  	p0 =	sne.s32 s15, $0xC80  }
.Ltmp1:
0x18: {  	_ = 	snop;
	(pc) =	sbr.rel @p0 .LBB2_4-.Ltmp1, $4  }
0x19: {  	_ = 	snop  }
0x1a: {  	s16 =	sshra.s32 s15, $0x2  }
0x1b: {  	s15 =	sadd.s32 $0x80, s15;
	s17 =	sadd.s32 $0x6C00, s16;
	s16 =	sadd.s32 $0x3400, s16  }
0x1c: {  	[tilespmem:s17], [sflag:$0x2] =	stream.indirect.gather [hbm4b:s4+s8], $0x1, s16, s8, $0xb8;
	[tilespmem:$0x7000] =	vst v63  }
0x1d: {  	_ =	swait.ge [sflag:s11], $0x20  }
0x1e: {  	s15 =	simm.s32 $0x19F;
	[sflag:s11] =	ssyncset.done $0x0  }
.LBB2_6:
0x1f: {  	p0 =	sne.s32 s15, $0x1;
	s15 =	sadd.s32 $0xFFFFFFFF, s15;
	[sflag:s11] =	ssyncadd.s32 $0xFFFFFFE0  }
.Ltmp2:
0x20: {  	(pc) =	sbr.rel @p0 .LBB2_6-.Ltmp2, $3  }
0x21: {  	_ =	sdelay $0x1  }
0x22: {  	_ =	swait.ge [sflag:s11], $0x20  }
0x23: {  	[sflag:s11] =	ssyncset.done $0x0  }
0x24: {  	[sflag:s11] =	ssyncadd.s32 $0xFFFFFFE0  }
0x25: {  	_ =	swait.ge [sflag:s12], $0x20  }
0x26: {  	[sflag:s12] =	ssyncset.done $0x0  }
0x27: {  	[sflag:s12] =	ssyncadd.s32 $0xFFFFFFE0  }
0x28: {  	_ =	swait.ge [sflag:s12], $0x20  }
0x29: {  	[sflag:s12] =	ssyncset.done $0x0  }
0x2a: {  	[sflag:s12] =	ssyncadd.s32 $0xFFFFFFE0  }
0x2b: {  	_ =	swait.ge [sflag:s12], $0x20  }
0x2c: {  	[sflag:s12] =	ssyncset.done $0x0  }
0x2d: {  	[sflag:s12] =	ssyncadd.s32 $0xFFFFFFE0  }
0x2e: {  	_ =	swait.ge [sflag:s12], $0x20  }
0x2f: {  	[sflag:s12] =	ssyncset.done $0x0  }
0x30: {  	[sflag:s12] =	ssyncadd.s32 $0xFFFFFFE0  }
0x31: {  	_ =	swait.ge [sflag:s12], $0x20  }
0x32: {  	[sflag:s12] =	ssyncset.done $0x0  }
0x33: {  	[sflag:s12] =	ssyncadd.s32 $0xFFFFFFE0  }
0x34: {  	_ =	swait.ge [sflag:s12], $0x20  }
0x35: {  	[sflag:s12] =	ssyncset.done $0x0  }
0x36: {  	[sflag:s12] =	ssyncadd.s32 $0xFFFFFFE0  }
0x37: {  	_ =	swait.ge [sflag:s12], $0x20  }
0x38: {  	[sflag:s12] =	ssyncset.done $0x0  }
0x39: {  	[sflag:s12] =	ssyncadd.s32 $0xFFFFFFE0  }
0x3a: {  	_ =	swait.ge [sflag:s12], $0x20  }
0x3b: {  	[sflag:s12] =	ssyncset.done $0x0  }
0x3c: {  	[sflag:s12] =	ssyncadd.s32 $0xFFFFFFE0  }
0x3d: {  	_ =	swait.ge [sflag:s12], $0x20  }
0x3e: {  	[sflag:s12] =	ssyncset.done $0x0  }
0x3f: {  	[sflag:s12] =	ssyncadd.s32 $0xFFFFFFE0  }
0x40: {  	_ =	swait.ge [sflag:s12], $0x20  }
0x41: {  	[sflag:s12] =	ssyncset.done $0x0  }
0x42: {  	[sflag:s12] =	ssyncadd.s32 $0xFFFFFFE0  }
0x43: {  	_ =	swait.ge [sflag:s12], $0x20  }
0x44: {  	[sflag:s12] =	ssyncset.done $0x0  }
0x45: {  	[sflag:s12] =	ssyncadd.s32 $0xFFFFFFE0  }
0x46: {  	_ =	swait.ge [sflag:s12], $0x20  }
0x47: {  	[sflag:s12] =	ssyncset.done $0x0  }
0x48: {  	[sflag:s12] =	ssyncadd.s32 $0xFFFFFFE0  }
0x49: {  	_ =	swait.ge [sflag:s12], $0x20  }
0x4a: {  	[sflag:s12] =	ssyncset.done $0x0  }
0x4b: {  	[sflag:s12] =	ssyncadd.s32 $0xFFFFFFE0  }
0x4c: {  	_ =	swait.ge [sflag:s12], $0x20  }
0x4d: {  	[sflag:s12] =	ssyncset.done $0x0  }
0x4e: {  	[sflag:s12] =	ssyncadd.s32 $0xFFFFFFE0  }
0x4f: {  	_ =	swait.ge [sflag:s12], $0x20  }
0x50: {  	[sflag:s12] =	ssyncset.done $0x0  }
0x51: {  	[sflag:s12] =	ssyncadd.s32 $0xFFFFFFE0  }
0x52: {  	_ =	swait.ge [sflag:s12], $0x20  }
0x53: {  	[sflag:s12] =	ssyncset.done $0x0  }
0x54: {  	[sflag:s12] =	ssyncadd.s32 $0xFFFFFFE0  }
0x55: {  	_ =	swait.ge [sflag:s12], $0x20  }
0x56: {  	[sflag:s12] =	ssyncset.done $0x0  }
0x57: {  	[sflag:s12] =	ssyncadd.s32 $0xFFFFFFE0  }
0x58: {  	_ =	swait.ge [sflag:s12], $0x20  }
0x59: {  	[sflag:s12] =	ssyncset.done $0x0  }
0x5a: {  	[sflag:s12] =	ssyncadd.s32 $0xFFFFFFE0  }
0x5b: {  	_ =	swait.ge [sflag:s12], $0x20  }
0x5c: {  	[sflag:s12] =	ssyncset.done $0x0  }
0x5d: {  	[sflag:s12] =	ssyncadd.s32 $0xFFFFFFE0  }
0x5e: {  	_ =	swait.ge [sflag:s12], $0x20  }
0x5f: {  	[sflag:s12] =	ssyncset.done $0x0  }
0x60: {  	[sflag:s12] =	ssyncadd.s32 $0xFFFFFFE0  }
0x61: {  	_ =	swait.ge [sflag:s12], $0x20  }
0x62: {  	[sflag:s12] =	ssyncset.done $0x0  }
0x63: {  	[sflag:s12] =	ssyncadd.s32 $0xFFFFFFE0  }
0x64: {  	_ =	swait.ge [sflag:s12], $0x20  }
0x65: {  	[sflag:s12] =	ssyncset.done $0x0  }
0x66: {  	[sflag:s12] =	ssyncadd.s32 $0xFFFFFFE0  }
0x67: {  	_ =	swait.ge [sflag:s12], $0x20  }
0x68: {  	[sflag:s12] =	ssyncset.done $0x0  }
0x69: {  	[sflag:s12] =	ssyncadd.s32 $0xFFFFFFE0  }
0x6a: {  	_ =	swait.ge [sflag:s12], $0x20  }
0x6b: {  	[sflag:s12] =	ssyncset.done $0x0  }
0x6c: {  	[sflag:s12] =	ssyncadd.s32 $0xFFFFFFE0  }
0x6d: {  	_ =	swait.ge [sflag:s12], $0x20  }
0x6e: {  	[sflag:s12] =	ssyncset.done $0x0  }
0x6f: {  	[sflag:s12] =	ssyncadd.s32 $0xFFFFFFE0  }
0x70: {  	s14 =	sadd.s32 $0x1, s14;
	_ =	swait.ge [sflag:s12], $0x20  }
0x71: {  	p0 =	sne.s32 s14, s7;
	[sflag:s12] =	ssyncset.done $0x0  }
.Ltmp3:
0x72: {  	[sflag:s12] =	ssyncadd.s32 $0xFFFFFFE0;
	(pc) =	sbr.rel @p0 .LBB2_1-.Ltmp3, $4  }
0x73: {  	[hbm4b:s6+s8] =	stream.strided.scatter [tilespmem:s13], [sflag:$0x3], $0x3800, s9, s8, $0x38;
	[tilespmem:$0x7000] =	vst v63  }
0x74: {  	_ =	swait.ge [sflag:s10], $0x3800  }
0x75: {  	[sflag:s10] =	ssyncset.done $0x0  }
0x76: {  	[sflag:s10] =	ssyncadd.s32 $0xFFFFC800  }
0x77: {  	_ =	sfence.sel $0x180000  }
0x78: {  	[bflag:$0x0] =	sbarrier.arrive $0xFFFF  }
0x79: {  	p0 =	sne.s32 s0, $0x0;
	_ =	strace $0x9000004A  }
0x7a: {  	s0 =	sadd.s32 @!p0 $0x100000, s1;
	[bflag:$0x2] =	sbarrier.arrive $0xFFFF  }
0x7b: {  	[sflag:s0] =	ssyncadd.tile.s32 @!p0 $0x1;
	_ =	shalt  }
.Lfunc_end2:
_tile_overlayer_lowered:
.L_overlay_start_2:
0x7c: {  	(tag) =	ssettag $0x2  }
0x7d: {  	s0 =	rddreg [dreg:$0x0];
	s2 =	stileid.u32  }
0x7e: {  	s1 =	rddreg [dreg:$0x1];
	p0 =	sne.s32 s2, $0x0  }
0x7f: {  	s3 =	rddreg [dreg:$0x2];
	[bflag:$0x3] =	sbarrier.arrive $0xFFFF;
	s2 =	simm.s32 @!p0 $0x1C03  }
0x80: {  	[timem:s3], [sflag:s2] =	dma.local @!p0 [hbm:s0], s1  }
0x81: {  	s0 =	simm.s32 @!p0 $0x3  }
0x82: {  	_ =	swait.ge @!p0 [sflag:s0], s1  }
0x83: {  	s1 =	ssub.s32 @!p0 $0x0, s1;
	[sflag:s0] =	ssyncset.done @!p0 $0x0  }
0x84: {  	[sflag:s0] =	ssyncadd.s32 @!p0 s1  }
0x85: {  	[bflag:$0x3] =	sbarrier.arrive $0xFFFF  }
0x86: {  	_ =	shalt  }

// kernel: kernel.16.cloned.1.call-start
scs
__scs_entry_jumppad:
0x0: {  	(pc) =	sbr.rel $0x88, $3  }
0x1: {  	(tag) =	ssettag $0x0;
	lr =	simm.s32 $0x1  }
0x2: {  	[smem:$0x3F98] =	sst lr;
	_ =	strace $0xD0000000  }
0x3: {  	_ = 	snop  }
0x4: {  	_ = 	snop  }
0x5: {  	_ = 	snop  }
0x6: {  	_ = 	snop  }
0x7: {  	_ = 	snop  }
__scs_overlays_trampoline_lowered:
0x8: {  	[smem:$0x3FA7] =	sst s0  }
0x9: {  	[smem:$0x3FA8] =	sst s1  }
0xa: {  	[smem:$0x3FA9] =	sst s2  }
0xb: {  	[smem:$0x3FAA] =	sst s3  }
0xc: {  	[smem:$0x3FAB] =	sst s4  }
0xd: {  	[smem:$0x3FAC] =	sst s5  }
0xe: {  	[smem:$0x3FAD] =	sst s6  }
0xf: {  	[smem:$0x3FAE] =	sst s7  }
0x10: {  	[smem:$0x3FAF] =	sst s8  }
0x11: {  	[smem:$0x3FB0] =	sst s9;
	s0 =	simm.s32 @!p0 $0x0  }
0x12: {  	s1 =	sld [smem:$0x3F96];
	s0 =	simm.s32 @p0 $0x1  }
0x13: {  	[smem:$0x3FB1] =	sst s0;
	s0 =	simm.s32 @!p1 $0x0  }
0x14: {  	s2 =	sld [smem:$0x3F95];
	s0 =	simm.s32 @p1 $0x1  }
0x15: {  	[smem:$0x3FB2] =	sst s0;
	s0 =	simm.s32 @!p2 $0x0  }
0x16: {  	s3 =	sld [smem:$0x3FDB];
	s0 =	simm.s32 @p2 $0x1  }
0x17: {  	s4 =	simm.s32 $0x1BF5;
	[smem:$0x3FB4] =	sst s0  }
0x18: {  	s0 =	sld [smem:$0x3F97];
	_ =	swait.ge [sflag:s4], $0x0  }
0x19: {  	s7 =	sld [smem:$0x3F98]  }
0x1a: {  	s8 =	sadd.s32 $0xFFFFE003, lr  }
0x1b: {  	s9 =	sadd.s32 $0xFFFFFEF7, lr;
	s5 =	simm.s32 $0xFFFFFFFF;
	p2 =	slt.u32 s8, $0xFFFFF086  }
0x1c: {  	p1 =	slt.u32 s9, $0xF7A;
	s5 =	simm.s32 @!p2 $0x0  }
0x1d: {  	s5 =	simm.s32 @p1 $0x1;
	p0 =	seq.s32 s7, s2  }
0x1e: {  	s7 =	smul.u32 @!p0 $0xF7A, s2;
	p2 =	seq.s32 @!p0 s5, $0x0  }
0x1f: {  	s9 =	smul.u32 $0xF7A, s1;
	s8 =	simm.s32 @!p0 $0x1BF5;
	p2 =	por !p2, p0  }
0x20: {  	[sflag:s8] =	ssyncset.s32 @!p0 $0xFFFFF086;
	s6 =	sadd.s32 @!p0 s3, s7;
	s7 =	simm.s32 @!p0 $0x108  }
0x21: {  	s3 =	sadd.s32 s3, s9;
	s6 =	sadd.s32 @!p0 $0x88, s6;
	s7 =	simm.s32 @p2 $0x1082  }
0x22: {  	[simem:s7], [sflag:s8] =	dma.local @!p0 [hbm:s6], $0xF7A  }
0x23: {  	s9 =	sor.u32 $0xD0000000, s2;
	s6 =	simm.s32 $0x108;
	_ =	swait.ge @!p0 [sflag:s8], $0x0  }
0x24: {  	s3 =	sadd.s32 $0x88, s3;
	s6 =	simm.s32 @!p1 $0x1082;
	[sflag:s4] =	ssyncset.s32 $0xFFFFF086  }
0x25: {  	[simem:s6], [sflag:s4] =	dma.local [hbm:s3], $0xF7A  }
0x26: {  	[smem:$0x3F98] =	sst s1;
	(tag) =	ssettag s2;
	_ =	strace s9  }
0x27: {  	s1 =	sld [smem:$0x3FA8]  }
0x28: {  	s2 =	sld [smem:$0x3FA9]  }
0x29: {  	s4 =	sld [smem:$0x3FAB]  }
0x2a: {  	p0 =	seq.s32 s5, $0x0;
	s5 =	sld [smem:$0x3FAC]  }
0x2b: {  	s6 =	sld [smem:$0x3FAD]  }
0x2c: {  	s7 =	sld [smem:$0x3FAE]  }
0x2d: {  	s3 =	simm.s32 $0x108;
	s8 =	sld [smem:$0x3FAF]  }
0x2e: {  	s3 =	simm.s32 @!p0 $0x1082;
	s9 =	sld [smem:$0x3FB0]  }
0x2f: {  	lr =	sadd.s32 s0, s3;
	s0 =	sld [smem:$0x3FA7]  }
0x30: {  	s3 =	sld [smem:$0x3FAA]  }
0x31: {  	[smem:$0x3FB3] =	sst s10  }
0x32: {  	s10 =	sld [smem:$0x3FB1];
	_ =	sdelay $0x3  }
0x33: {  	p0 =	seq.s32 s10, $0x1;
	s10 =	sld [smem:$0x3FB3];
	_ =	sdelay $0x3  }
0x34: {  	[smem:$0x3FB3] =	sst s10  }
0x35: {  	s10 =	sld [smem:$0x3FB2];
	_ =	sdelay $0x3  }
0x36: {  	p1 =	seq.s32 s10, $0x1;
	s10 =	sld [smem:$0x3FB3];
	_ =	sdelay $0x3  }
0x37: {  	[smem:$0x3FB3] =	sst s10  }
0x38: {  	s10 =	sld [smem:$0x3FB4]  }
0x39: {  	_ = 	snop;
	(pc) =	sbr.ind lr, $3  }
0x3a: {  	_ = 	snop  }
0x3b: {  	_ = 	snop  }
0x3c: {  	p2 =	seq.s32 s10, $0x1;
	s10 =	sld [smem:$0x3FB3]  }
0x3d: {  	_ =	shalt  }
0x3e: {  	_ =	shalt  }
0x3f: {  	_ =	shalt  }
0x40: {  	_ =	shalt  }
0x41: {  	_ =	shalt  }
0x42: {  	_ =	shalt  }
0x43: {  	_ =	shalt  }
0x44: {  	_ =	shalt  }
0x45: {  	_ =	shalt  }
0x46: {  	_ =	shalt  }
0x47: {  	_ =	shalt  }
0x48: {  	_ =	shalt  }
0x49: {  	_ =	shalt  }
0x4a: {  	_ =	shalt  }
0x4b: {  	_ =	shalt  }
0x4c: {  	_ =	shalt  }
0x4d: {  	_ =	shalt  }
0x4e: {  	_ =	shalt  }
0x4f: {  	_ =	shalt  }
0x50: {  	_ =	shalt  }
0x51: {  	_ =	shalt  }
0x52: {  	_ =	shalt  }
0x53: {  	_ =	shalt  }
0x54: {  	_ =	shalt  }
0x55: {  	_ =	shalt  }
0x56: {  	_ =	shalt  }
0x57: {  	_ =	shalt  }
0x58: {  	_ =	shalt  }
0x59: {  	_ =	shalt  }
0x5a: {  	_ =	shalt  }
0x5b: {  	_ =	shalt  }
0x5c: {  	_ =	shalt  }
0x5d: {  	_ =	shalt  }
0x5e: {  	_ =	shalt  }
0x5f: {  	_ =	shalt  }
0x60: {  	_ =	shalt  }
0x61: {  	_ =	shalt  }
0x62: {  	_ =	shalt  }
0x63: {  	_ =	shalt  }
0x64: {  	_ =	shalt  }
0x65: {  	_ =	shalt  }
0x66: {  	_ =	shalt  }
0x67: {  	_ =	shalt  }
0x68: {  	_ =	shalt  }
0x69: {  	_ =	shalt  }
0x6a: {  	_ =	shalt  }
0x6b: {  	_ =	shalt  }
0x6c: {  	_ =	shalt  }
0x6d: {  	_ =	shalt  }
0x6e: {  	_ =	shalt  }
0x6f: {  	_ =	shalt  }
0x70: {  	_ =	shalt  }
0x71: {  	_ =	shalt  }
0x72: {  	_ =	shalt  }
0x73: {  	_ =	shalt  }
0x74: {  	_ =	shalt  }
0x75: {  	_ =	shalt  }
0x76: {  	_ =	shalt  }
0x77: {  	_ =	shalt  }
0x78: {  	_ =	shalt  }
0x79: {  	_ =	shalt  }
0x7a: {  	_ =	shalt  }
0x7b: {  	_ =	shalt  }
0x7c: {  	_ =	shalt  }
0x7d: {  	_ =	shalt  }
0x7e: {  	_ =	shalt  }
0x7f: {  	_ =	shalt  }
0x80: {  	_ =	shalt  }
0x81: {  	_ =	shalt  }
0x82: {  	_ =	shalt  }
0x83: {  	_ =	shalt  }
0x84: {  	_ =	shalt  }
0x85: {  	_ =	shalt  }
0x86: {  	_ =	shalt  }
0x87: {  	_ =	shalt  }
.Lfunc_end0:
.L_simem_size_0:
called_computation.2_lowered:
.L_overlay_start_0:
0x88: {  	s2 =	sld [smem:$0x3FD9]  }
0x89: {  	s3 =	sld [smem:$0x3FFE];
	_ =	sdelay $0x1  }
0x8a: {  	s1 =	srdreg.scid  }
0x8b: {  	s0 =	sand.u32 $0x1, s1  }
0x8c: {  	s17 =	sshll.u32 s0, $0xA;
	s2 =	sadd.s32 s3, s2  }
0x8d: {  	s2 =	sadd.s32 s2, s17  }
0x8e: {  	[smem:$0x3FBF] =	sst s2  }
0x8f: {  	_ = 	snop  }
0x90: {  	(tm) =	ssettm $0x1  }
0x91: {  	s18 =	sld [smem:$0x3FFB];
	_ =	sdelay $0x3  }
0x92: {  	_ =	strace s18  }
0x93: {  	s2 =	sld [smem:$0x3FFC];
	_ =	sdelay $0x3  }
0x94: {  	_ =	strace s2  }
0x95: {  	s2 =	sld [smem:$0x3FFD];
	_ =	sdelay $0x3  }
0x96: {  	_ =	strace s2  }
0x97: {  	_ =	strace $0x8FFFFFFF  }
0x98: {  	s19 =	sld [smem:$0x3FDB];
	_ =	sdelay $0x1  }
0x99: {  	s20 =	simm.s32 $_scs_section_size  }
0x9a: {  	s4 =	simm.s32 $_size__tile_overlayer_lowered;
	s5 =	simm.s32 $_tile_overlayer_lowered  }
0x9b: {  	s6 =	simm.s32 $0x1BFF;
	s21 =	sshll.u32 s5, $0x1;
	s3 =	sadd.s32 s20, s19  }
0x9c: {  	s22 =	simm.s32 $0x0;
	s4 =	sshll.u32 s4, $0x1;
	s5 =	sadd.s32 s21, s3  }
0x9d: {  	[timem:s22], [sflag:s6] =	dma.local [hbm:s5], s4  }
0x9e: {  	_ =	swait.ge [sflag:s6], s4  }
0x9f: {  	s4 =	ssub.s32 $0x0, s4;
	[sflag:s6] =	ssyncset.done $0x0  }
0xa0: {  	[sflag:s6] =	ssyncadd.s32 s4;
	_ =	sdelay $0x1  }
0xa1: {  	s23 =	simm.s32 $0x1B8B  }
0xa2: {  	_ =	swait.ge [sflag:s23], $0x1  }
0xa3: {  	[sflag:s23] =	ssyncset.done $0x0  }
0xa4: {  	[sflag:s23] =	ssyncadd.s32 $0xFFFFFFFF  }
0xa5: {  	s4 =	sld [smem:$0x0]  }
0xa6: {  	s5 =	sand.u32 $0xFFFFFFFE, s1  }
0xa7: {  	p0 =	sne.s32 s1, s5  }
0xa8: {  	s5 =	sshll.u32 @p0 s5, $0xE  }
0xa9: {  	s5 =	sadd.s32 @p0 $0x11B8D, s5;
	s6 =	sshll.u32 @p0 s4, $0x11  }
0xaa: {  	s5 =	sor.u32 @p0 s6, s5  }
0xab: {  	[sflag:s5] =	ssyncadd.remote.s32 @p0 $0x1;
	_ =	sdelay $0x1  }
0xac: {  	s5 =	simm.s32 @p0 $0x1B8D  }
0xad: {  	_ =	swait.eq @p0 [sflag:s5], $0x1  }
0xae: {  	[sflag:s5] =	ssyncadd.s32 @p0 $0xFFFFFFFF  }
0xaf: {  	s6 =	sshll.u32 @!p0 s1, $0xE  }
0xb0: {  	s6 =	sor.u32 @!p0 $0x4000, s6;
	s5 =	simm.s32 @!p0 $0x1B8D  }
0xb1: {  	s4 =	sshll.u32 @!p0 s4, $0x11;
	s6 =	sadd.s32 @!p0 $0x11B8D, s6;
	_ =	swait.eq @!p0 [sflag:s5], $0x1  }
0xb2: {  	s4 =	sor.u32 @!p0 s4, s6;
	[sflag:s5] =	ssyncadd.s32 @!p0 $0xFFFFFFFF  }
0xb3: {  	s25 =	simm.s32 $0x1B8E;
	s24 =	sld [smem:$0x3FFE];
	[sflag:s4] =	ssyncadd.remote.s32 @!p0 $0x1  }
0xb4: {  	s26 =	simm.s32 $execute0_lowered;
	[smem:$0x3FD2] =	sst s25  }
0xb5: {  	s5 =	sshll.u32 s26, $0x1;
	_ =	strace $0x8000004C;
	[dreg:$0x1] =	wrdreg $0xFFFFFFFF  }
0xb6: {  	s28 =	simm.s32 $_size_execute0_lowered;
	s3 =	sadd.s32 s3, s5;
	[dreg:$0x0] =	wrdreg $0x0  }
0xb7: {  	s5 =	sshll.u32 s28, $0x1;
	[dreg:$0x2] =	wrdreg s3  }
0xb8: {  	[dreg:$0x3] =	wrdreg s5  }
0xb9: {  	[dreg:$0x4] =	wrdreg $0xC0  }
0xba: {  	_ =	task [dreg:s22], $0x5FFFF  }
0xbb: {  	[dreg:$0x1] =	wrdreg $0xFFFFFFFF  }
0xbc: {  	[dreg:$0x0] =	wrdreg $0x60  }
0xbd: {  	[dreg:$0x2] =	wrdreg s24  }
0xbe: {  	[dreg:$0x3] =	wrdreg $0xB  }
0xbf: {  	_ =	task.clear_ibuf [dreg:s22], $0x4FFFF;
	_ =	strace $0x9000004C  }
0xc0: {  	s29 =	simm.s32 $0xB;
	_ =	strace $0x8000004E  }
0xc1: {  	_ =	swait.ge [sflag:s29], $0x1  }
0xc2: {  	[sflag:s29] =	ssyncadd.s32 $0xFFFFFFFF  }
0xc3: {  	_ =	strace $0x9000004E  }
0xc4: {  	_ =	sfence  }
0xc5: {  	s30 =	sld [smem:$0x0];
	_ =	sdelay $0x2  }
0xc6: {  	s31 =	sshll.u32 s1, $0xD;
	s1 =	sshrl.u32 s1, $0x2  }
0xc7: {  	s4 =	sand.u32 $0x4000, s31;
	s1 =	sadd.s32 s1, s30  }
0xc8: {  	s0 =	sor.u32 s4, s0;
	s1 =	sshll.u32 s1, $0x11  }
0xc9: {  	s0 =	sor.u32 s1, s0  }
0xca: {  	s0 =	sadd.s32 $0x8F2B, s0  }
0xcb: {  	[sflag:s0] =	ssyncadd.remote.s32 $0x1  }
0xcc: {  	_ =	sfence.sel $0xFFFF  }
0xcd: {  	[dreg:$0x0] =	wrdreg $0xFFFFFFFF;
	(pc) =	sbr.abs _section_cstart, $3  }
0xce: {  	[dreg:$0x1] =	wrdreg $0xFFFFFFFF  }
0xcf: {  	_ =	task.clear_ibuf [dreg:s22], $0x2FFFF;
	_ =	strace $0x9FFFFFFF  }
0xd0: {  	(tm) =	ssettm $0x7FFFFFFF  }
0xd1: {  	_ =	shalt  }
tec
execute0_lowered:
.L_overlay_start_1:
0x0: {  	(tag) =	ssettag $0x1  }
0x1: {  	s0 =	stileid.u32;
	s1 =	srdreg.scid  }
0x2: {  	s4 =	rddreg [dreg:$0x0];
	s9 =	simm.s32 $0x80;
	s10 =	simm.s32 $0x3  }
0x3: {  	s11 =	simm.s32 $0x1;
	s12 =	simm.s32 $0x2;
	s2 =	sshll.u32 s0, $0x1  }
0x4: {  	s3 =	sand.u32 $0x1, s1;
	s29 =	sshrl.u32 s0, $0x1;
	s2 =	sand.u32 $0x2, s2  }
0x5: {  	s13 =	simm.s32 $0x3800;
	s6 =	smul.u32 $0xE000, s29;
	s5 =	sor.u32 s3, s2  }
0x6: {  	s14 =	simm.s32 $0x0;
	s1 =	rddreg [dreg:$0x1];
	s5 =	sshll.u32 s5, $0x5  }
0x7: {  	s30 =	ssub.s32 $0x2, s3;
	s2 =	simm.s32 $0x0;
	s5 =	sor.u32 s6, s5  }
0x8: {  	s3 =	sadd.s32 $0x3A800, s4;
	[smem:$0x7FF] =	sst s2;
	s5 =	sshrl.u32 s5, $0x3  }
0x9: {  	s31 =	sshrl.u32 s30, $0x1;
	_ =	strace $0x8000004D;
	s7 =	sadd.s32 s5, s4  }
0xa: {  	s8 =	ssub.s32 s30, s31;
	s4 =	sadd.s32 $0x222E00, s4;
	s5 =	sadd.s32 $0x1E800, s7  }
0xb: {  	s6 =	sadd.s32 $0x333200, s7;
	s7 =	smax.u32 s8, $0x1;
	s8 =	simm.s32 $0x20  }
.LBB2_1:
0xc: {  	[tilespmem:s2], [sflag:$0x3] =	stream.strided.gather [hbm4b:s5+s8], $0x3800, s9, s8, $0x38;
	[tilespmem:$0x7000] =	vst v63  }
0xd: {  	_ =	swait.ge [sflag:s10], $0x3800  }
0xe: {  	[sflag:s10] =	ssyncset.done $0x0  }
0xf: {  	s15 =	simm.s32 $0x0;
	[sflag:s10] =	ssyncadd.s32 $0xFFFFC800  }
.LBB2_2:
0x10: {  	p0 =	sne.s32 s15, $0xCF80  }
.Ltmp0:
0x11: {  	_ = 	snop;
	(pc) =	sbr.rel @p0 .LBB2_2-.Ltmp0, $4  }
0x12: {  	_ = 	snop  }
0x13: {  	s16 =	sshra.s32 s15, $0x2  }
0x14: {  	s15 =	sadd.s32 $0x80, s15;
	s17 =	sadd.s32 $0x3800, s16  }
0x15: {  	[tilespmem:s17], [sflag:$0x1] =	stream.indirect.gather [hbm4b:s3+s8], $0x1, s16, s8, $0xb8;
	[tilespmem:$0x7000] =	vst v63  }
0x16: {  	s15 =	simm.s32 $0x0  }
.LBB2_4:
0x17: {  	p0 =	sne.s32 s15, $0xC80  }
.Ltmp1:
0x18: {  	_ = 	snop;
	(pc) =	sbr.rel @p0 .LBB2_4-.Ltmp1, $4  }
0x19: {  	_ = 	snop  }
0x1a: {  	s16 =	sshra.s32 s15, $0x2  }
0x1b: {  	s15 =	sadd.s32 $0x80, s15;
	s17 =	sadd.s32 $0x6C00, s16;
	s16 =	sadd.s32 $0x3400, s16  }
0x1c: {  	[tilespmem:s17], [sflag:$0x2] =	stream.indirect.gather [hbm4b:s4+s8], $0x1, s16, s8, $0xb8;
	[tilespmem:$0x7000] =	vst v63  }
0x1d: {  	_ =	swait.ge [sflag:s11], $0x20  }
0x1e: {  	s15 =	simm.s32 $0x19F;
	[sflag:s11] =	ssyncset.done $0x0  }
.LBB2_6:
0x1f: {  	p0 =	sne.s32 s15, $0x1;
	s15 =	sadd.s32 $0xFFFFFFFF, s15;
	[sflag:s11] =	ssyncadd.s32 $0xFFFFFFE0  }
.Ltmp2:
0x20: {  	(pc) =	sbr.rel @p0 .LBB2_6-.Ltmp2, $3  }
0x21: {  	_ =	sdelay $0x1  }
0x22: {  	_ =	swait.ge [sflag:s11], $0x20  }
0x23: {  	[sflag:s11] =	ssyncset.done $0x0  }
0x24: {  	[sflag:s11] =	ssyncadd.s32 $0xFFFFFFE0  }
0x25: {  	_ =	swait.ge [sflag:s12], $0x20  }
0x26: {  	[sflag:s12] =	ssyncset.done $0x0  }
0x27: {  	[sflag:s12] =	ssyncadd.s32 $0xFFFFFFE0  }
0x28: {  	_ =	swait.ge [sflag:s12], $0x20  }
0x29: {  	[sflag:s12] =	ssyncset.done $0x0  }
0x2a: {  	[sflag:s12] =	ssyncadd.s32 $0xFFFFFFE0  }
0x2b: {  	_ =	swait.ge [sflag:s12], $0x20  }
0x2c: {  	[sflag:s12] =	ssyncset.done $0x0  }
0x2d: {  	[sflag:s12] =	ssyncadd.s32 $0xFFFFFFE0  }
0x2e: {  	_ =	swait.ge [sflag:s12], $0x20  }
0x2f: {  	[sflag:s12] =	ssyncset.done $0x0  }
0x30: {  	[sflag:s12] =	ssyncadd.s32 $0xFFFFFFE0  }
0x31: {  	_ =	swait.ge [sflag:s12], $0x20  }
0x32: {  	[sflag:s12] =	ssyncset.done $0x0  }
0x33: {  	[sflag:s12] =	ssyncadd.s32 $0xFFFFFFE0  }
0x34: {  	_ =	swait.ge [sflag:s12], $0x20  }
0x35: {  	[sflag:s12] =	ssyncset.done $0x0  }
0x36: {  	[sflag:s12] =	ssyncadd.s32 $0xFFFFFFE0  }
0x37: {  	_ =	swait.ge [sflag:s12], $0x20  }
0x38: {  	[sflag:s12] =	ssyncset.done $0x0  }
0x39: {  	[sflag:s12] =	ssyncadd.s32 $0xFFFFFFE0  }
0x3a: {  	_ =	swait.ge [sflag:s12], $0x20  }
0x3b: {  	[sflag:s12] =	ssyncset.done $0x0  }
0x3c: {  	[sflag:s12] =	ssyncadd.s32 $0xFFFFFFE0  }
0x3d: {  	_ =	swait.ge [sflag:s12], $0x20  }
0x3e: {  	[sflag:s12] =	ssyncset.done $0x0  }
0x3f: {  	[sflag:s12] =	ssyncadd.s32 $0xFFFFFFE0  }
0x40: {  	_ =	swait.ge [sflag:s12], $0x20  }
0x41: {  	[sflag:s12] =	ssyncset.done $0x0  }
0x42: {  	[sflag:s12] =	ssyncadd.s32 $0xFFFFFFE0  }
0x43: {  	_ =	swait.ge [sflag:s12], $0x20  }
0x44: {  	[sflag:s12] =	ssyncset.done $0x0  }
0x45: {  	[sflag:s12] =	ssyncadd.s32 $0xFFFFFFE0  }
0x46: {  	_ =	swait.ge [sflag:s12], $0x20  }
0x47: {  	[sflag:s12] =	ssyncset.done $0x0  }
0x48: {  	[sflag:s12] =	ssyncadd.s32 $0xFFFFFFE0  }
0x49: {  	_ =	swait.ge [sflag:s12], $0x20  }
0x4a: {  	[sflag:s12] =	ssyncset.done $0x0  }
0x4b: {  	[sflag:s12] =	ssyncadd.s32 $0xFFFFFFE0  }
0x4c: {  	_ =	swait.ge [sflag:s12], $0x20  }
0x4d: {  	[sflag:s12] =	ssyncset.done $0x0  }
0x4e: {  	[sflag:s12] =	ssyncadd.s32 $0xFFFFFFE0  }
0x4f: {  	_ =	swait.ge [sflag:s12], $0x20  }
0x50: {  	[sflag:s12] =	ssyncset.done $0x0  }
0x51: {  	[sflag:s12] =	ssyncadd.s32 $0xFFFFFFE0  }
0x52: {  	_ =	swait.ge [sflag:s12], $0x20  }
0x53: {  	[sflag:s12] =	ssyncset.done $0x0  }
0x54: {  	[sflag:s12] =	ssyncadd.s32 $0xFFFFFFE0  }
0x55: {  	_ =	swait.ge [sflag:s12], $0x20  }
0x56: {  	[sflag:s12] =	ssyncset.done $0x0  }
0x57: {  	[sflag:s12] =	ssyncadd.s32 $0xFFFFFFE0  }
0x58: {  	_ =	swait.ge [sflag:s12], $0x20  }
0x59: {  	[sflag:s12] =	ssyncset.done $0x0  }
0x5a: {  	[sflag:s12] =	ssyncadd.s32 $0xFFFFFFE0  }
0x5b: {  	_ =	swait.ge [sflag:s12], $0x20  }
0x5c: {  	[sflag:s12] =	ssyncset.done $0x0  }
0x5d: {  	[sflag:s12] =	ssyncadd.s32 $0xFFFFFFE0  }
0x5e: {  	_ =	swait.ge [sflag:s12], $0x20  }
0x5f: {  	[sflag:s12] =	ssyncset.done $0x0  }
0x60: {  	[sflag:s12] =	ssyncadd.s32 $0xFFFFFFE0  }
0x61: {  	_ =	swait.ge [sflag:s12], $0x20  }
0x62: {  	[sflag:s12] =	ssyncset.done $0x0  }
0x63: {  	[sflag:s12] =	ssyncadd.s32 $0xFFFFFFE0  }
0x64: {  	_ =	swait.ge [sflag:s12], $0x20  }
0x65: {  	[sflag:s12] =	ssyncset.done $0x0  }
0x66: {  	[sflag:s12] =	ssyncadd.s32 $0xFFFFFFE0  }
0x67: {  	_ =	swait.ge [sflag:s12], $0x20  }
0x68: {  	[sflag:s12] =	ssyncset.done $0x0  }
0x69: {  	[sflag:s12] =	ssyncadd.s32 $0xFFFFFFE0  }
0x6a: {  	_ =	swait.ge [sflag:s12], $0x20  }
0x6b: {  	[sflag:s12] =	ssyncset.done $0x0  }
0x6c: {  	[sflag:s12] =	ssyncadd.s32 $0xFFFFFFE0  }
0x6d: {  	_ =	swait.ge [sflag:s12], $0x20  }
0x6e: {  	[sflag:s12] =	ssyncset.done $0x0  }
0x6f: {  	[sflag:s12] =	ssyncadd.s32 $0xFFFFFFE0  }
0x70: {  	s14 =	sadd.s32 $0x1, s14;
	_ =	swait.ge [sflag:s12], $0x20  }
0x71: {  	p0 =	sne.s32 s14, s7;
	[sflag:s12] =	ssyncset.done $0x0  }
.Ltmp3:
0x72: {  	[sflag:s12] =	ssyncadd.s32 $0xFFFFFFE0;
	(pc) =	sbr.rel @p0 .LBB2_1-.Ltmp3, $4  }
0x73: {  	[hbm4b:s6+s8] =	stream.strided.scatter [tilespmem:s13], [sflag:$0x3], $0x3800, s9, s8, $0x38;
	[tilespmem:$0x7000] =	vst v63  }
0x74: {  	_ =	swait.ge [sflag:s10], $0x3800  }
0x75: {  	[sflag:s10] =	ssyncset.done $0x0  }
0x76: {  	[sflag:s10] =	ssyncadd.s32 $0xFFFFC800  }
0x77: {  	_ =	sfence.sel $0x180000  }
0x78: {  	[bflag:$0x0] =	sbarrier.arrive $0xFFFF  }
0x79: {  	p0 =	sne.s32 s0, $0x0;
	_ =	strace $0x9000004D  }
0x7a: {  	s0 =	sadd.s32 @!p0 $0x100000, s1;
	[bflag:$0x2] =	sbarrier.arrive $0xFFFF  }
0x7b: {  	[sflag:s0] =	ssyncadd.tile.s32 @!p0 $0x1;
	_ =	shalt  }
.Lfunc_end2:
_tile_overlayer_lowered:
.L_overlay_start_2:
0x7c: {  	(tag) =	ssettag $0x2  }
0x7d: {  	s0 =	rddreg [dreg:$0x0];
	s2 =	stileid.u32  }
0x7e: {  	s1 =	rddreg [dreg:$0x1];
	p0 =	sne.s32 s2, $0x0  }
0x7f: {  	s3 =	rddreg [dreg:$0x2];
	[bflag:$0x3] =	sbarrier.arrive $0xFFFF;
	s2 =	simm.s32 @!p0 $0x1C03  }
0x80: {  	[timem:s3], [sflag:s2] =	dma.local @!p0 [hbm:s0], s1  }
0x81: {  	s0 =	simm.s32 @!p0 $0x3  }
0x82: {  	_ =	swait.ge @!p0 [sflag:s0], s1  }
0x83: {  	s1 =	ssub.s32 @!p0 $0x0, s1;
	[sflag:s0] =	ssyncset.done @!p0 $0x0  }
0x84: {  	[sflag:s0] =	ssyncadd.s32 @!p0 s1  }
0x85: {  	[bflag:$0x3] =	sbarrier.arrive $0xFFFF  }
0x86: {  	_ =	shalt  }

// kernel: kernel.19.cloned.1.call-start
scs
__scs_entry_jumppad:
0x0: {  	(pc) =	sbr.rel $0x88, $3  }
0x1: {  	(tag) =	ssettag $0x0;
	lr =	simm.s32 $0x1  }
0x2: {  	[smem:$0x3F98] =	sst lr;
	_ =	strace $0xD0000000  }
0x3: {  	_ = 	snop  }
0x4: {  	_ = 	snop  }
0x5: {  	_ = 	snop  }
0x6: {  	_ = 	snop  }
0x7: {  	_ = 	snop  }
__scs_overlays_trampoline_lowered:
0x8: {  	[smem:$0x3FA7] =	sst s0  }
0x9: {  	[smem:$0x3FA8] =	sst s1  }
0xa: {  	[smem:$0x3FA9] =	sst s2  }
0xb: {  	[smem:$0x3FAA] =	sst s3  }
0xc: {  	[smem:$0x3FAB] =	sst s4  }
0xd: {  	[smem:$0x3FAC] =	sst s5  }
0xe: {  	[smem:$0x3FAD] =	sst s6  }
0xf: {  	[smem:$0x3FAE] =	sst s7  }
0x10: {  	[smem:$0x3FAF] =	sst s8  }
0x11: {  	[smem:$0x3FB0] =	sst s9;
	s0 =	simm.s32 @!p0 $0x0  }
0x12: {  	s1 =	sld [smem:$0x3F96];
	s0 =	simm.s32 @p0 $0x1  }
0x13: {  	[smem:$0x3FB1] =	sst s0;
	s0 =	simm.s32 @!p1 $0x0  }
0x14: {  	s2 =	sld [smem:$0x3F95];
	s0 =	simm.s32 @p1 $0x1  }
0x15: {  	[smem:$0x3FB2] =	sst s0;
	s0 =	simm.s32 @!p2 $0x0  }
0x16: {  	s3 =	sld [smem:$0x3FDB];
	s0 =	simm.s32 @p2 $0x1  }
0x17: {  	s4 =	simm.s32 $0x1BF5;
	[smem:$0x3FB4] =	sst s0  }
0x18: {  	s0 =	sld [smem:$0x3F97];
	_ =	swait.ge [sflag:s4], $0x0  }
0x19: {  	s7 =	sld [smem:$0x3F98]  }
0x1a: {  	s8 =	sadd.s32 $0xFFFFE003, lr  }
0x1b: {  	s9 =	sadd.s32 $0xFFFFFEF7, lr;
	s5 =	simm.s32 $0xFFFFFFFF;
	p2 =	slt.u32 s8, $0xFFFFF086  }
0x1c: {  	p1 =	slt.u32 s9, $0xF7A;
	s5 =	simm.s32 @!p2 $0x0  }
0x1d: {  	s5 =	simm.s32 @p1 $0x1;
	p0 =	seq.s32 s7, s2  }
0x1e: {  	s7 =	smul.u32 @!p0 $0xF7A, s2;
	p2 =	seq.s32 @!p0 s5, $0x0  }
0x1f: {  	s9 =	smul.u32 $0xF7A, s1;
	s8 =	simm.s32 @!p0 $0x1BF5;
	p2 =	por !p2, p0  }
0x20: {  	[sflag:s8] =	ssyncset.s32 @!p0 $0xFFFFF086;
	s6 =	sadd.s32 @!p0 s3, s7;
	s7 =	simm.s32 @!p0 $0x108  }
0x21: {  	s3 =	sadd.s32 s3, s9;
	s6 =	sadd.s32 @!p0 $0x88, s6;
	s7 =	simm.s32 @p2 $0x1082  }
0x22: {  	[simem:s7], [sflag:s8] =	dma.local @!p0 [hbm:s6], $0xF7A  }
0x23: {  	s9 =	sor.u32 $0xD0000000, s2;
	s6 =	simm.s32 $0x108;
	_ =	swait.ge @!p0 [sflag:s8], $0x0  }
0x24: {  	s3 =	sadd.s32 $0x88, s3;
	s6 =	simm.s32 @!p1 $0x1082;
	[sflag:s4] =	ssyncset.s32 $0xFFFFF086  }
0x25: {  	[simem:s6], [sflag:s4] =	dma.local [hbm:s3], $0xF7A  }
0x26: {  	[smem:$0x3F98] =	sst s1;
	(tag) =	ssettag s2;
	_ =	strace s9  }
0x27: {  	s1 =	sld [smem:$0x3FA8]  }
0x28: {  	s2 =	sld [smem:$0x3FA9]  }
0x29: {  	s4 =	sld [smem:$0x3FAB]  }
0x2a: {  	p0 =	seq.s32 s5, $0x0;
	s5 =	sld [smem:$0x3FAC]  }
0x2b: {  	s6 =	sld [smem:$0x3FAD]  }
0x2c: {  	s7 =	sld [smem:$0x3FAE]  }
0x2d: {  	s3 =	simm.s32 $0x108;
	s8 =	sld [smem:$0x3FAF]  }
0x2e: {  	s3 =	simm.s32 @!p0 $0x1082;
	s9 =	sld [smem:$0x3FB0]  }
0x2f: {  	lr =	sadd.s32 s0, s3;
	s0 =	sld [smem:$0x3FA7]  }
0x30: {  	s3 =	sld [smem:$0x3FAA]  }
0x31: {  	[smem:$0x3FB3] =	sst s10  }
0x32: {  	s10 =	sld [smem:$0x3FB1];
	_ =	sdelay $0x3  }
0x33: {  	p0 =	seq.s32 s10, $0x1;
	s10 =	sld [smem:$0x3FB3];
	_ =	sdelay $0x3  }
0x34: {  	[smem:$0x3FB3] =	sst s10  }
0x35: {  	s10 =	sld [smem:$0x3FB2];
	_ =	sdelay $0x3  }
0x36: {  	p1 =	seq.s32 s10, $0x1;
	s10 =	sld [smem:$0x3FB3];
	_ =	sdelay $0x3  }
0x37: {  	[smem:$0x3FB3] =	sst s10  }
0x38: {  	s10 =	sld [smem:$0x3FB4]  }
0x39: {  	_ = 	snop;
	(pc) =	sbr.ind lr, $3  }
0x3a: {  	_ = 	snop  }
0x3b: {  	_ = 	snop  }
0x3c: {  	p2 =	seq.s32 s10, $0x1;
	s10 =	sld [smem:$0x3FB3]  }
0x3d: {  	_ =	shalt  }
0x3e: {  	_ =	shalt  }
0x3f: {  	_ =	shalt  }
0x40: {  	_ =	shalt  }
0x41: {  	_ =	shalt  }
0x42: {  	_ =	shalt  }
0x43: {  	_ =	shalt  }
0x44: {  	_ =	shalt  }
0x45: {  	_ =	shalt  }
0x46: {  	_ =	shalt  }
0x47: {  	_ =	shalt  }
0x48: {  	_ =	shalt  }
0x49: {  	_ =	shalt  }
0x4a: {  	_ =	shalt  }
0x4b: {  	_ =	shalt  }
0x4c: {  	_ =	shalt  }
0x4d: {  	_ =	shalt  }
0x4e: {  	_ =	shalt  }
0x4f: {  	_ =	shalt  }
0x50: {  	_ =	shalt  }
0x51: {  	_ =	shalt  }
0x52: {  	_ =	shalt  }
0x53: {  	_ =	shalt  }
0x54: {  	_ =	shalt  }
0x55: {  	_ =	shalt  }
0x56: {  	_ =	shalt  }
0x57: {  	_ =	shalt  }
0x58: {  	_ =	shalt  }
0x59: {  	_ =	shalt  }
0x5a: {  	_ =	shalt  }
0x5b: {  	_ =	shalt  }
0x5c: {  	_ =	shalt  }
0x5d: {  	_ =	shalt  }
0x5e: {  	_ =	shalt  }
0x5f: {  	_ =	shalt  }
0x60: {  	_ =	shalt  }
0x61: {  	_ =	shalt  }
0x62: {  	_ =	shalt  }
0x63: {  	_ =	shalt  }
0x64: {  	_ =	shalt  }
0x65: {  	_ =	shalt  }
0x66: {  	_ =	shalt  }
0x67: {  	_ =	shalt  }
0x68: {  	_ =	shalt  }
0x69: {  	_ =	shalt  }
0x6a: {  	_ =	shalt  }
0x6b: {  	_ =	shalt  }
0x6c: {  	_ =	shalt  }
0x6d: {  	_ =	shalt  }
0x6e: {  	_ =	shalt  }
0x6f: {  	_ =	shalt  }
0x70: {  	_ =	shalt  }
0x71: {  	_ =	shalt  }
0x72: {  	_ =	shalt  }
0x73: {  	_ =	shalt  }
0x74: {  	_ =	shalt  }
0x75: {  	_ =	shalt  }
0x76: {  	_ =	shalt  }
0x77: {  	_ =	shalt  }
0x78: {  	_ =	shalt  }
0x79: {  	_ =	shalt  }
0x7a: {  	_ =	shalt  }
0x7b: {  	_ =	shalt  }
0x7c: {  	_ =	shalt  }
0x7d: {  	_ =	shalt  }
0x7e: {  	_ =	shalt  }
0x7f: {  	_ =	shalt  }
0x80: {  	_ =	shalt  }
0x81: {  	_ =	shalt  }
0x82: {  	_ =	shalt  }
0x83: {  	_ =	shalt  }
0x84: {  	_ =	shalt  }
0x85: {  	_ =	shalt  }
0x86: {  	_ =	shalt  }
0x87: {  	_ =	shalt  }
.Lfunc_end0:
.L_simem_size_0:
called_computation.3_lowered:
.L_overlay_start_0:
0x88: {  	s2 =	sld [smem:$0x3FD9]  }
0x89: {  	s3 =	sld [smem:$0x3FFE];
	_ =	sdelay $0x1  }
0x8a: {  	s1 =	srdreg.scid  }
0x8b: {  	s0 =	sand.u32 $0x1, s1  }
0x8c: {  	s17 =	sshll.u32 s0, $0xA;
	s2 =	sadd.s32 s3, s2  }
0x8d: {  	s2 =	sadd.s32 s2, s17  }
0x8e: {  	[smem:$0x3FBF] =	sst s2  }
0x8f: {  	_ = 	snop  }
0x90: {  	(tm) =	ssettm $0x1  }
0x91: {  	s18 =	sld [smem:$0x3FFB];
	_ =	sdelay $0x3  }
0x92: {  	_ =	strace s18  }
0x93: {  	s2 =	sld [smem:$0x3FFC];
	_ =	sdelay $0x3  }
0x94: {  	_ =	strace s2  }
0x95: {  	s2 =	sld [smem:$0x3FFD];
	_ =	sdelay $0x3  }
0x96: {  	_ =	strace s2  }
0x97: {  	_ =	strace $0x8FFFFFFF  }
0x98: {  	s19 =	sld [smem:$0x3FDB];
	_ =	sdelay $0x1  }
0x99: {  	s20 =	simm.s32 $_scs_section_size  }
0x9a: {  	s4 =	simm.s32 $_size__tile_overlayer_lowered;
	s5 =	simm.s32 $_tile_overlayer_lowered  }
0x9b: {  	s6 =	simm.s32 $0x1BFF;
	s21 =	sshll.u32 s5, $0x1;
	s3 =	sadd.s32 s20, s19  }
0x9c: {  	s22 =	simm.s32 $0x0;
	s4 =	sshll.u32 s4, $0x1;
	s5 =	sadd.s32 s21, s3  }
0x9d: {  	[timem:s22], [sflag:s6] =	dma.local [hbm:s5], s4  }
0x9e: {  	_ =	swait.ge [sflag:s6], s4  }
0x9f: {  	s4 =	ssub.s32 $0x0, s4;
	[sflag:s6] =	ssyncset.done $0x0  }
0xa0: {  	[sflag:s6] =	ssyncadd.s32 s4;
	_ =	sdelay $0x1  }
0xa1: {  	s23 =	simm.s32 $0x1B8B  }
0xa2: {  	_ =	swait.ge [sflag:s23], $0x1  }
0xa3: {  	[sflag:s23] =	ssyncset.done $0x0  }
0xa4: {  	[sflag:s23] =	ssyncadd.s32 $0xFFFFFFFF  }
0xa5: {  	s4 =	sld [smem:$0x0]  }
0xa6: {  	s5 =	sand.u32 $0xFFFFFFFE, s1  }
0xa7: {  	p0 =	sne.s32 s1, s5  }
0xa8: {  	s5 =	sshll.u32 @p0 s5, $0xE  }
0xa9: {  	s5 =	sadd.s32 @p0 $0x11B8D, s5;
	s6 =	sshll.u32 @p0 s4, $0x11  }
0xaa: {  	s5 =	sor.u32 @p0 s6, s5  }
0xab: {  	[sflag:s5] =	ssyncadd.remote.s32 @p0 $0x1;
	_ =	sdelay $0x1  }
0xac: {  	s5 =	simm.s32 @p0 $0x1B8D  }
0xad: {  	_ =	swait.eq @p0 [sflag:s5], $0x1  }
0xae: {  	[sflag:s5] =	ssyncadd.s32 @p0 $0xFFFFFFFF  }
0xaf: {  	s6 =	sshll.u32 @!p0 s1, $0xE  }
0xb0: {  	s6 =	sor.u32 @!p0 $0x4000, s6;
	s5 =	simm.s32 @!p0 $0x1B8D  }
0xb1: {  	s4 =	sshll.u32 @!p0 s4, $0x11;
	s6 =	sadd.s32 @!p0 $0x11B8D, s6;
	_ =	swait.eq @!p0 [sflag:s5], $0x1  }
0xb2: {  	s4 =	sor.u32 @!p0 s4, s6;
	[sflag:s5] =	ssyncadd.s32 @!p0 $0xFFFFFFFF  }
0xb3: {  	s25 =	simm.s32 $0x1B8E;
	s24 =	sld [smem:$0x3FFE];
	[sflag:s4] =	ssyncadd.remote.s32 @!p0 $0x1  }
0xb4: {  	s26 =	simm.s32 $execute0_lowered;
	[smem:$0x3FD2] =	sst s25  }
0xb5: {  	s5 =	sshll.u32 s26, $0x1;
	_ =	strace $0x8000004F;
	[dreg:$0x1] =	wrdreg $0xFFFFFFFF  }
0xb6: {  	s28 =	simm.s32 $_size_execute0_lowered;
	s3 =	sadd.s32 s3, s5;
	[dreg:$0x0] =	wrdreg $0x0  }
0xb7: {  	s5 =	sshll.u32 s28, $0x1;
	[dreg:$0x2] =	wrdreg s3  }
0xb8: {  	[dreg:$0x3] =	wrdreg s5  }
0xb9: {  	[dreg:$0x4] =	wrdreg $0xC0  }
0xba: {  	_ =	task [dreg:s22], $0x5FFFF  }
0xbb: {  	[dreg:$0x1] =	wrdreg $0xFFFFFFFF  }
0xbc: {  	[dreg:$0x0] =	wrdreg $0x60  }
0xbd: {  	[dreg:$0x2] =	wrdreg s24  }
0xbe: {  	[dreg:$0x3] =	wrdreg $0xC  }
0xbf: {  	_ =	task.clear_ibuf [dreg:s22], $0x4FFFF;
	_ =	strace $0x9000004F  }
0xc0: {  	s29 =	simm.s32 $0xC;
	_ =	strace $0x80000051  }
0xc1: {  	_ =	swait.ge [sflag:s29], $0x1  }
0xc2: {  	[sflag:s29] =	ssyncadd.s32 $0xFFFFFFFF  }
0xc3: {  	_ =	strace $0x90000051  }
0xc4: {  	_ =	sfence  }
0xc5: {  	s30 =	sld [smem:$0x0];
	_ =	sdelay $0x2  }
0xc6: {  	s31 =	sshll.u32 s1, $0xD;
	s1 =	sshrl.u32 s1, $0x2  }
0xc7: {  	s4 =	sand.u32 $0x4000, s31;
	s1 =	sadd.s32 s1, s30  }
0xc8: {  	s0 =	sor.u32 s4, s0;
	s1 =	sshll.u32 s1, $0x11  }
0xc9: {  	s0 =	sor.u32 s1, s0  }
0xca: {  	s0 =	sadd.s32 $0x8F2B, s0  }
0xcb: {  	[sflag:s0] =	ssyncadd.remote.s32 $0x1  }
0xcc: {  	_ =	sfence.sel $0xFFFF  }
0xcd: {  	[dreg:$0x0] =	wrdreg $0xFFFFFFFF;
	(pc) =	sbr.abs _section_cstart, $3  }
0xce: {  	[dreg:$0x1] =	wrdreg $0xFFFFFFFF  }
0xcf: {  	_ =	task.clear_ibuf [dreg:s22], $0x2FFFF;
	_ =	strace $0x9FFFFFFF  }
0xd0: {  	(tm) =	ssettm $0x7FFFFFFF  }
0xd1: {  	_ =	shalt  }
tec
execute0_lowered:
.L_overlay_start_1:
0x0: {  	(tag) =	ssettag $0x1  }
0x1: {  	s0 =	stileid.u32;
	s1 =	srdreg.scid  }
0x2: {  	s4 =	rddreg [dreg:$0x0];
	s9 =	simm.s32 $0x80;
	s10 =	simm.s32 $0x3  }
0x3: {  	s11 =	simm.s32 $0x1;
	s12 =	simm.s32 $0x2;
	s2 =	sshll.u32 s0, $0x1  }
0x4: {  	s3 =	sand.u32 $0x1, s1;
	s29 =	sshrl.u32 s0, $0x1;
	s2 =	sand.u32 $0x2, s2  }
0x5: {  	s13 =	simm.s32 $0x3800;
	s6 =	smul.u32 $0xE000, s29;
	s5 =	sor.u32 s3, s2  }
0x6: {  	s14 =	simm.s32 $0x0;
	s1 =	rddreg [dreg:$0x1];
	s5 =	sshll.u32 s5, $0x5  }
0x7: {  	s30 =	ssub.s32 $0x2, s3;
	s2 =	simm.s32 $0x0;
	s5 =	sor.u32 s6, s5  }
0x8: {  	s3 =	sadd.s32 $0x3A800, s4;
	[smem:$0x7FF] =	sst s2;
	s5 =	sshrl.u32 s5, $0x3  }
0x9: {  	s31 =	sshrl.u32 s30, $0x1;
	_ =	strace $0x80000050;
	s7 =	sadd.s32 s5, s4  }
0xa: {  	s8 =	ssub.s32 s30, s31;
	s4 =	sadd.s32 $0x222E00, s4;
	s5 =	sadd.s32 $0x2C800, s7  }
0xb: {  	s6 =	sadd.s32 $0x341200, s7;
	s7 =	smax.u32 s8, $0x1;
	s8 =	simm.s32 $0x20  }
.LBB2_1:
0xc: {  	[tilespmem:s2], [sflag:$0x3] =	stream.strided.gather [hbm4b:s5+s8], $0x3800, s9, s8, $0x38;
	[tilespmem:$0x7000] =	vst v63  }
0xd: {  	_ =	swait.ge [sflag:s10], $0x3800  }
0xe: {  	[sflag:s10] =	ssyncset.done $0x0  }
0xf: {  	s15 =	simm.s32 $0x0;
	[sflag:s10] =	ssyncadd.s32 $0xFFFFC800  }
.LBB2_2:
0x10: {  	p0 =	sne.s32 s15, $0xCF80  }
.Ltmp0:
0x11: {  	_ = 	snop;
	(pc) =	sbr.rel @p0 .LBB2_2-.Ltmp0, $4  }
0x12: {  	_ = 	snop  }
0x13: {  	s16 =	sshra.s32 s15, $0x2  }
0x14: {  	s15 =	sadd.s32 $0x80, s15;
	s17 =	sadd.s32 $0x3800, s16  }
0x15: {  	[tilespmem:s17], [sflag:$0x1] =	stream.indirect.gather [hbm4b:s3+s8], $0x1, s16, s8, $0xb8;
	[tilespmem:$0x7000] =	vst v63  }
0x16: {  	s15 =	simm.s32 $0x0  }
.LBB2_4:
0x17: {  	p0 =	sne.s32 s15, $0xC80  }
.Ltmp1:
0x18: {  	_ = 	snop;
	(pc) =	sbr.rel @p0 .LBB2_4-.Ltmp1, $4  }
0x19: {  	_ = 	snop  }
0x1a: {  	s16 =	sshra.s32 s15, $0x2  }
0x1b: {  	s15 =	sadd.s32 $0x80, s15;
	s17 =	sadd.s32 $0x6C00, s16;
	s16 =	sadd.s32 $0x3400, s16  }
0x1c: {  	[tilespmem:s17], [sflag:$0x2] =	stream.indirect.gather [hbm4b:s4+s8], $0x1, s16, s8, $0xb8;
	[tilespmem:$0x7000] =	vst v63  }
0x1d: {  	_ =	swait.ge [sflag:s11], $0x20  }
0x1e: {  	s15 =	simm.s32 $0x19F;
	[sflag:s11] =	ssyncset.done $0x0  }
.LBB2_6:
0x1f: {  	p0 =	sne.s32 s15, $0x1;
	s15 =	sadd.s32 $0xFFFFFFFF, s15;
	[sflag:s11] =	ssyncadd.s32 $0xFFFFFFE0  }
.Ltmp2:
0x20: {  	(pc) =	sbr.rel @p0 .LBB2_6-.Ltmp2, $3  }
0x21: {  	_ =	sdelay $0x1  }
0x22: {  	_ =	swait.ge [sflag:s11], $0x20  }
0x23: {  	[sflag:s11] =	ssyncset.done $0x0  }
0x24: {  	[sflag:s11] =	ssyncadd.s32 $0xFFFFFFE0  }
0x25: {  	_ =	swait.ge [sflag:s12], $0x20  }
0x26: {  	[sflag:s12] =	ssyncset.done $0x0  }
0x27: {  	[sflag:s12] =	ssyncadd.s32 $0xFFFFFFE0  }
0x28: {  	_ =	swait.ge [sflag:s12], $0x20  }
0x29: {  	[sflag:s12] =	ssyncset.done $0x0  }
0x2a: {  	[sflag:s12] =	ssyncadd.s32 $0xFFFFFFE0  }
0x2b: {  	_ =	swait.ge [sflag:s12], $0x20  }
0x2c: {  	[sflag:s12] =	ssyncset.done $0x0  }
0x2d: {  	[sflag:s12] =	ssyncadd.s32 $0xFFFFFFE0  }
0x2e: {  	_ =	swait.ge [sflag:s12], $0x20  }
0x2f: {  	[sflag:s12] =	ssyncset.done $0x0  }
0x30: {  	[sflag:s12] =	ssyncadd.s32 $0xFFFFFFE0  }
0x31: {  	_ =	swait.ge [sflag:s12], $0x20  }
0x32: {  	[sflag:s12] =	ssyncset.done $0x0  }
0x33: {  	[sflag:s12] =	ssyncadd.s32 $0xFFFFFFE0  }
0x34: {  	_ =	swait.ge [sflag:s12], $0x20  }
0x35: {  	[sflag:s12] =	ssyncset.done $0x0  }
0x36: {  	[sflag:s12] =	ssyncadd.s32 $0xFFFFFFE0  }
0x37: {  	_ =	swait.ge [sflag:s12], $0x20  }
0x38: {  	[sflag:s12] =	ssyncset.done $0x0  }
0x39: {  	[sflag:s12] =	ssyncadd.s32 $0xFFFFFFE0  }
0x3a: {  	_ =	swait.ge [sflag:s12], $0x20  }
0x3b: {  	[sflag:s12] =	ssyncset.done $0x0  }
0x3c: {  	[sflag:s12] =	ssyncadd.s32 $0xFFFFFFE0  }
0x3d: {  	_ =	swait.ge [sflag:s12], $0x20  }
0x3e: {  	[sflag:s12] =	ssyncset.done $0x0  }
0x3f: {  	[sflag:s12] =	ssyncadd.s32 $0xFFFFFFE0  }
0x40: {  	_ =	swait.ge [sflag:s12], $0x20  }
0x41: {  	[sflag:s12] =	ssyncset.done $0x0  }
0x42: {  	[sflag:s12] =	ssyncadd.s32 $0xFFFFFFE0  }
0x43: {  	_ =	swait.ge [sflag:s12], $0x20  }
0x44: {  	[sflag:s12] =	ssyncset.done $0x0  }
0x45: {  	[sflag:s12] =	ssyncadd.s32 $0xFFFFFFE0  }
0x46: {  	_ =	swait.ge [sflag:s12], $0x20  }
0x47: {  	[sflag:s12] =	ssyncset.done $0x0  }
0x48: {  	[sflag:s12] =	ssyncadd.s32 $0xFFFFFFE0  }
0x49: {  	_ =	swait.ge [sflag:s12], $0x20  }
0x4a: {  	[sflag:s12] =	ssyncset.done $0x0  }
0x4b: {  	[sflag:s12] =	ssyncadd.s32 $0xFFFFFFE0  }
0x4c: {  	_ =	swait.ge [sflag:s12], $0x20  }
0x4d: {  	[sflag:s12] =	ssyncset.done $0x0  }
0x4e: {  	[sflag:s12] =	ssyncadd.s32 $0xFFFFFFE0  }
0x4f: {  	_ =	swait.ge [sflag:s12], $0x20  }
0x50: {  	[sflag:s12] =	ssyncset.done $0x0  }
0x51: {  	[sflag:s12] =	ssyncadd.s32 $0xFFFFFFE0  }
0x52: {  	_ =	swait.ge [sflag:s12], $0x20  }
0x53: {  	[sflag:s12] =	ssyncset.done $0x0  }
0x54: {  	[sflag:s12] =	ssyncadd.s32 $0xFFFFFFE0  }
0x55: {  	_ =	swait.ge [sflag:s12], $0x20  }
0x56: {  	[sflag:s12] =	ssyncset.done $0x0  }
0x57: {  	[sflag:s12] =	ssyncadd.s32 $0xFFFFFFE0  }
0x58: {  	_ =	swait.ge [sflag:s12], $0x20  }
0x59: {  	[sflag:s12] =	ssyncset.done $0x0  }
0x5a: {  	[sflag:s12] =	ssyncadd.s32 $0xFFFFFFE0  }
0x5b: {  	_ =	swait.ge [sflag:s12], $0x20  }
0x5c: {  	[sflag:s12] =	ssyncset.done $0x0  }
0x5d: {  	[sflag:s12] =	ssyncadd.s32 $0xFFFFFFE0  }
0x5e: {  	_ =	swait.ge [sflag:s12], $0x20  }
0x5f: {  	[sflag:s12] =	ssyncset.done $0x0  }
0x60: {  	[sflag:s12] =	ssyncadd.s32 $0xFFFFFFE0  }
0x61: {  	_ =	swait.ge [sflag:s12], $0x20  }
0x62: {  	[sflag:s12] =	ssyncset.done $0x0  }
0x63: {  	[sflag:s12] =	ssyncadd.s32 $0xFFFFFFE0  }
0x64: {  	_ =	swait.ge [sflag:s12], $0x20  }
0x65: {  	[sflag:s12] =	ssyncset.done $0x0  }
0x66: {  	[sflag:s12] =	ssyncadd.s32 $0xFFFFFFE0  }
0x67: {  	_ =	swait.ge [sflag:s12], $0x20  }
0x68: {  	[sflag:s12] =	ssyncset.done $0x0  }
0x69: {  	[sflag:s12] =	ssyncadd.s32 $0xFFFFFFE0  }
0x6a: {  	_ =	swait.ge [sflag:s12], $0x20  }
0x6b: {  	[sflag:s12] =	ssyncset.done $0x0  }
0x6c: {  	[sflag:s12] =	ssyncadd.s32 $0xFFFFFFE0  }
0x6d: {  	_ =	swait.ge [sflag:s12], $0x20  }
0x6e: {  	[sflag:s12] =	ssyncset.done $0x0  }
0x6f: {  	[sflag:s12] =	ssyncadd.s32 $0xFFFFFFE0  }
0x70: {  	s14 =	sadd.s32 $0x1, s14;
	_ =	swait.ge [sflag:s12], $0x20  }
0x71: {  	p0 =	sne.s32 s14, s7;
	[sflag:s12] =	ssyncset.done $0x0  }
.Ltmp3:
0x72: {  	[sflag:s12] =	ssyncadd.s32 $0xFFFFFFE0;
	(pc) =	sbr.rel @p0 .LBB2_1-.Ltmp3, $4  }
0x73: {  	[hbm4b:s6+s8] =	stream.strided.scatter [tilespmem:s13], [sflag:$0x3], $0x3800, s9, s8, $0x38;
	[tilespmem:$0x7000] =	vst v63  }
0x74: {  	_ =	swait.ge [sflag:s10], $0x3800  }
0x75: {  	[sflag:s10] =	ssyncset.done $0x0  }
0x76: {  	[sflag:s10] =	ssyncadd.s32 $0xFFFFC800  }
0x77: {  	_ =	sfence.sel $0x180000  }
0x78: {  	[bflag:$0x0] =	sbarrier.arrive $0xFFFF  }
0x79: {  	p0 =	sne.s32 s0, $0x0;
	_ =	strace $0x90000050  }
0x7a: {  	s0 =	sadd.s32 @!p0 $0x100000, s1;
	[bflag:$0x2] =	sbarrier.arrive $0xFFFF  }
0x7b: {  	[sflag:s0] =	ssyncadd.tile.s32 @!p0 $0x1;
	_ =	shalt  }
.Lfunc_end2:
_tile_overlayer_lowered:
.L_overlay_start_2:
0x7c: {  	(tag) =	ssettag $0x2  }
0x7d: {  	s0 =	rddreg [dreg:$0x0];
	s2 =	stileid.u32  }
0x7e: {  	s1 =	rddreg [dreg:$0x1];
	p0 =	sne.s32 s2, $0x0  }
0x7f: {  	s3 =	rddreg [dreg:$0x2];
	[bflag:$0x3] =	sbarrier.arrive $0xFFFF;
	s2 =	simm.s32 @!p0 $0x1C03  }
0x80: {  	[timem:s3], [sflag:s2] =	dma.local @!p0 [hbm:s0], s1  }
0x81: {  	s0 =	simm.s32 @!p0 $0x3  }
0x82: {  	_ =	swait.ge @!p0 [sflag:s0], s1  }
0x83: {  	s1 =	ssub.s32 @!p0 $0x0, s1;
	[sflag:s0] =	ssyncset.done @!p0 $0x0  }
0x84: {  	[sflag:s0] =	ssyncadd.s32 @!p0 s1  }
0x85: {  	[bflag:$0x3] =	sbarrier.arrive $0xFFFF  }
0x86: {  	_ =	shalt  }

</sc_bundles>
